<compile_context>
chip_gen: v7x
topology: tpu7x:2x2x1
jax: 0.10.2.dev20260603
libtpu: 0.0.44.dev20260713+nightly
codegen_flags: <defaults>
</compile_context>

<pallas_src>
import jax
import jax.numpy as jnp
from jax import lax
from jax.experimental import pallas as pl
from jax.experimental.pallas import tpu as pltpu
from jax.experimental.pallas import tpu_sc as plsc

N = 10000
NP = 10240
E = 320000
D = 128
B = 4096

NC = 2
NS = 16
NW = NC * NS
EPT = E // NW
CH = 125
NCH = EPT // CH
NH = 2
HC = NCH // NH
DW = 4
RPT = NP // NS
BPT = B // NW

_MESH = plsc.VectorSubcoreMesh(core_axis_name="c", subcore_axis_name="s",
                               num_cores=NC, num_subcores=NS)



def _deg_body(dst_hbm, ones_hbm, zeros_hbm, out_hbm, degacc, dstv, ones_buf,
              dsem):
    cid = lax.axis_index("c")
    sid = lax.axis_index("s")
    wid = sid * NC + cid
    pltpu.sync_copy(dst_hbm.at[wid], dstv)
    pltpu.sync_copy(ones_hbm, ones_buf)
    pltpu.sync_copy(zeros_hbm.at[pl.ds(sid * RPT, RPT)],
                    degacc.at[pl.ds(sid * RPT, RPT)])
    plsc.subcore_barrier()

    def add_body(j, _):
        pltpu.async_copy(ones_buf, degacc.at[dstv.at[j]], dsem, add=True)

        @pl.when(j >= DW)
        def _():
            pltpu.make_async_copy(ones_buf, degacc.at[dstv.at[0]], dsem).wait()

        return 0

    lax.fori_loop(0, NCH, add_body, 0)
    for _ in range(DW):
        pltpu.make_async_copy(ones_buf, degacc.at[dstv.at[0]], dsem).wait()
    plsc.subcore_barrier()
    pltpu.sync_copy(degacc.at[pl.ds(sid * RPT, RPT)],
                    out_hbm.at[cid].at[pl.ds(sid * RPT, RPT)])


def _agg_body(g_hbm, src_hbm, dst_hbm, zeros_hbm, out_hbm,
              acc, srcv, dstv, rows0, rows1, sem0, sem1):
    cid = lax.axis_index("c")
    sid = lax.axis_index("s")
    wid = sid * NC + cid
    pltpu.sync_copy(zeros_hbm.at[pl.ds(sid * RPT, RPT)],
                    acc.at[pl.ds(sid * RPT, RPT)])
    plsc.subcore_barrier()

    for h in range(NH):
        pltpu.sync_copy(src_hbm.at[wid].at[h], srcv)
        pltpu.sync_copy(dst_hbm.at[wid].at[h], dstv)
        pltpu.async_copy(g_hbm.at[srcv.at[0]], rows0, sem0)

        def pair_body(k, _):
            pltpu.async_copy(g_hbm.at[srcv.at[2 * k + 1]], rows1, sem1)
            pltpu.make_async_copy(g_hbm.at[srcv.at[2 * k]], rows0, sem0).wait()
            pltpu.sync_copy(rows0, acc.at[dstv.at[2 * k]], add=True)

            @pl.when(k < HC // 2 - 1)
            def _():
                pltpu.async_copy(g_hbm.at[srcv.at[2 * k + 2]], rows0, sem0)

            pltpu.make_async_copy(g_hbm.at[srcv.at[2 * k + 1]], rows1,
                                  sem1).wait()
            pltpu.sync_copy(rows1, acc.at[dstv.at[2 * k + 1]], add=True)
            return 0

        lax.fori_loop(0, HC // 2, pair_body, 0)
    plsc.subcore_barrier()
    pltpu.sync_copy(acc.at[pl.ds(sid * RPT, RPT)],
                    out_hbm.at[cid].at[pl.ds(sid * RPT, RPT)])


def _tgt_gather_body(tab_hbm, idx_hbm, out_hbm, idxv, rows, sem):
    cid = lax.axis_index("c")
    sid = lax.axis_index("s")
    wid = sid * NC + cid
    base = wid * BPT
    pltpu.sync_copy(idx_hbm.at[pl.ds(base, BPT)], idxv)
    pltpu.async_copy(tab_hbm.at[idxv], rows, sem).wait()
    pltpu.sync_copy(rows, out_hbm.at[pl.ds(base, BPT)])


_DEG_SCRATCH = [
    pltpu.VMEM_SHARED((NP, D), jnp.float32),
    pltpu.VMEM((NCH, CH), jnp.int32),
    pltpu.VMEM((CH, D), jnp.float32),
    pltpu.SemaphoreType.DMA,
]
_AGG_SCRATCH = [
    pltpu.VMEM_SHARED((NP, D), jnp.float32),
    pltpu.VMEM((HC, CH), jnp.int32),
    pltpu.VMEM((HC, CH), jnp.int32),
    pltpu.VMEM((CH, D), jnp.float32),
    pltpu.VMEM((CH, D), jnp.float32),
    pltpu.SemaphoreType.DMA,
    pltpu.SemaphoreType.DMA,
]
_TGT_SCRATCH = [
    pltpu.VMEM((BPT,), jnp.int32),
    pltpu.VMEM((BPT, D), jnp.float32),
    pltpu.SemaphoreType.DMA,
]

_deg_kernel = pl.kernel(
    _deg_body, out_type=jax.ShapeDtypeStruct((NC, NP, D), jnp.float32),
    mesh=_MESH, scratch_types=_DEG_SCRATCH)
_agg_kernel = pl.kernel(
    _agg_body, out_type=jax.ShapeDtypeStruct((NC, NP, D), jnp.float32),
    mesh=_MESH, scratch_types=_AGG_SCRATCH)
_tgt_gather_kernel = pl.kernel(
    _tgt_gather_body, out_type=jax.ShapeDtypeStruct((B, D), jnp.float32),
    mesh=_MESH, scratch_types=_TGT_SCRATCH)



RB = 1024
GN = NP // RB
FB = 1024
GF = B // FB


def _mm_body(x_ref, w_ref, out_ref):
    out_ref[...] = jnp.dot(x_ref[...], w_ref[...],
                           preferred_element_type=jnp.float32)


_mm_call = pl.pallas_call(
    _mm_body,
    grid=(GN,),
    in_specs=[
        pl.BlockSpec((RB, D), lambda i: (i, 0)),
        pl.BlockSpec((D, D), lambda i: (0, 0)),
    ],
    out_specs=pl.BlockSpec((RB, D), lambda i: (i, 0)),
    out_shape=jax.ShapeDtypeStruct((NP, D), jnp.float32),
)


def _scale_body(h_ref, degp_ref, g0_ref, dinvb_ref):
    dinv = lax.rsqrt(degp_ref[0] + degp_ref[1] + 1.0)
    dinvb_ref[...] = dinv
    g0_ref[...] = h_ref[...] * dinv


_scale_call = pl.pallas_call(
    _scale_body,
    grid=(GN,),
    in_specs=[
        pl.BlockSpec((RB, D), lambda i: (i, 0)),
        pl.BlockSpec((NC, RB, D), lambda i: (0, i, 0)),
    ],
    out_specs=[
        pl.BlockSpec((RB, D), lambda i: (i, 0)),
        pl.BlockSpec((RB, D), lambda i: (i, 0)),
    ],
    out_shape=[
        jax.ShapeDtypeStruct((NP, D), jnp.float32),
        jax.ShapeDtypeStruct((NP, D), jnp.float32),
    ],
)


def _stats_body(p_ref, g_ref, dinvb_ref, b_ref, out_ref, sum_ref, sq_ref):
    @pl.when(pl.program_id(0) == 0)
    def _():
        sum_ref[...] = jnp.zeros_like(sum_ref)
        sq_ref[...] = jnp.zeros_like(sq_ref)

    val = (p_ref[0] + p_ref[1] + g_ref[...]) * dinvb_ref[...] + b_ref[...]
    out_ref[...] = val
    row = (pl.program_id(0) * RB
           + lax.broadcasted_iota(jnp.int32, (RB, D), 0))
    vm = jnp.where(row < N, val, 0.0)
    sum_ref[...] += jnp.sum(vm, axis=0, keepdims=True)
    sq_ref[...] += jnp.sum(vm * vm, axis=0, keepdims=True)


_stats_call = pl.pallas_call(
    _stats_body,
    grid=(GN,),
    in_specs=[
        pl.BlockSpec((NC, RB, D), lambda i: (0, i, 0)),
        pl.BlockSpec((RB, D), lambda i: (i, 0)),
        pl.BlockSpec((RB, D), lambda i: (i, 0)),
        pl.BlockSpec((1, D), lambda i: (0, 0)),
    ],
    out_specs=[
        pl.BlockSpec((RB, D), lambda i: (i, 0)),
        pl.BlockSpec((1, D), lambda i: (0, 0)),
        pl.BlockSpec((1, D), lambda i: (0, 0)),
    ],
    out_shape=[
        jax.ShapeDtypeStruct((NP, D), jnp.float32),
        jax.ShapeDtypeStruct((1, D), jnp.float32),
        jax.ShapeDtypeStruct((1, D), jnp.float32),
    ],
)


def _bn_mm_body(x_ref, sum_ref, sq_ref, gamma_ref, beta_ref, w_ref,
                dinvb_ref, out_ref):
    mean = sum_ref[...] / N
    var = sq_ref[...] / N - mean * mean
    scale = gamma_ref[...] * lax.rsqrt(var + 1e-5)
    shift = beta_ref[...] - mean * scale
    h = jnp.maximum(x_ref[...] * scale + shift, 0.0)
    out_ref[...] = jnp.dot(h, w_ref[...],
                           preferred_element_type=jnp.float32) * dinvb_ref[...]


_bn_mm_call = pl.pallas_call(
    _bn_mm_body,
    grid=(GN,),
    in_specs=[
        pl.BlockSpec((RB, D), lambda i: (i, 0)),
        pl.BlockSpec((1, D), lambda i: (0, 0)),
        pl.BlockSpec((1, D), lambda i: (0, 0)),
        pl.BlockSpec((1, D), lambda i: (0, 0)),
        pl.BlockSpec((1, D), lambda i: (0, 0)),
        pl.BlockSpec((D, D), lambda i: (0, 0)),
        pl.BlockSpec((RB, D), lambda i: (i, 0)),
    ],
    out_specs=pl.BlockSpec((RB, D), lambda i: (i, 0)),
    out_shape=jax.ShapeDtypeStruct((NP, D), jnp.float32),
)


def _out1_body(p_ref, g_ref, dinvb_ref, b_ref, out_ref):
    out_ref[...] = ((p_ref[0] + p_ref[1] + g_ref[...]) * dinvb_ref[...]
                    + b_ref[...])


_out1_call = pl.pallas_call(
    _out1_body,
    grid=(GN,),
    in_specs=[
        pl.BlockSpec((NC, RB, D), lambda i: (0, i, 0)),
        pl.BlockSpec((RB, D), lambda i: (i, 0)),
        pl.BlockSpec((RB, D), lambda i: (i, 0)),
        pl.BlockSpec((1, D), lambda i: (0, 0)),
    ],
    out_specs=pl.BlockSpec((RB, D), lambda i: (i, 0)),
    out_shape=jax.ShapeDtypeStruct((NP, D), jnp.float32),
)


def _ffn_body(x_ref, w1_ref, b1_ref, w2_ref, b2_ref, out_ref):
    f = jnp.maximum(
        jnp.dot(x_ref[...], w1_ref[...], preferred_element_type=jnp.float32)
        + b1_ref[...], 0.0)
    out_ref[...] = (
        jnp.dot(f, w2_ref[...], preferred_element_type=jnp.float32)
        + b2_ref[...])


_ffn_call = pl.pallas_call(
    _ffn_body,
    grid=(GF,),
    in_specs=[
        pl.BlockSpec((FB, D), lambda i: (i, 0)),
        pl.BlockSpec((D, D), lambda i: (0, 0)),
        pl.BlockSpec((1, D), lambda i: (0, 0)),
        pl.BlockSpec((D, D), lambda i: (0, 0)),
        pl.BlockSpec((1, D), lambda i: (0, 0)),
    ],
    out_specs=pl.BlockSpec((FB, D), lambda i: (i, 0)),
    out_shape=jax.ShapeDtypeStruct((B, D), jnp.float32),
)



def kernel(x, edge_index, target_index, W0, b0, gamma0, beta0, W1, b1,
           Wf1, bf1, Wf2, bf2):
    ei = edge_index.astype(jnp.int32)
    src4 = ei[0].reshape(NW, NH, HC, CH)
    dst3 = ei[1].reshape(NW, NCH, CH)
    dst4 = ei[1].reshape(NW, NH, HC, CH)
    tgt = target_index.astype(jnp.int32)
    xp = jnp.pad(x, ((0, NP - N), (0, 0)))
    b0r = b0.reshape(1, D)
    b1r = b1.reshape(1, D)
    gammar = gamma0.reshape(1, D)
    betar = beta0.reshape(1, D)
    bf1r = bf1.reshape(1, D)
    bf2r = bf2.reshape(1, D)

    zeros = jnp.zeros((NP, D), jnp.float32)

    ones_rows = jnp.ones((CH, D), jnp.float32)
    degp = _deg_kernel(dst3, ones_rows, zeros)
    h0 = _mm_call(xp, W0)
    g0, dinvb = _scale_call(h0, degp)
    p0 = _agg_kernel(g0, src4, dst4, zeros)
    out0, s_sum, s_sq = _stats_call(p0, g0, dinvb, b0r)
    g1 = _bn_mm_call(out0, s_sum, s_sq, gammar, betar, W1, dinvb)
    p1 = _agg_kernel(g1, src4, dst4, zeros)
    out1 = _out1_call(p1, g1, dinvb, b1r)
    pooled = _tgt_gather_kernel(out1, tgt)
    return _ffn_call(pooled, Wf1, bf1r, Wf2, bf2r)

# --- scband reference (transcript-rebuilt; emitter-appended) ---
"""Pipeline reference for scband-gnnencoder-5566277616090 (READ-ONLY COPY).

The authoritative reference and input builder live on the scoring server;
editing this copy changes nothing except your own understanding.
"""

import jax, jax.numpy as jnp
import numpy as np

N_NODES = 10000
N_EDGES = 320000
D = 128
B = 4096


def setup_inputs(seed: int = 0) -> dict:
    key = jax.random.key(seed)
    ks = [jax.random.fold_in(key, i) for i in range(16)]
    x = jax.random.normal(ks[0], (N_NODES, D), dtype=jnp.float32)
    edge_index = jax.random.randint(ks[1], (2, N_EDGES), 0, N_NODES, dtype=jnp.int64)
    target_index = jax.random.randint(ks[2], (B,), 0, N_NODES, dtype=jnp.int64)
    s = 1.0 / jnp.sqrt(D)
    W0 = jax.random.uniform(ks[3], (D, D), jnp.float32, -s, s)
    b0 = jax.random.uniform(ks[4], (D,), jnp.float32, -s, s)
    gamma0 = jnp.ones((D,), jnp.float32)
    beta0 = jnp.zeros((D,), jnp.float32)
    W1 = jax.random.uniform(ks[5], (D, D), jnp.float32, -s, s)
    b1 = jax.random.uniform(ks[6], (D,), jnp.float32, -s, s)
    Wf1 = jax.random.uniform(ks[7], (D, D), jnp.float32, -s, s)
    bf1 = jax.random.uniform(ks[8], (D,), jnp.float32, -s, s)
    Wf2 = jax.random.uniform(ks[9], (D, D), jnp.float32, -s, s)
    bf2 = jax.random.uniform(ks[10], (D,), jnp.float32, -s, s)
    return {"x": x, "edge_index": edge_index, "target_index": target_index,
            "W0": W0, "b0": b0, "gamma0": gamma0, "beta0": beta0,
            "W1": W1, "b1": b1, "Wf1": Wf1, "bf1": bf1, "Wf2": Wf2, "bf2": bf2}


def _gcn_conv(x, edge_index, W, b):
    # PyG GCNConv with add_self_loops=True, symmetric normalization
    N = x.shape[0]
    loop = jnp.arange(N, dtype=edge_index.dtype)
    src = jnp.concatenate([edge_index[0], loop])
    dst = jnp.concatenate([edge_index[1], loop])
    ones = jnp.ones(src.shape[0], dtype=x.dtype)
    deg = jax.ops.segment_sum(ones, dst, num_segments=N)
    dinv = jnp.where(deg > 0, jax.lax.rsqrt(deg), 0.0)
    norm = dinv[src] * dinv[dst]
    h = x @ W
    msg = h[src] * norm[:, None]
    out = jax.ops.segment_sum(msg, dst, num_segments=N)
    return out + b


def _batch_norm(x, gamma, beta, eps=1e-5):
    mean = jnp.mean(x, axis=0)
    var = jnp.mean((x - mean) ** 2, axis=0)
    return (x - mean) * jax.lax.rsqrt(var + eps) * gamma + beta


def reference(x, edge_index, target_index, W0, b0, gamma0, beta0, W1, b1, Wf1, bf1, Wf2, bf2):
    # layer 0: GCNConv -> BN -> ReLU
    h = _gcn_conv(x, edge_index, W0, b0)
    h = _batch_norm(h, gamma0, beta0)
    h = jax.nn.relu(h)
    # final layer: GCNConv
    h = _gcn_conv(h, edge_index, W1, b1)
    # target gather: target_index [B] -> [B,1] -> gather -> pool squeezes (size(1)==1)
    pooled = h[target_index]
    # FeedForwardNetwork: Linear -> ReLU -> Dropout(0) -> Linear
    f = jax.nn.relu(pooled @ Wf1 + bf1)
    out = f @ Wf2 + bf2
    return out

if __name__ == "__main__":
    import jax
    _d = setup_inputs()
    print(jax.jit(kernel)(*tuple(_d.values())))

</pallas_src>

<mosaic_0001>
#map = affine_map<(d0, d1) -> (0, 0)>
#map1 = affine_map<(d0, d1) -> (0, 0, 0, 0)>
#map2 = affine_map<(d0, d1) -> (0, 0, 0)>
module attributes {stable_mosaic.version = 14 : i64} {
  func.func @_agg_body(%arg0: i32, %arg1: i32, %arg2: memref<10240x128xf32, #tpu.memory_space<hbm>>, %arg3: memref<32x2x40x125xi32, #tpu.memory_space<hbm>>, %arg4: memref<32x2x40x125xi32, #tpu.memory_space<hbm>>, %arg5: memref<10240x128xf32, #tpu.memory_space<hbm>>, %arg6: memref<2x10240x128xf32, #tpu.memory_space<hbm>>, %arg7: memref<10240x128xf32, #tpu.memory_space<vmem_shared>>, %arg8: memref<40x125xi32, #tpu.memory_space<vmem>>, %arg9: memref<40x125xi32, #tpu.memory_space<vmem>>, %arg10: memref<125x128xf32, #tpu.memory_space<vmem>>, %arg11: memref<125x128xf32, #tpu.memory_space<vmem>>, %arg12: memref<!tpu.dma_semaphore, #tpu.memory_space<semaphore_mem>>, %arg13: memref<!tpu.dma_semaphore, #tpu.memory_space<semaphore_mem>>) attributes {dimension_semantics = [#tpu.dimension_semantics<core_parallel>, #tpu.dimension_semantics<subcore_parallel>], iteration_bounds = array<i64: 2, 16>, scalar_prefetch = 0 : i64, scratch_operands = 7 : i64, tpu.core_type = #tpu.core_type<sc_vector_subcore>, window_params = [{transform_indices = #map}, {transform_indices = #map1}, {transform_indices = #map1}, {transform_indices = #map}, {transform_indices = #map2}]} {
    %mul3A = arith.constant 2 : i32
    %mul3A_0 = arith.muli %arg1, %mul3A : i32
    %add3A = arith.addi %mul3A_0, %arg0 : i32
    %mul3A_1 = arith.constant 640 : i32
    %mul3A_2 = arith.muli %arg1, %mul3A_1 : i32
    %mul3A_3 = arith.constant 640 : i32
    %mul3A_4 = arith.muli %arg1, %mul3A_3 : i32
    "tpu.region"() ({
      %run_scoped3A_39 = tpu.sem_alloc : memref<!tpu.dma_semaphore, #tpu.memory_space<semaphore_mem>>
      %dma_start3A_40 = arith.constant 0 : i32
      %dma_start3A_41 = tpu.memref_slice %arg7[%mul3A_4, %dma_start3A_40] : memref<10240x128xf32, #tpu.memory_space<vmem_shared>> -> memref<640x128xf32, #tpu.memory_space<vmem_shared>>
      %dma_start3A_42 = arith.constant 0 : i32
      %dma_start3A_43 = tpu.memref_slice %arg5[%mul3A_2, %dma_start3A_42] : memref<10240x128xf32, #tpu.memory_space<hbm>> -> memref<640x128xf32, #tpu.memory_space<hbm>>
      tpu.enqueue_dma source(%dma_start3A_43 : memref<640x128xf32, #tpu.memory_space<hbm>>) target(%dma_start3A_41 : memref<640x128xf32, #tpu.memory_space<vmem_shared>>) target_semaphore(%run_scoped3A_39 : memref<!tpu.dma_semaphore, #tpu.memory_space<semaphore_mem>>)
      %dma_wait3A = arith.constant 0 : i32
      %dma_wait3A_44 = tpu.memref_slice %arg7[%mul3A_4, %dma_wait3A] : memref<10240x128xf32, #tpu.memory_space<vmem_shared>> -> memref<640x128xf32, #tpu.memory_space<vmem_shared>>
      %dma_wait3A_45 = arith.constant 0 : i32
      %dma_wait3A_46 = tpu.memref_slice %arg5[%mul3A_2, %dma_wait3A_45] : memref<10240x128xf32, #tpu.memory_space<hbm>> -> memref<640x128xf32, #tpu.memory_space<hbm>>
      tpu.wait_dma2 semaphore(%run_scoped3A_39 : memref<!tpu.dma_semaphore, #tpu.memory_space<semaphore_mem>>) src(%dma_wait3A_46 : memref<640x128xf32, #tpu.memory_space<hbm>>) dst(%dma_wait3A_44 : memref<640x128xf32, #tpu.memory_space<vmem_shared>>)
      tpu.yield
    }) : () -> ()
    %barrier3A = arith.constant 0 : index
    tpu.barrier barrier_id(%barrier3A)
    %run_scoped3A = arith.constant 0 : i32
    "tpu.region"() ({
      %run_scoped3A_39 = tpu.sem_alloc : memref<!tpu.dma_semaphore, #tpu.memory_space<semaphore_mem>>
      %dma_start3A_40 = arith.constant 0 : i32
      %dma_start3A_41 = arith.constant 0 : i32
      %dma_start3A_42 = arith.constant 0 : i32
      %dma_start3A_43 = tpu.memref_slice %arg3[%add3A, %dma_start3A_40, %dma_start3A_41, %dma_start3A_42] : memref<32x2x40x125xi32, #tpu.memory_space<hbm>> -> memref<1x2x40x125xi32, #tpu.memory_space<hbm>>
      %dma_start3A_44 = tpu.memref_squeeze %dma_start3A_43 : memref<1x2x40x125xi32, #tpu.memory_space<hbm>> -> memref<2x40x125xi32, #tpu.memory_space<hbm>>
      %dma_start3A_45 = arith.constant 0 : i32
      %dma_start3A_46 = arith.constant 0 : i32
      %dma_start3A_47 = tpu.memref_slice %dma_start3A_44[%run_scoped3A, %dma_start3A_45, %dma_start3A_46] : memref<2x40x125xi32, #tpu.memory_space<hbm>> -> memref<1x40x125xi32, #tpu.memory_space<hbm>>
      %dma_start3A_48 = tpu.memref_squeeze %dma_start3A_47 : memref<1x40x125xi32, #tpu.memory_space<hbm>> -> memref<40x125xi32, #tpu.memory_space<hbm>>
      %dma_start3A_49 = arith.constant 0 : i32
      %dma_start3A_50 = arith.constant 0 : i32
      %dma_start3A_51 = arith.constant 0 : i32
      %dma_start3A_52 = tpu.memref_slice %arg3[%add3A, %dma_start3A_49, %dma_start3A_50, %dma_start3A_51] : memref<32x2x40x125xi32, #tpu.memory_space<hbm>> -> memref<1x2x40x125xi32, #tpu.memory_space<hbm>>
      %dma_start3A_53 = tpu.memref_squeeze %dma_start3A_52 : memref<1x2x40x125xi32, #tpu.memory_space<hbm>> -> memref<2x40x125xi32, #tpu.memory_space<hbm>>
      %dma_start3A_54 = arith.constant 0 : i32
      %dma_start3A_55 = arith.constant 0 : i32
      %dma_start3A_56 = tpu.memref_slice %dma_start3A_53[%run_scoped3A, %dma_start3A_54, %dma_start3A_55] : memref<2x40x125xi32, #tpu.memory_space<hbm>> -> memref<1x40x125xi32, #tpu.memory_space<hbm>>
      %dma_start3A_57 = tpu.memref_squeeze %dma_start3A_56 : memref<1x40x125xi32, #tpu.memory_space<hbm>> -> memref<40x125xi32, #tpu.memory_space<hbm>>
      tpu.enqueue_dma source(%dma_start3A_57 : memref<40x125xi32, #tpu.memory_space<hbm>>) target(%arg8 : memref<40x125xi32, #tpu.memory_space<vmem>>) target_semaphore(%run_scoped3A_39 : memref<!tpu.dma_semaphore, #tpu.memory_space<semaphore_mem>>)
      %dma_wait3A = arith.constant 0 : i32
      %dma_wait3A_58 = arith.constant 0 : i32
      %dma_wait3A_59 = arith.constant 0 : i32
      %dma_wait3A_60 = tpu.memref_slice %arg3[%add3A, %dma_wait3A, %dma_wait3A_58, %dma_wait3A_59] : memref<32x2x40x125xi32, #tpu.memory_space<hbm>> -> memref<1x2x40x125xi32, #tpu.memory_space<hbm>>
      %dma_wait3A_61 = tpu.memref_squeeze %dma_wait3A_60 : memref<1x2x40x125xi32, #tpu.memory_space<hbm>> -> memref<2x40x125xi32, #tpu.memory_space<hbm>>
      %dma_wait3A_62 = arith.constant 0 : i32
      %dma_wait3A_63 = arith.constant 0 : i32
      %dma_wait3A_64 = tpu.memref_slice %dma_wait3A_61[%run_scoped3A, %dma_wait3A_62, %dma_wait3A_63] : memref<2x40x125xi32, #tpu.memory_space<hbm>> -> memref<1x40x125xi32, #tpu.memory_space<hbm>>
      %dma_wait3A_65 = tpu.memref_squeeze %dma_wait3A_64 : memref<1x40x125xi32, #tpu.memory_space<hbm>> -> memref<40x125xi32, #tpu.memory_space<hbm>>
      %dma_wait3A_66 = arith.constant 0 : i32
      %dma_wait3A_67 = arith.constant 0 : i32
      %dma_wait3A_68 = arith.constant 0 : i32
      %dma_wait3A_69 = tpu.memref_slice %arg3[%add3A, %dma_wait3A_66, %dma_wait3A_67, %dma_wait3A_68] : memref<32x2x40x125xi32, #tpu.memory_space<hbm>> -> memref<1x2x40x125xi32, #tpu.memory_space<hbm>>
      %dma_wait3A_70 = tpu.memref_squeeze %dma_wait3A_69 : memref<1x2x40x125xi32, #tpu.memory_space<hbm>> -> memref<2x40x125xi32, #tpu.memory_space<hbm>>
      %dma_wait3A_71 = arith.constant 0 : i32
      %dma_wait3A_72 = arith.constant 0 : i32
      %dma_wait3A_73 = tpu.memref_slice %dma_wait3A_70[%run_scoped3A, %dma_wait3A_71, %dma_wait3A_72] : memref<2x40x125xi32, #tpu.memory_space<hbm>> -> memref<1x40x125xi32, #tpu.memory_space<hbm>>
      %dma_wait3A_74 = tpu.memref_squeeze %dma_wait3A_73 : memref<1x40x125xi32, #tpu.memory_space<hbm>> -> memref<40x125xi32, #tpu.memory_space<hbm>>
      tpu.wait_dma2 semaphore(%run_scoped3A_39 : memref<!tpu.dma_semaphore, #tpu.memory_space<semaphore_mem>>) src(%dma_wait3A_74 : memref<40x125xi32, #tpu.memory_space<hbm>>) dst(%arg8 : memref<40x125xi32, #tpu.memory_space<vmem>>)
      tpu.yield
    }) : () -> ()
    %run_scoped3A_5 = arith.constant 0 : i32
    "tpu.region"() ({
      %run_scoped3A_39 = tpu.sem_alloc : memref<!tpu.dma_semaphore, #tpu.memory_space<semaphore_mem>>
      %dma_start3A_40 = arith.constant 0 : i32
      %dma_start3A_41 = arith.constant 0 : i32
      %dma_start3A_42 = arith.constant 0 : i32
      %dma_start3A_43 = tpu.memref_slice %arg4[%add3A, %dma_start3A_40, %dma_start3A_41, %dma_start3A_42] : memref<32x2x40x125xi32, #tpu.memory_space<hbm>> -> memref<1x2x40x125xi32, #tpu.memory_space<hbm>>
      %dma_start3A_44 = tpu.memref_squeeze %dma_start3A_43 : memref<1x2x40x125xi32, #tpu.memory_space<hbm>> -> memref<2x40x125xi32, #tpu.memory_space<hbm>>
      %dma_start3A_45 = arith.constant 0 : i32
      %dma_start3A_46 = arith.constant 0 : i32
      %dma_start3A_47 = tpu.memref_slice %dma_start3A_44[%run_scoped3A_5, %dma_start3A_45, %dma_start3A_46] : memref<2x40x125xi32, #tpu.memory_space<hbm>> -> memref<1x40x125xi32, #tpu.memory_space<hbm>>
      %dma_start3A_48 = tpu.memref_squeeze %dma_start3A_47 : memref<1x40x125xi32, #tpu.memory_space<hbm>> -> memref<40x125xi32, #tpu.memory_space<hbm>>
      %dma_start3A_49 = arith.constant 0 : i32
      %dma_start3A_50 = arith.constant 0 : i32
      %dma_start3A_51 = arith.constant 0 : i32
      %dma_start3A_52 = tpu.memref_slice %arg4[%add3A, %dma_start3A_49, %dma_start3A_50, %dma_start3A_51] : memref<32x2x40x125xi32, #tpu.memory_space<hbm>> -> memref<1x2x40x125xi32, #tpu.memory_space<hbm>>
      %dma_start3A_53 = tpu.memref_squeeze %dma_start3A_52 : memref<1x2x40x125xi32, #tpu.memory_space<hbm>> -> memref<2x40x125xi32, #tpu.memory_space<hbm>>
      %dma_start3A_54 = arith.constant 0 : i32
      %dma_start3A_55 = arith.constant 0 : i32
      %dma_start3A_56 = tpu.memref_slice %dma_start3A_53[%run_scoped3A_5, %dma_start3A_54, %dma_start3A_55] : memref<2x40x125xi32, #tpu.memory_space<hbm>> -> memref<1x40x125xi32, #tpu.memory_space<hbm>>
      %dma_start3A_57 = tpu.memref_squeeze %dma_start3A_56 : memref<1x40x125xi32, #tpu.memory_space<hbm>> -> memref<40x125xi32, #tpu.memory_space<hbm>>
      tpu.enqueue_dma source(%dma_start3A_57 : memref<40x125xi32, #tpu.memory_space<hbm>>) target(%arg9 : memref<40x125xi32, #tpu.memory_space<vmem>>) target_semaphore(%run_scoped3A_39 : memref<!tpu.dma_semaphore, #tpu.memory_space<semaphore_mem>>)
      %dma_wait3A = arith.constant 0 : i32
      %dma_wait3A_58 = arith.constant 0 : i32
      %dma_wait3A_59 = arith.constant 0 : i32
      %dma_wait3A_60 = tpu.memref_slice %arg4[%add3A, %dma_wait3A, %dma_wait3A_58, %dma_wait3A_59] : memref<32x2x40x125xi32, #tpu.memory_space<hbm>> -> memref<1x2x40x125xi32, #tpu.memory_space<hbm>>
      %dma_wait3A_61 = tpu.memref_squeeze %dma_wait3A_60 : memref<1x2x40x125xi32, #tpu.memory_space<hbm>> -> memref<2x40x125xi32, #tpu.memory_space<hbm>>
      %dma_wait3A_62 = arith.constant 0 : i32
      %dma_wait3A_63 = arith.constant 0 : i32
      %dma_wait3A_64 = tpu.memref_slice %dma_wait3A_61[%run_scoped3A_5, %dma_wait3A_62, %dma_wait3A_63] : memref<2x40x125xi32, #tpu.memory_space<hbm>> -> memref<1x40x125xi32, #tpu.memory_space<hbm>>
      %dma_wait3A_65 = tpu.memref_squeeze %dma_wait3A_64 : memref<1x40x125xi32, #tpu.memory_space<hbm>> -> memref<40x125xi32, #tpu.memory_space<hbm>>
      %dma_wait3A_66 = arith.constant 0 : i32
      %dma_wait3A_67 = arith.constant 0 : i32
      %dma_wait3A_68 = arith.constant 0 : i32
      %dma_wait3A_69 = tpu.memref_slice %arg4[%add3A, %dma_wait3A_66, %dma_wait3A_67, %dma_wait3A_68] : memref<32x2x40x125xi32, #tpu.memory_space<hbm>> -> memref<1x2x40x125xi32, #tpu.memory_space<hbm>>
      %dma_wait3A_70 = tpu.memref_squeeze %dma_wait3A_69 : memref<1x2x40x125xi32, #tpu.memory_space<hbm>> -> memref<2x40x125xi32, #tpu.memory_space<hbm>>
      %dma_wait3A_71 = arith.constant 0 : i32
      %dma_wait3A_72 = arith.constant 0 : i32
      %dma_wait3A_73 = tpu.memref_slice %dma_wait3A_70[%run_scoped3A_5, %dma_wait3A_71, %dma_wait3A_72] : memref<2x40x125xi32, #tpu.memory_space<hbm>> -> memref<1x40x125xi32, #tpu.memory_space<hbm>>
      %dma_wait3A_74 = tpu.memref_squeeze %dma_wait3A_73 : memref<1x40x125xi32, #tpu.memory_space<hbm>> -> memref<40x125xi32, #tpu.memory_space<hbm>>
      tpu.wait_dma2 semaphore(%run_scoped3A_39 : memref<!tpu.dma_semaphore, #tpu.memory_space<semaphore_mem>>) src(%dma_wait3A_74 : memref<40x125xi32, #tpu.memory_space<hbm>>) dst(%arg9 : memref<40x125xi32, #tpu.memory_space<vmem>>)
      tpu.yield
    }) : () -> ()
    %dma_start3A = arith.constant 0 : i32
    %dma_start3A_6 = arith.constant 0 : i32
    %dma_start3A_7 = tpu.memref_slice %arg8[%dma_start3A, %dma_start3A_6] : memref<40x125xi32, #tpu.memory_space<vmem>> -> memref<1x125xi32, #tpu.memory_space<vmem>>
    %dma_start3A_8 = tpu.memref_squeeze %dma_start3A_7 : memref<1x125xi32, #tpu.memory_space<vmem>> -> memref<125xi32, #tpu.memory_space<vmem>>
    %dma_start3A_9 = arith.constant 0 : i32
    %dma_start3A_10 = arith.constant 0 : i32
    %dma_start3A_11 = tpu.memref_slice %arg2[%dma_start3A_9, %dma_start3A_10] : memref<10240x128xf32, #tpu.memory_space<hbm>> -> memref<10240x128xf32, #tpu.memory_space<hbm>>
    tpu.enqueue_indirect_dma source(%dma_start3A_11 : memref<10240x128xf32, #tpu.memory_space<hbm>>) target(%arg10 : memref<125x128xf32, #tpu.memory_space<vmem>>) offsets(%dma_start3A_8 : memref<125xi32, #tpu.memory_space<vmem>>) semaphore(%arg12 : memref<!tpu.dma_semaphore, #tpu.memory_space<semaphore_mem>>)
    %scan3A = arith.constant 0 : i32
    %scan3A_12 = arith.constant 0 : i32
    %scan3A_13 = arith.constant 20 : i32
    %scan3A_14 = arith.addi %scan3A_12, %scan3A_13 : i32
    %scan3A_15 = arith.constant 1 : i32
    %scan3A_16 = scf.for %scan3A_39 = %scan3A_12 to %scan3A_14 step %scan3A_15 iter_args(%scan3A_40 = %scan3A) -> (i32)  : i32 {
      %mul3A_41 = arith.constant 2 : i32
      %mul3A_42 = arith.muli %mul3A_41, %scan3A_39 : i32
      %add3A_43 = arith.constant 1 : i32
      %add3A_44 = arith.addi %mul3A_42, %add3A_43 : i32
      %dma_start3A_45 = arith.constant 0 : i32
      %dma_start3A_46 = tpu.memref_slice %arg8[%add3A_44, %dma_start3A_45] : memref<40x125xi32, #tpu.memory_space<vmem>> -> memref<1x125xi32, #tpu.memory_space<vmem>>
      %dma_start3A_47 = tpu.memref_squeeze %dma_start3A_46 : memref<1x125xi32, #tpu.memory_space<vmem>> -> memref<125xi32, #tpu.memory_space<vmem>>
      %dma_start3A_48 = arith.constant 0 : i32
      %dma_start3A_49 = arith.constant 0 : i32
      %dma_start3A_50 = tpu.memref_slice %arg2[%dma_start3A_48, %dma_start3A_49] : memref<10240x128xf32, #tpu.memory_space<hbm>> -> memref<10240x128xf32, #tpu.memory_space<hbm>>
      tpu.enqueue_indirect_dma source(%dma_start3A_50 : memref<10240x128xf32, #tpu.memory_space<hbm>>) target(%arg11 : memref<125x128xf32, #tpu.memory_space<vmem>>) offsets(%dma_start3A_47 : memref<125xi32, #tpu.memory_space<vmem>>) semaphore(%arg13 : memref<!tpu.dma_semaphore, #tpu.memory_space<semaphore_mem>>)
      %mul3A_51 = arith.constant 2 : i32
      %mul3A_52 = arith.muli %mul3A_51, %scan3A_39 : i32
      %dma_wait3A = arith.constant 0 : i32
      %dma_wait3A_53 = tpu.memref_slice %arg8[%mul3A_52, %dma_wait3A] : memref<40x125xi32, #tpu.memory_space<vmem>> -> memref<1x125xi32, #tpu.memory_space<vmem>>
      %dma_wait3A_54 = tpu.memref_squeeze %dma_wait3A_53 : memref<1x125xi32, #tpu.memory_space<vmem>> -> memref<125xi32, #tpu.memory_space<vmem>>
      %dma_wait3A_55 = arith.constant 0 : i32
      %dma_wait3A_56 = arith.constant 0 : i32
      %dma_wait3A_57 = tpu.memref_slice %arg2[%dma_wait3A_55, %dma_wait3A_56] : memref<10240x128xf32, #tpu.memory_space<hbm>> -> memref<10240x128xf32, #tpu.memory_space<hbm>>
      tpu.wait_indirect_dma semaphore(%arg12 : memref<!tpu.dma_semaphore, #tpu.memory_space<semaphore_mem>>) src(%dma_wait3A_57 : memref<10240x128xf32, #tpu.memory_space<hbm>>) dst(%arg10 : memref<125x128xf32, #tpu.memory_space<vmem>>)
      %mul3A_58 = arith.constant 2 : i32
      %mul3A_59 = arith.muli %mul3A_58, %scan3A_39 : i32
      "tpu.region"() ({
        %run_scoped3A_77 = tpu.sem_alloc : memref<!tpu.dma_semaphore, #tpu.memory_space<semaphore_mem>>
        %dma_start3A_78 = arith.constant 0 : i32
        %dma_start3A_79 = tpu.memref_slice %arg9[%mul3A_59, %dma_start3A_78] : memref<40x125xi32, #tpu.memory_space<vmem>> -> memref<1x125xi32, #tpu.memory_space<vmem>>
        %dma_start3A_80 = tpu.memref_squeeze %dma_start3A_79 : memref<1x125xi32, #tpu.memory_space<vmem>> -> memref<125xi32, #tpu.memory_space<vmem>>
        %dma_start3A_81 = arith.constant 0 : i32
        %dma_start3A_82 = arith.constant 0 : i32
        %dma_start3A_83 = tpu.memref_slice %arg7[%dma_start3A_81, %dma_start3A_82] : memref<10240x128xf32, #tpu.memory_space<vmem_shared>> -> memref<10240x128xf32, #tpu.memory_space<vmem_shared>>
        tpu.enqueue_indirect_dma source(%arg10 : memref<125x128xf32, #tpu.memory_space<vmem>>) target(%dma_start3A_83 : memref<10240x128xf32, #tpu.memory_space<vmem_shared>>) offsets(%dma_start3A_80 : memref<125xi32, #tpu.memory_space<vmem>>) semaphore(%run_scoped3A_77 : memref<!tpu.dma_semaphore, #tpu.memory_space<semaphore_mem>>) {add = true}
        %dma_wait3A_84 = arith.constant 0 : i32
        %dma_wait3A_85 = tpu.memref_slice %arg9[%mul3A_59, %dma_wait3A_84] : memref<40x125xi32, #tpu.memory_space<vmem>> -> memref<1x125xi32, #tpu.memory_space<vmem>>
        %dma_wait3A_86 = tpu.memref_squeeze %dma_wait3A_85 : memref<1x125xi32, #tpu.memory_space<vmem>> -> memref<125xi32, #tpu.memory_space<vmem>>
        %dma_wait3A_87 = arith.constant 0 : i32
        %dma_wait3A_88 = arith.constant 0 : i32
        %dma_wait3A_89 = tpu.memref_slice %arg7[%dma_wait3A_87, %dma_wait3A_88] : memref<10240x128xf32, #tpu.memory_space<vmem_shared>> -> memref<10240x128xf32, #tpu.memory_space<vmem_shared>>
        tpu.wait_indirect_dma semaphore(%run_scoped3A_77 : memref<!tpu.dma_semaphore, #tpu.memory_space<semaphore_mem>>) src(%arg10 : memref<125x128xf32, #tpu.memory_space<vmem>>) dst(%dma_wait3A_89 : memref<10240x128xf32, #tpu.memory_space<vmem_shared>>)
        tpu.yield
      }) : () -> ()
      %lt3A = arith.constant 19 : i32
      %lt3A_60 = arith.cmpi slt, %scan3A_39, %lt3A : i32
      %convert_element_type3A = arith.extui %lt3A_60 : i1 to i32
      %cond3A = arith.constant 0 : i32
      %cond3A_61 = arith.cmpi ne, %convert_element_type3A, %cond3A : i32
      scf.if %cond3A_61 {
        %mul3A_77 = arith.constant 2 : i32
        %mul3A_78 = arith.muli %mul3A_77, %scan3A_39 : i32
        %add3A_79 = arith.constant 2 : i32
        %add3A_80 = arith.addi %mul3A_78, %add3A_79 : i32
        %dma_start3A_81 = arith.constant 0 : i32
        %dma_start3A_82 = tpu.memref_slice %arg8[%add3A_80, %dma_start3A_81] : memref<40x125xi32, #tpu.memory_space<vmem>> -> memref<1x125xi32, #tpu.memory_space<vmem>>
        %dma_start3A_83 = tpu.memref_squeeze %dma_start3A_82 : memref<1x125xi32, #tpu.memory_space<vmem>> -> memref<125xi32, #tpu.memory_space<vmem>>
        %dma_start3A_84 = arith.constant 0 : i32
        %dma_start3A_85 = arith.constant 0 : i32
        %dma_start3A_86 = tpu.memref_slice %arg2[%dma_start3A_84, %dma_start3A_85] : memref<10240x128xf32, #tpu.memory_space<hbm>> -> memref<10240x128xf32, #tpu.memory_space<hbm>>
        tpu.enqueue_indirect_dma source(%dma_start3A_86 : memref<10240x128xf32, #tpu.memory_space<hbm>>) target(%arg10 : memref<125x128xf32, #tpu.memory_space<vmem>>) offsets(%dma_start3A_83 : memref<125xi32, #tpu.memory_space<vmem>>) semaphore(%arg12 : memref<!tpu.dma_semaphore, #tpu.memory_space<semaphore_mem>>)
      } else {
      }
      %mul3A_62 = arith.constant 2 : i32
      %mul3A_63 = arith.muli %mul3A_62, %scan3A_39 : i32
      %add3A_64 = arith.constant 1 : i32
      %add3A_65 = arith.addi %mul3A_63, %add3A_64 : i32
      %dma_wait3A_66 = arith.constant 0 : i32
      %dma_wait3A_67 = tpu.memref_slice %arg8[%add3A_65, %dma_wait3A_66] : memref<40x125xi32, #tpu.memory_space<vmem>> -> memref<1x125xi32, #tpu.memory_space<vmem>>
      %dma_wait3A_68 = tpu.memref_squeeze %dma_wait3A_67 : memref<1x125xi32, #tpu.memory_space<vmem>> -> memref<125xi32, #tpu.memory_space<vmem>>
      %dma_wait3A_69 = arith.constant 0 : i32
      %dma_wait3A_70 = arith.constant 0 : i32
      %dma_wait3A_71 = tpu.memref_slice %arg2[%dma_wait3A_69, %dma_wait3A_70] : memref<10240x128xf32, #tpu.memory_space<hbm>> -> memref<10240x128xf32, #tpu.memory_space<hbm>>
      tpu.wait_indirect_dma semaphore(%arg13 : memref<!tpu.dma_semaphore, #tpu.memory_space<semaphore_mem>>) src(%dma_wait3A_71 : memref<10240x128xf32, #tpu.memory_space<hbm>>) dst(%arg11 : memref<125x128xf32, #tpu.memory_space<vmem>>)
      %mul3A_72 = arith.constant 2 : i32
      %mul3A_73 = arith.muli %mul3A_72, %scan3A_39 : i32
      %add3A_74 = arith.constant 1 : i32
      %add3A_75 = arith.addi %mul3A_73, %add3A_74 : i32
      "tpu.region"() ({
        %run_scoped3A_77 = tpu.sem_alloc : memref<!tpu.dma_semaphore, #tpu.memory_space<semaphore_mem>>
        %dma_start3A_78 = arith.constant 0 : i32
        %dma_start3A_79 = tpu.memref_slice %arg9[%add3A_75, %dma_start3A_78] : memref<40x125xi32, #tpu.memory_space<vmem>> -> memref<1x125xi32, #tpu.memory_space<vmem>>
        %dma_start3A_80 = tpu.memref_squeeze %dma_start3A_79 : memref<1x125xi32, #tpu.memory_space<vmem>> -> memref<125xi32, #tpu.memory_space<vmem>>
        %dma_start3A_81 = arith.constant 0 : i32
        %dma_start3A_82 = arith.constant 0 : i32
        %dma_start3A_83 = tpu.memref_slice %arg7[%dma_start3A_81, %dma_start3A_82] : memref<10240x128xf32, #tpu.memory_space<vmem_shared>> -> memref<10240x128xf32, #tpu.memory_space<vmem_shared>>
        tpu.enqueue_indirect_dma source(%arg11 : memref<125x128xf32, #tpu.memory_space<vmem>>) target(%dma_start3A_83 : memref<10240x128xf32, #tpu.memory_space<vmem_shared>>) offsets(%dma_start3A_80 : memref<125xi32, #tpu.memory_space<vmem>>) semaphore(%run_scoped3A_77 : memref<!tpu.dma_semaphore, #tpu.memory_space<semaphore_mem>>) {add = true}
        %dma_wait3A_84 = arith.constant 0 : i32
        %dma_wait3A_85 = tpu.memref_slice %arg9[%add3A_75, %dma_wait3A_84] : memref<40x125xi32, #tpu.memory_space<vmem>> -> memref<1x125xi32, #tpu.memory_space<vmem>>
        %dma_wait3A_86 = tpu.memref_squeeze %dma_wait3A_85 : memref<1x125xi32, #tpu.memory_space<vmem>> -> memref<125xi32, #tpu.memory_space<vmem>>
        %dma_wait3A_87 = arith.constant 0 : i32
        %dma_wait3A_88 = arith.constant 0 : i32
        %dma_wait3A_89 = tpu.memref_slice %arg7[%dma_wait3A_87, %dma_wait3A_88] : memref<10240x128xf32, #tpu.memory_space<vmem_shared>> -> memref<10240x128xf32, #tpu.memory_space<vmem_shared>>
        tpu.wait_indirect_dma semaphore(%run_scoped3A_77 : memref<!tpu.dma_semaphore, #tpu.memory_space<semaphore_mem>>) src(%arg11 : memref<125x128xf32, #tpu.memory_space<vmem>>) dst(%dma_wait3A_89 : memref<10240x128xf32, #tpu.memory_space<vmem_shared>>)
        tpu.yield
      }) : () -> ()
      %scan3A_76 = arith.constant 0 : i32
      scf.yield %scan3A_76 : i32
    }
    %scan3A_17 = arith.constant 20 : i32
    %run_scoped3A_18 = arith.constant 1 : i32
    "tpu.region"() ({
      %run_scoped3A_39 = tpu.sem_alloc : memref<!tpu.dma_semaphore, #tpu.memory_space<semaphore_mem>>
      %dma_start3A_40 = arith.constant 0 : i32
      %dma_start3A_41 = arith.constant 0 : i32
      %dma_start3A_42 = arith.constant 0 : i32
      %dma_start3A_43 = tpu.memref_slice %arg3[%add3A, %dma_start3A_40, %dma_start3A_41, %dma_start3A_42] : memref<32x2x40x125xi32, #tpu.memory_space<hbm>> -> memref<1x2x40x125xi32, #tpu.memory_space<hbm>>
      %dma_start3A_44 = tpu.memref_squeeze %dma_start3A_43 : memref<1x2x40x125xi32, #tpu.memory_space<hbm>> -> memref<2x40x125xi32, #tpu.memory_space<hbm>>
      %dma_start3A_45 = arith.constant 0 : i32
      %dma_start3A_46 = arith.constant 0 : i32
      %dma_start3A_47 = tpu.memref_slice %dma_start3A_44[%run_scoped3A_18, %dma_start3A_45, %dma_start3A_46] : memref<2x40x125xi32, #tpu.memory_space<hbm>> -> memref<1x40x125xi32, #tpu.memory_space<hbm>>
      %dma_start3A_48 = tpu.memref_squeeze %dma_start3A_47 : memref<1x40x125xi32, #tpu.memory_space<hbm>> -> memref<40x125xi32, #tpu.memory_space<hbm>>
      %dma_start3A_49 = arith.constant 0 : i32
      %dma_start3A_50 = arith.constant 0 : i32
      %dma_start3A_51 = arith.constant 0 : i32
      %dma_start3A_52 = tpu.memref_slice %arg3[%add3A, %dma_start3A_49, %dma_start3A_50, %dma_start3A_51] : memref<32x2x40x125xi32, #tpu.memory_space<hbm>> -> memref<1x2x40x125xi32, #tpu.memory_space<hbm>>
      %dma_start3A_53 = tpu.memref_squeeze %dma_start3A_52 : memref<1x2x40x125xi32, #tpu.memory_space<hbm>> -> memref<2x40x125xi32, #tpu.memory_space<hbm>>
      %dma_start3A_54 = arith.constant 0 : i32
      %dma_start3A_55 = arith.constant 0 : i32
      %dma_start3A_56 = tpu.memref_slice %dma_start3A_53[%run_scoped3A_18, %dma_start3A_54, %dma_start3A_55] : memref<2x40x125xi32, #tpu.memory_space<hbm>> -> memref<1x40x125xi32, #tpu.memory_space<hbm>>
      %dma_start3A_57 = tpu.memref_squeeze %dma_start3A_56 : memref<1x40x125xi32, #tpu.memory_space<hbm>> -> memref<40x125xi32, #tpu.memory_space<hbm>>
      tpu.enqueue_dma source(%dma_start3A_57 : memref<40x125xi32, #tpu.memory_space<hbm>>) target(%arg8 : memref<40x125xi32, #tpu.memory_space<vmem>>) target_semaphore(%run_scoped3A_39 : memref<!tpu.dma_semaphore, #tpu.memory_space<semaphore_mem>>)
      %dma_wait3A = arith.constant 0 : i32
      %dma_wait3A_58 = arith.constant 0 : i32
      %dma_wait3A_59 = arith.constant 0 : i32
      %dma_wait3A_60 = tpu.memref_slice %arg3[%add3A, %dma_wait3A, %dma_wait3A_58, %dma_wait3A_59] : memref<32x2x40x125xi32, #tpu.memory_space<hbm>> -> memref<1x2x40x125xi32, #tpu.memory_space<hbm>>
      %dma_wait3A_61 = tpu.memref_squeeze %dma_wait3A_60 : memref<1x2x40x125xi32, #tpu.memory_space<hbm>> -> memref<2x40x125xi32, #tpu.memory_space<hbm>>
      %dma_wait3A_62 = arith.constant 0 : i32
      %dma_wait3A_63 = arith.constant 0 : i32
      %dma_wait3A_64 = tpu.memref_slice %dma_wait3A_61[%run_scoped3A_18, %dma_wait3A_62, %dma_wait3A_63] : memref<2x40x125xi32, #tpu.memory_space<hbm>> -> memref<1x40x125xi32, #tpu.memory_space<hbm>>
      %dma_wait3A_65 = tpu.memref_squeeze %dma_wait3A_64 : memref<1x40x125xi32, #tpu.memory_space<hbm>> -> memref<40x125xi32, #tpu.memory_space<hbm>>
      %dma_wait3A_66 = arith.constant 0 : i32
      %dma_wait3A_67 = arith.constant 0 : i32
      %dma_wait3A_68 = arith.constant 0 : i32
      %dma_wait3A_69 = tpu.memref_slice %arg3[%add3A, %dma_wait3A_66, %dma_wait3A_67, %dma_wait3A_68] : memref<32x2x40x125xi32, #tpu.memory_space<hbm>> -> memref<1x2x40x125xi32, #tpu.memory_space<hbm>>
      %dma_wait3A_70 = tpu.memref_squeeze %dma_wait3A_69 : memref<1x2x40x125xi32, #tpu.memory_space<hbm>> -> memref<2x40x125xi32, #tpu.memory_space<hbm>>
      %dma_wait3A_71 = arith.constant 0 : i32
      %dma_wait3A_72 = arith.constant 0 : i32
      %dma_wait3A_73 = tpu.memref_slice %dma_wait3A_70[%run_scoped3A_18, %dma_wait3A_71, %dma_wait3A_72] : memref<2x40x125xi32, #tpu.memory_space<hbm>> -> memref<1x40x125xi32, #tpu.memory_space<hbm>>
      %dma_wait3A_74 = tpu.memref_squeeze %dma_wait3A_73 : memref<1x40x125xi32, #tpu.memory_space<hbm>> -> memref<40x125xi32, #tpu.memory_space<hbm>>
      tpu.wait_dma2 semaphore(%run_scoped3A_39 : memref<!tpu.dma_semaphore, #tpu.memory_space<semaphore_mem>>) src(%dma_wait3A_74 : memref<40x125xi32, #tpu.memory_space<hbm>>) dst(%arg8 : memref<40x125xi32, #tpu.memory_space<vmem>>)
      tpu.yield
    }) : () -> ()
    %run_scoped3A_19 = arith.constant 1 : i32
    "tpu.region"() ({
      %run_scoped3A_39 = tpu.sem_alloc : memref<!tpu.dma_semaphore, #tpu.memory_space<semaphore_mem>>
      %dma_start3A_40 = arith.constant 0 : i32
      %dma_start3A_41 = arith.constant 0 : i32
      %dma_start3A_42 = arith.constant 0 : i32
      %dma_start3A_43 = tpu.memref_slice %arg4[%add3A, %dma_start3A_40, %dma_start3A_41, %dma_start3A_42] : memref<32x2x40x125xi32, #tpu.memory_space<hbm>> -> memref<1x2x40x125xi32, #tpu.memory_space<hbm>>
      %dma_start3A_44 = tpu.memref_squeeze %dma_start3A_43 : memref<1x2x40x125xi32, #tpu.memory_space<hbm>> -> memref<2x40x125xi32, #tpu.memory_space<hbm>>
      %dma_start3A_45 = arith.constant 0 : i32
      %dma_start3A_46 = arith.constant 0 : i32
      %dma_start3A_47 = tpu.memref_slice %dma_start3A_44[%run_scoped3A_19, %dma_start3A_45, %dma_start3A_46] : memref<2x40x125xi32, #tpu.memory_space<hbm>> -> memref<1x40x125xi32, #tpu.memory_space<hbm>>
      %dma_start3A_48 = tpu.memref_squeeze %dma_start3A_47 : memref<1x40x125xi32, #tpu.memory_space<hbm>> -> memref<40x125xi32, #tpu.memory_space<hbm>>
      %dma_start3A_49 = arith.constant 0 : i32
      %dma_start3A_50 = arith.constant 0 : i32
      %dma_start3A_51 = arith.constant 0 : i32
      %dma_start3A_52 = tpu.memref_slice %arg4[%add3A, %dma_start3A_49, %dma_start3A_50, %dma_start3A_51] : memref<32x2x40x125xi32, #tpu.memory_space<hbm>> -> memref<1x2x40x125xi32, #tpu.memory_space<hbm>>
      %dma_start3A_53 = tpu.memref_squeeze %dma_start3A_52 : memref<1x2x40x125xi32, #tpu.memory_space<hbm>> -> memref<2x40x125xi32, #tpu.memory_space<hbm>>
      %dma_start3A_54 = arith.constant 0 : i32
      %dma_start3A_55 = arith.constant 0 : i32
      %dma_start3A_56 = tpu.memref_slice %dma_start3A_53[%run_scoped3A_19, %dma_start3A_54, %dma_start3A_55] : memref<2x40x125xi32, #tpu.memory_space<hbm>> -> memref<1x40x125xi32, #tpu.memory_space<hbm>>
      %dma_start3A_57 = tpu.memref_squeeze %dma_start3A_56 : memref<1x40x125xi32, #tpu.memory_space<hbm>> -> memref<40x125xi32, #tpu.memory_space<hbm>>
      tpu.enqueue_dma source(%dma_start3A_57 : memref<40x125xi32, #tpu.memory_space<hbm>>) target(%arg9 : memref<40x125xi32, #tpu.memory_space<vmem>>) target_semaphore(%run_scoped3A_39 : memref<!tpu.dma_semaphore, #tpu.memory_space<semaphore_mem>>)
      %dma_wait3A = arith.constant 0 : i32
      %dma_wait3A_58 = arith.constant 0 : i32
      %dma_wait3A_59 = arith.constant 0 : i32
      %dma_wait3A_60 = tpu.memref_slice %arg4[%add3A, %dma_wait3A, %dma_wait3A_58, %dma_wait3A_59] : memref<32x2x40x125xi32, #tpu.memory_space<hbm>> -> memref<1x2x40x125xi32, #tpu.memory_space<hbm>>
      %dma_wait3A_61 = tpu.memref_squeeze %dma_wait3A_60 : memref<1x2x40x125xi32, #tpu.memory_space<hbm>> -> memref<2x40x125xi32, #tpu.memory_space<hbm>>
      %dma_wait3A_62 = arith.constant 0 : i32
      %dma_wait3A_63 = arith.constant 0 : i32
      %dma_wait3A_64 = tpu.memref_slice %dma_wait3A_61[%run_scoped3A_19, %dma_wait3A_62, %dma_wait3A_63] : memref<2x40x125xi32, #tpu.memory_space<hbm>> -> memref<1x40x125xi32, #tpu.memory_space<hbm>>
      %dma_wait3A_65 = tpu.memref_squeeze %dma_wait3A_64 : memref<1x40x125xi32, #tpu.memory_space<hbm>> -> memref<40x125xi32, #tpu.memory_space<hbm>>
      %dma_wait3A_66 = arith.constant 0 : i32
      %dma_wait3A_67 = arith.constant 0 : i32
      %dma_wait3A_68 = arith.constant 0 : i32
      %dma_wait3A_69 = tpu.memref_slice %arg4[%add3A, %dma_wait3A_66, %dma_wait3A_67, %dma_wait3A_68] : memref<32x2x40x125xi32, #tpu.memory_space<hbm>> -> memref<1x2x40x125xi32, #tpu.memory_space<hbm>>
      %dma_wait3A_70 = tpu.memref_squeeze %dma_wait3A_69 : memref<1x2x40x125xi32, #tpu.memory_space<hbm>> -> memref<2x40x125xi32, #tpu.memory_space<hbm>>
      %dma_wait3A_71 = arith.constant 0 : i32
      %dma_wait3A_72 = arith.constant 0 : i32
      %dma_wait3A_73 = tpu.memref_slice %dma_wait3A_70[%run_scoped3A_19, %dma_wait3A_71, %dma_wait3A_72] : memref<2x40x125xi32, #tpu.memory_space<hbm>> -> memref<1x40x125xi32, #tpu.memory_space<hbm>>
      %dma_wait3A_74 = tpu.memref_squeeze %dma_wait3A_73 : memref<1x40x125xi32, #tpu.memory_space<hbm>> -> memref<40x125xi32, #tpu.memory_space<hbm>>
      tpu.wait_dma2 semaphore(%run_scoped3A_39 : memref<!tpu.dma_semaphore, #tpu.memory_space<semaphore_mem>>) src(%dma_wait3A_74 : memref<40x125xi32, #tpu.memory_space<hbm>>) dst(%arg9 : memref<40x125xi32, #tpu.memory_space<vmem>>)
      tpu.yield
    }) : () -> ()
    %dma_start3A_20 = arith.constant 0 : i32
    %dma_start3A_21 = arith.constant 0 : i32
    %dma_start3A_22 = tpu.memref_slice %arg8[%dma_start3A_20, %dma_start3A_21] : memref<40x125xi32, #tpu.memory_space<vmem>> -> memref<1x125xi32, #tpu.memory_space<vmem>>
    %dma_start3A_23 = tpu.memref_squeeze %dma_start3A_22 : memref<1x125xi32, #tpu.memory_space<vmem>> -> memref<125xi32, #tpu.memory_space<vmem>>
    %dma_start3A_24 = arith.constant 0 : i32
    %dma_start3A_25 = arith.constant 0 : i32
    %dma_start3A_26 = tpu.memref_slice %arg2[%dma_start3A_24, %dma_start3A_25] : memref<10240x128xf32, #tpu.memory_space<hbm>> -> memref<10240x128xf32, #tpu.memory_space<hbm>>
    tpu.enqueue_indirect_dma source(%dma_start3A_26 : memref<10240x128xf32, #tpu.memory_space<hbm>>) target(%arg10 : memref<125x128xf32, #tpu.memory_space<vmem>>) offsets(%dma_start3A_23 : memref<125xi32, #tpu.memory_space<vmem>>) semaphore(%arg12 : memref<!tpu.dma_semaphore, #tpu.memory_space<semaphore_mem>>)
    %scan3A_27 = arith.constant 0 : i32
    %scan3A_28 = arith.constant 0 : i32
    %scan3A_29 = arith.constant 20 : i32
    %scan3A_30 = arith.addi %scan3A_28, %scan3A_29 : i32
    %scan3A_31 = arith.constant 1 : i32
    %scan3A_32 = scf.for %scan3A_39 = %scan3A_28 to %scan3A_30 step %scan3A_31 iter_args(%scan3A_40 = %scan3A_27) -> (i32)  : i32 {
      %mul3A_41 = arith.constant 2 : i32
      %mul3A_42 = arith.muli %mul3A_41, %scan3A_39 : i32
      %add3A_43 = arith.constant 1 : i32
      %add3A_44 = arith.addi %mul3A_42, %add3A_43 : i32
      %dma_start3A_45 = arith.constant 0 : i32
      %dma_start3A_46 = tpu.memref_slice %arg8[%add3A_44, %dma_start3A_45] : memref<40x125xi32, #tpu.memory_space<vmem>> -> memref<1x125xi32, #tpu.memory_space<vmem>>
      %dma_start3A_47 = tpu.memref_squeeze %dma_start3A_46 : memref<1x125xi32, #tpu.memory_space<vmem>> -> memref<125xi32, #tpu.memory_space<vmem>>
      %dma_start3A_48 = arith.constant 0 : i32
      %dma_start3A_49 = arith.constant 0 : i32
      %dma_start3A_50 = tpu.memref_slice %arg2[%dma_start3A_48, %dma_start3A_49] : memref<10240x128xf32, #tpu.memory_space<hbm>> -> memref<10240x128xf32, #tpu.memory_space<hbm>>
      tpu.enqueue_indirect_dma source(%dma_start3A_50 : memref<10240x128xf32, #tpu.memory_space<hbm>>) target(%arg11 : memref<125x128xf32, #tpu.memory_space<vmem>>) offsets(%dma_start3A_47 : memref<125xi32, #tpu.memory_space<vmem>>) semaphore(%arg13 : memref<!tpu.dma_semaphore, #tpu.memory_space<semaphore_mem>>)
      %mul3A_51 = arith.constant 2 : i32
      %mul3A_52 = arith.muli %mul3A_51, %scan3A_39 : i32
      %dma_wait3A = arith.constant 0 : i32
      %dma_wait3A_53 = tpu.memref_slice %arg8[%mul3A_52, %dma_wait3A] : memref<40x125xi32, #tpu.memory_space<vmem>> -> memref<1x125xi32, #tpu.memory_space<vmem>>
      %dma_wait3A_54 = tpu.memref_squeeze %dma_wait3A_53 : memref<1x125xi32, #tpu.memory_space<vmem>> -> memref<125xi32, #tpu.memory_space<vmem>>
      %dma_wait3A_55 = arith.constant 0 : i32
      %dma_wait3A_56 = arith.constant 0 : i32
      %dma_wait3A_57 = tpu.memref_slice %arg2[%dma_wait3A_55, %dma_wait3A_56] : memref<10240x128xf32, #tpu.memory_space<hbm>> -> memref<10240x128xf32, #tpu.memory_space<hbm>>
      tpu.wait_indirect_dma semaphore(%arg12 : memref<!tpu.dma_semaphore, #tpu.memory_space<semaphore_mem>>) src(%dma_wait3A_57 : memref<10240x128xf32, #tpu.memory_space<hbm>>) dst(%arg10 : memref<125x128xf32, #tpu.memory_space<vmem>>)
      %mul3A_58 = arith.constant 2 : i32
      %mul3A_59 = arith.muli %mul3A_58, %scan3A_39 : i32
      "tpu.region"() ({
        %run_scoped3A_77 = tpu.sem_alloc : memref<!tpu.dma_semaphore, #tpu.memory_space<semaphore_mem>>
        %dma_start3A_78 = arith.constant 0 : i32
        %dma_start3A_79 = tpu.memref_slice %arg9[%mul3A_59, %dma_start3A_78] : memref<40x125xi32, #tpu.memory_space<vmem>> -> memref<1x125xi32, #tpu.memory_space<vmem>>
        %dma_start3A_80 = tpu.memref_squeeze %dma_start3A_79 : memref<1x125xi32, #tpu.memory_space<vmem>> -> memref<125xi32, #tpu.memory_space<vmem>>
        %dma_start3A_81 = arith.constant 0 : i32
        %dma_start3A_82 = arith.constant 0 : i32
        %dma_start3A_83 = tpu.memref_slice %arg7[%dma_start3A_81, %dma_start3A_82] : memref<10240x128xf32, #tpu.memory_space<vmem_shared>> -> memref<10240x128xf32, #tpu.memory_space<vmem_shared>>
        tpu.enqueue_indirect_dma source(%arg10 : memref<125x128xf32, #tpu.memory_space<vmem>>) target(%dma_start3A_83 : memref<10240x128xf32, #tpu.memory_space<vmem_shared>>) offsets(%dma_start3A_80 : memref<125xi32, #tpu.memory_space<vmem>>) semaphore(%run_scoped3A_77 : memref<!tpu.dma_semaphore, #tpu.memory_space<semaphore_mem>>) {add = true}
        %dma_wait3A_84 = arith.constant 0 : i32
        %dma_wait3A_85 = tpu.memref_slice %arg9[%mul3A_59, %dma_wait3A_84] : memref<40x125xi32, #tpu.memory_space<vmem>> -> memref<1x125xi32, #tpu.memory_space<vmem>>
        %dma_wait3A_86 = tpu.memref_squeeze %dma_wait3A_85 : memref<1x125xi32, #tpu.memory_space<vmem>> -> memref<125xi32, #tpu.memory_space<vmem>>
        %dma_wait3A_87 = arith.constant 0 : i32
        %dma_wait3A_88 = arith.constant 0 : i32
        %dma_wait3A_89 = tpu.memref_slice %arg7[%dma_wait3A_87, %dma_wait3A_88] : memref<10240x128xf32, #tpu.memory_space<vmem_shared>> -> memref<10240x128xf32, #tpu.memory_space<vmem_shared>>
        tpu.wait_indirect_dma semaphore(%run_scoped3A_77 : memref<!tpu.dma_semaphore, #tpu.memory_space<semaphore_mem>>) src(%arg10 : memref<125x128xf32, #tpu.memory_space<vmem>>) dst(%dma_wait3A_89 : memref<10240x128xf32, #tpu.memory_space<vmem_shared>>)
        tpu.yield
      }) : () -> ()
      %lt3A = arith.constant 19 : i32
      %lt3A_60 = arith.cmpi slt, %scan3A_39, %lt3A : i32
      %convert_element_type3A = arith.extui %lt3A_60 : i1 to i32
      %cond3A = arith.constant 0 : i32
      %cond3A_61 = arith.cmpi ne, %convert_element_type3A, %cond3A : i32
      scf.if %cond3A_61 {
        %mul3A_77 = arith.constant 2 : i32
        %mul3A_78 = arith.muli %mul3A_77, %scan3A_39 : i32
        %add3A_79 = arith.constant 2 : i32
        %add3A_80 = arith.addi %mul3A_78, %add3A_79 : i32
        %dma_start3A_81 = arith.constant 0 : i32
        %dma_start3A_82 = tpu.memref_slice %arg8[%add3A_80, %dma_start3A_81] : memref<40x125xi32, #tpu.memory_space<vmem>> -> memref<1x125xi32, #tpu.memory_space<vmem>>
        %dma_start3A_83 = tpu.memref_squeeze %dma_start3A_82 : memref<1x125xi32, #tpu.memory_space<vmem>> -> memref<125xi32, #tpu.memory_space<vmem>>
        %dma_start3A_84 = arith.constant 0 : i32
        %dma_start3A_85 = arith.constant 0 : i32
        %dma_start3A_86 = tpu.memref_slice %arg2[%dma_start3A_84, %dma_start3A_85] : memref<10240x128xf32, #tpu.memory_space<hbm>> -> memref<10240x128xf32, #tpu.memory_space<hbm>>
        tpu.enqueue_indirect_dma source(%dma_start3A_86 : memref<10240x128xf32, #tpu.memory_space<hbm>>) target(%arg10 : memref<125x128xf32, #tpu.memory_space<vmem>>) offsets(%dma_start3A_83 : memref<125xi32, #tpu.memory_space<vmem>>) semaphore(%arg12 : memref<!tpu.dma_semaphore, #tpu.memory_space<semaphore_mem>>)
      } else {
      }
      %mul3A_62 = arith.constant 2 : i32
      %mul3A_63 = arith.muli %mul3A_62, %scan3A_39 : i32
      %add3A_64 = arith.constant 1 : i32
      %add3A_65 = arith.addi %mul3A_63, %add3A_64 : i32
      %dma_wait3A_66 = arith.constant 0 : i32
      %dma_wait3A_67 = tpu.memref_slice %arg8[%add3A_65, %dma_wait3A_66] : memref<40x125xi32, #tpu.memory_space<vmem>> -> memref<1x125xi32, #tpu.memory_space<vmem>>
      %dma_wait3A_68 = tpu.memref_squeeze %dma_wait3A_67 : memref<1x125xi32, #tpu.memory_space<vmem>> -> memref<125xi32, #tpu.memory_space<vmem>>
      %dma_wait3A_69 = arith.constant 0 : i32
      %dma_wait3A_70 = arith.constant 0 : i32
      %dma_wait3A_71 = tpu.memref_slice %arg2[%dma_wait3A_69, %dma_wait3A_70] : memref<10240x128xf32, #tpu.memory_space<hbm>> -> memref<10240x128xf32, #tpu.memory_space<hbm>>
      tpu.wait_indirect_dma semaphore(%arg13 : memref<!tpu.dma_semaphore, #tpu.memory_space<semaphore_mem>>) src(%dma_wait3A_71 : memref<10240x128xf32, #tpu.memory_space<hbm>>) dst(%arg11 : memref<125x128xf32, #tpu.memory_space<vmem>>)
      %mul3A_72 = arith.constant 2 : i32
      %mul3A_73 = arith.muli %mul3A_72, %scan3A_39 : i32
      %add3A_74 = arith.constant 1 : i32
      %add3A_75 = arith.addi %mul3A_73, %add3A_74 : i32
      "tpu.region"() ({
        %run_scoped3A_77 = tpu.sem_alloc : memref<!tpu.dma_semaphore, #tpu.memory_space<semaphore_mem>>
        %dma_start3A_78 = arith.constant 0 : i32
        %dma_start3A_79 = tpu.memref_slice %arg9[%add3A_75, %dma_start3A_78] : memref<40x125xi32, #tpu.memory_space<vmem>> -> memref<1x125xi32, #tpu.memory_space<vmem>>
        %dma_start3A_80 = tpu.memref_squeeze %dma_start3A_79 : memref<1x125xi32, #tpu.memory_space<vmem>> -> memref<125xi32, #tpu.memory_space<vmem>>
        %dma_start3A_81 = arith.constant 0 : i32
        %dma_start3A_82 = arith.constant 0 : i32
        %dma_start3A_83 = tpu.memref_slice %arg7[%dma_start3A_81, %dma_start3A_82] : memref<10240x128xf32, #tpu.memory_space<vmem_shared>> -> memref<10240x128xf32, #tpu.memory_space<vmem_shared>>
        tpu.enqueue_indirect_dma source(%arg11 : memref<125x128xf32, #tpu.memory_space<vmem>>) target(%dma_start3A_83 : memref<10240x128xf32, #tpu.memory_space<vmem_shared>>) offsets(%dma_start3A_80 : memref<125xi32, #tpu.memory_space<vmem>>) semaphore(%run_scoped3A_77 : memref<!tpu.dma_semaphore, #tpu.memory_space<semaphore_mem>>) {add = true}
        %dma_wait3A_84 = arith.constant 0 : i32
        %dma_wait3A_85 = tpu.memref_slice %arg9[%add3A_75, %dma_wait3A_84] : memref<40x125xi32, #tpu.memory_space<vmem>> -> memref<1x125xi32, #tpu.memory_space<vmem>>
        %dma_wait3A_86 = tpu.memref_squeeze %dma_wait3A_85 : memref<1x125xi32, #tpu.memory_space<vmem>> -> memref<125xi32, #tpu.memory_space<vmem>>
        %dma_wait3A_87 = arith.constant 0 : i32
        %dma_wait3A_88 = arith.constant 0 : i32
        %dma_wait3A_89 = tpu.memref_slice %arg7[%dma_wait3A_87, %dma_wait3A_88] : memref<10240x128xf32, #tpu.memory_space<vmem_shared>> -> memref<10240x128xf32, #tpu.memory_space<vmem_shared>>
        tpu.wait_indirect_dma semaphore(%run_scoped3A_77 : memref<!tpu.dma_semaphore, #tpu.memory_space<semaphore_mem>>) src(%arg11 : memref<125x128xf32, #tpu.memory_space<vmem>>) dst(%dma_wait3A_89 : memref<10240x128xf32, #tpu.memory_space<vmem_shared>>)
        tpu.yield
      }) : () -> ()
      %scan3A_76 = arith.constant 0 : i32
      scf.yield %scan3A_76 : i32
    }
    %scan3A_33 = arith.constant 20 : i32
    %barrier3A_34 = arith.constant 0 : index
    tpu.barrier barrier_id(%barrier3A_34)
    %mul3A_35 = arith.constant 640 : i32
    %mul3A_36 = arith.muli %arg1, %mul3A_35 : i32
    %mul3A_37 = arith.constant 640 : i32
    %mul3A_38 = arith.muli %arg1, %mul3A_37 : i32
    "tpu.region"() ({
      %run_scoped3A_39 = tpu.sem_alloc : memref<!tpu.dma_semaphore, #tpu.memory_space<semaphore_mem>>
      %dma_start3A_40 = arith.constant 0 : i32
      %dma_start3A_41 = arith.constant 0 : i32
      %dma_start3A_42 = tpu.memref_slice %arg6[%arg0, %dma_start3A_40, %dma_start3A_41] : memref<2x10240x128xf32, #tpu.memory_space<hbm>> -> memref<1x10240x128xf32, #tpu.memory_space<hbm>>
      %dma_start3A_43 = tpu.memref_squeeze %dma_start3A_42 : memref<1x10240x128xf32, #tpu.memory_space<hbm>> -> memref<10240x128xf32, #tpu.memory_space<hbm>>
      %dma_start3A_44 = arith.constant 0 : i32
      %dma_start3A_45 = tpu.memref_slice %dma_start3A_43[%mul3A_38, %dma_start3A_44] : memref<10240x128xf32, #tpu.memory_space<hbm>> -> memref<640x128xf32, #tpu.memory_space<hbm>>
      %dma_start3A_46 = arith.constant 0 : i32
      %dma_start3A_47 = tpu.memref_slice %arg7[%mul3A_36, %dma_start3A_46] : memref<10240x128xf32, #tpu.memory_space<vmem_shared>> -> memref<640x128xf32, #tpu.memory_space<vmem_shared>>
      tpu.enqueue_dma source(%dma_start3A_47 : memref<640x128xf32, #tpu.memory_space<vmem_shared>>) target(%dma_start3A_45 : memref<640x128xf32, #tpu.memory_space<hbm>>) target_semaphore(%run_scoped3A_39 : memref<!tpu.dma_semaphore, #tpu.memory_space<semaphore_mem>>)
      %dma_wait3A = arith.constant 0 : i32
      %dma_wait3A_48 = arith.constant 0 : i32
      %dma_wait3A_49 = tpu.memref_slice %arg6[%arg0, %dma_wait3A, %dma_wait3A_48] : memref<2x10240x128xf32, #tpu.memory_space<hbm>> -> memref<1x10240x128xf32, #tpu.memory_space<hbm>>
      %dma_wait3A_50 = tpu.memref_squeeze %dma_wait3A_49 : memref<1x10240x128xf32, #tpu.memory_space<hbm>> -> memref<10240x128xf32, #tpu.memory_space<hbm>>
      %dma_wait3A_51 = arith.constant 0 : i32
      %dma_wait3A_52 = tpu.memref_slice %dma_wait3A_50[%mul3A_38, %dma_wait3A_51] : memref<10240x128xf32, #tpu.memory_space<hbm>> -> memref<640x128xf32, #tpu.memory_space<hbm>>
      %dma_wait3A_53 = arith.constant 0 : i32
      %dma_wait3A_54 = tpu.memref_slice %arg7[%mul3A_36, %dma_wait3A_53] : memref<10240x128xf32, #tpu.memory_space<vmem_shared>> -> memref<640x128xf32, #tpu.memory_space<vmem_shared>>
      tpu.wait_dma2 semaphore(%run_scoped3A_39 : memref<!tpu.dma_semaphore, #tpu.memory_space<semaphore_mem>>) src(%dma_wait3A_54 : memref<640x128xf32, #tpu.memory_space<vmem_shared>>) dst(%dma_wait3A_52 : memref<640x128xf32, #tpu.memory_space<hbm>>)
      tpu.yield
    }) : () -> ()
    return
  }
}

#map = affine_map<(d0, d1) -> (0, 0, 0)>
#map1 = affine_map<(d0, d1) -> (0, 0)>
module attributes {stable_mosaic.version = 14 : i64} {
  func.func @_deg_body(%arg0: i32, %arg1: i32, %arg2: memref<32x80x125xi32, #tpu.memory_space<hbm>>, %arg3: memref<125x128xf32, #tpu.memory_space<hbm>>, %arg4: memref<10240x128xf32, #tpu.memory_space<hbm>>, %arg5: memref<2x10240x128xf32, #tpu.memory_space<hbm>>, %arg6: memref<10240x128xf32, #tpu.memory_space<vmem_shared>>, %arg7: memref<80x125xi32, #tpu.memory_space<vmem>>, %arg8: memref<125x128xf32, #tpu.memory_space<vmem>>, %arg9: memref<!tpu.dma_semaphore, #tpu.memory_space<semaphore_mem>>) attributes {dimension_semantics = [#tpu.dimension_semantics<core_parallel>, #tpu.dimension_semantics<subcore_parallel>], iteration_bounds = array<i64: 2, 16>, scalar_prefetch = 0 : i64, scratch_operands = 4 : i64, tpu.core_type = #tpu.core_type<sc_vector_subcore>, window_params = [{transform_indices = #map}, {transform_indices = #map1}, {transform_indices = #map1}, {transform_indices = #map}]} {
    %mul3A = arith.constant 2 : i32
    %mul3A_0 = arith.muli %arg1, %mul3A : i32
    %add3A = arith.addi %mul3A_0, %arg0 : i32
    "tpu.region"() ({
      %run_scoped3A = tpu.sem_alloc : memref<!tpu.dma_semaphore, #tpu.memory_space<semaphore_mem>>
      %dma_start3A = arith.constant 0 : i32
      %dma_start3A_43 = arith.constant 0 : i32
      %dma_start3A_44 = tpu.memref_slice %arg2[%add3A, %dma_start3A, %dma_start3A_43] : memref<32x80x125xi32, #tpu.memory_space<hbm>> -> memref<1x80x125xi32, #tpu.memory_space<hbm>>
      %dma_start3A_45 = tpu.memref_squeeze %dma_start3A_44 : memref<1x80x125xi32, #tpu.memory_space<hbm>> -> memref<80x125xi32, #tpu.memory_space<hbm>>
      %dma_start3A_46 = arith.constant 0 : i32
      %dma_start3A_47 = arith.constant 0 : i32
      %dma_start3A_48 = tpu.memref_slice %arg2[%add3A, %dma_start3A_46, %dma_start3A_47] : memref<32x80x125xi32, #tpu.memory_space<hbm>> -> memref<1x80x125xi32, #tpu.memory_space<hbm>>
      %dma_start3A_49 = tpu.memref_squeeze %dma_start3A_48 : memref<1x80x125xi32, #tpu.memory_space<hbm>> -> memref<80x125xi32, #tpu.memory_space<hbm>>
      tpu.enqueue_dma source(%dma_start3A_49 : memref<80x125xi32, #tpu.memory_space<hbm>>) target(%arg7 : memref<80x125xi32, #tpu.memory_space<vmem>>) target_semaphore(%run_scoped3A : memref<!tpu.dma_semaphore, #tpu.memory_space<semaphore_mem>>)
      %dma_wait3A_50 = arith.constant 0 : i32
      %dma_wait3A_51 = arith.constant 0 : i32
      %dma_wait3A_52 = tpu.memref_slice %arg2[%add3A, %dma_wait3A_50, %dma_wait3A_51] : memref<32x80x125xi32, #tpu.memory_space<hbm>> -> memref<1x80x125xi32, #tpu.memory_space<hbm>>
      %dma_wait3A_53 = tpu.memref_squeeze %dma_wait3A_52 : memref<1x80x125xi32, #tpu.memory_space<hbm>> -> memref<80x125xi32, #tpu.memory_space<hbm>>
      %dma_wait3A_54 = arith.constant 0 : i32
      %dma_wait3A_55 = arith.constant 0 : i32
      %dma_wait3A_56 = tpu.memref_slice %arg2[%add3A, %dma_wait3A_54, %dma_wait3A_55] : memref<32x80x125xi32, #tpu.memory_space<hbm>> -> memref<1x80x125xi32, #tpu.memory_space<hbm>>
      %dma_wait3A_57 = tpu.memref_squeeze %dma_wait3A_56 : memref<1x80x125xi32, #tpu.memory_space<hbm>> -> memref<80x125xi32, #tpu.memory_space<hbm>>
      tpu.wait_dma2 semaphore(%run_scoped3A : memref<!tpu.dma_semaphore, #tpu.memory_space<semaphore_mem>>) src(%dma_wait3A_57 : memref<80x125xi32, #tpu.memory_space<hbm>>) dst(%arg7 : memref<80x125xi32, #tpu.memory_space<vmem>>)
      tpu.yield
    }) : () -> ()
    "tpu.region"() ({
      %run_scoped3A = tpu.sem_alloc : memref<!tpu.dma_semaphore, #tpu.memory_space<semaphore_mem>>
      tpu.enqueue_dma source(%arg3 : memref<125x128xf32, #tpu.memory_space<hbm>>) target(%arg8 : memref<125x128xf32, #tpu.memory_space<vmem>>) target_semaphore(%run_scoped3A : memref<!tpu.dma_semaphore, #tpu.memory_space<semaphore_mem>>)
      tpu.wait_dma2 semaphore(%run_scoped3A : memref<!tpu.dma_semaphore, #tpu.memory_space<semaphore_mem>>) src(%arg3 : memref<125x128xf32, #tpu.memory_space<hbm>>) dst(%arg8 : memref<125x128xf32, #tpu.memory_space<vmem>>)
      tpu.yield
    }) : () -> ()
    %mul3A_1 = arith.constant 640 : i32
    %mul3A_2 = arith.muli %arg1, %mul3A_1 : i32
    %mul3A_3 = arith.constant 640 : i32
    %mul3A_4 = arith.muli %arg1, %mul3A_3 : i32
    "tpu.region"() ({
      %run_scoped3A = tpu.sem_alloc : memref<!tpu.dma_semaphore, #tpu.memory_space<semaphore_mem>>
      %dma_start3A = arith.constant 0 : i32
      %dma_start3A_43 = tpu.memref_slice %arg6[%mul3A_4, %dma_start3A] : memref<10240x128xf32, #tpu.memory_space<vmem_shared>> -> memref<640x128xf32, #tpu.memory_space<vmem_shared>>
      %dma_start3A_44 = arith.constant 0 : i32
      %dma_start3A_45 = tpu.memref_slice %arg4[%mul3A_2, %dma_start3A_44] : memref<10240x128xf32, #tpu.memory_space<hbm>> -> memref<640x128xf32, #tpu.memory_space<hbm>>
      tpu.enqueue_dma source(%dma_start3A_45 : memref<640x128xf32, #tpu.memory_space<hbm>>) target(%dma_start3A_43 : memref<640x128xf32, #tpu.memory_space<vmem_shared>>) target_semaphore(%run_scoped3A : memref<!tpu.dma_semaphore, #tpu.memory_space<semaphore_mem>>)
      %dma_wait3A_46 = arith.constant 0 : i32
      %dma_wait3A_47 = tpu.memref_slice %arg6[%mul3A_4, %dma_wait3A_46] : memref<10240x128xf32, #tpu.memory_space<vmem_shared>> -> memref<640x128xf32, #tpu.memory_space<vmem_shared>>
      %dma_wait3A_48 = arith.constant 0 : i32
      %dma_wait3A_49 = tpu.memref_slice %arg4[%mul3A_2, %dma_wait3A_48] : memref<10240x128xf32, #tpu.memory_space<hbm>> -> memref<640x128xf32, #tpu.memory_space<hbm>>
      tpu.wait_dma2 semaphore(%run_scoped3A : memref<!tpu.dma_semaphore, #tpu.memory_space<semaphore_mem>>) src(%dma_wait3A_49 : memref<640x128xf32, #tpu.memory_space<hbm>>) dst(%dma_wait3A_47 : memref<640x128xf32, #tpu.memory_space<vmem_shared>>)
      tpu.yield
    }) : () -> ()
    %barrier3A = arith.constant 0 : index
    tpu.barrier barrier_id(%barrier3A)
    %scan3A = arith.constant 0 : i32
    %scan3A_5 = arith.constant 0 : i32
    %scan3A_6 = arith.constant 80 : i32
    %scan3A_7 = arith.addi %scan3A_5, %scan3A_6 : i32
    %scan3A_8 = arith.constant 1 : i32
    %scan3A_9 = scf.for %scan3A_43 = %scan3A_5 to %scan3A_7 step %scan3A_8 iter_args(%scan3A_44 = %scan3A) -> (i32)  : i32 {
      %dma_start3A = arith.constant 0 : i32
      %dma_start3A_45 = tpu.memref_slice %arg7[%scan3A_43, %dma_start3A] : memref<80x125xi32, #tpu.memory_space<vmem>> -> memref<1x125xi32, #tpu.memory_space<vmem>>
      %dma_start3A_46 = tpu.memref_squeeze %dma_start3A_45 : memref<1x125xi32, #tpu.memory_space<vmem>> -> memref<125xi32, #tpu.memory_space<vmem>>
      %dma_start3A_47 = arith.constant 0 : i32
      %dma_start3A_48 = arith.constant 0 : i32
      %dma_start3A_49 = tpu.memref_slice %arg6[%dma_start3A_47, %dma_start3A_48] : memref<10240x128xf32, #tpu.memory_space<vmem_shared>> -> memref<10240x128xf32, #tpu.memory_space<vmem_shared>>
      tpu.enqueue_indirect_dma source(%arg8 : memref<125x128xf32, #tpu.memory_space<vmem>>) target(%dma_start3A_49 : memref<10240x128xf32, #tpu.memory_space<vmem_shared>>) offsets(%dma_start3A_46 : memref<125xi32, #tpu.memory_space<vmem>>) semaphore(%arg9 : memref<!tpu.dma_semaphore, #tpu.memory_space<semaphore_mem>>) {add = true}
      %ge3A = arith.constant 4 : i32
      %ge3A_50 = arith.cmpi sge, %scan3A_43, %ge3A : i32
      %convert_element_type3A = arith.extui %ge3A_50 : i1 to i32
      %cond3A = arith.constant 0 : i32
      %cond3A_51 = arith.cmpi ne, %convert_element_type3A, %cond3A : i32
      scf.if %cond3A_51 {
        %dma_wait3A_53 = arith.constant 0 : i32
        %dma_wait3A_54 = arith.constant 0 : i32
        %dma_wait3A_55 = tpu.memref_slice %arg7[%dma_wait3A_53, %dma_wait3A_54] : memref<80x125xi32, #tpu.memory_space<vmem>> -> memref<1x125xi32, #tpu.memory_space<vmem>>
        %dma_wait3A_56 = tpu.memref_squeeze %dma_wait3A_55 : memref<1x125xi32, #tpu.memory_space<vmem>> -> memref<125xi32, #tpu.memory_space<vmem>>
        %dma_wait3A_57 = arith.constant 0 : i32
        %dma_wait3A_58 = arith.constant 0 : i32
        %dma_wait3A_59 = tpu.memref_slice %arg6[%dma_wait3A_57, %dma_wait3A_58] : memref<10240x128xf32, #tpu.memory_space<vmem_shared>> -> memref<10240x128xf32, #tpu.memory_space<vmem_shared>>
        tpu.wait_indirect_dma semaphore(%arg9 : memref<!tpu.dma_semaphore, #tpu.memory_space<semaphore_mem>>) src(%arg8 : memref<125x128xf32, #tpu.memory_space<vmem>>) dst(%dma_wait3A_59 : memref<10240x128xf32, #tpu.memory_space<vmem_shared>>)
      } else {
      }
      %scan3A_52 = arith.constant 0 : i32
      scf.yield %scan3A_52 : i32
    }
    %scan3A_10 = arith.constant 80 : i32
    %dma_wait3A = arith.constant 0 : i32
    %dma_wait3A_11 = arith.constant 0 : i32
    %dma_wait3A_12 = tpu.memref_slice %arg7[%dma_wait3A, %dma_wait3A_11] : memref<80x125xi32, #tpu.memory_space<vmem>> -> memref<1x125xi32, #tpu.memory_space<vmem>>
    %dma_wait3A_13 = tpu.memref_squeeze %dma_wait3A_12 : memref<1x125xi32, #tpu.memory_space<vmem>> -> memref<125xi32, #tpu.memory_space<vmem>>
    %dma_wait3A_14 = arith.constant 0 : i32
    %dma_wait3A_15 = arith.constant 0 : i32
    %dma_wait3A_16 = tpu.memref_slice %arg6[%dma_wait3A_14, %dma_wait3A_15] : memref<10240x128xf32, #tpu.memory_space<vmem_shared>> -> memref<10240x128xf32, #tpu.memory_space<vmem_shared>>
    tpu.wait_indirect_dma semaphore(%arg9 : memref<!tpu.dma_semaphore, #tpu.memory_space<semaphore_mem>>) src(%arg8 : memref<125x128xf32, #tpu.memory_space<vmem>>) dst(%dma_wait3A_16 : memref<10240x128xf32, #tpu.memory_space<vmem_shared>>)
    %dma_wait3A_17 = arith.constant 0 : i32
    %dma_wait3A_18 = arith.constant 0 : i32
    %dma_wait3A_19 = tpu.memref_slice %arg7[%dma_wait3A_17, %dma_wait3A_18] : memref<80x125xi32, #tpu.memory_space<vmem>> -> memref<1x125xi32, #tpu.memory_space<vmem>>
    %dma_wait3A_20 = tpu.memref_squeeze %dma_wait3A_19 : memref<1x125xi32, #tpu.memory_space<vmem>> -> memref<125xi32, #tpu.memory_space<vmem>>
    %dma_wait3A_21 = arith.constant 0 : i32
    %dma_wait3A_22 = arith.constant 0 : i32
    %dma_wait3A_23 = tpu.memref_slice %arg6[%dma_wait3A_21, %dma_wait3A_22] : memref<10240x128xf32, #tpu.memory_space<vmem_shared>> -> memref<10240x128xf32, #tpu.memory_space<vmem_shared>>
    tpu.wait_indirect_dma semaphore(%arg9 : memref<!tpu.dma_semaphore, #tpu.memory_space<semaphore_mem>>) src(%arg8 : memref<125x128xf32, #tpu.memory_space<vmem>>) dst(%dma_wait3A_23 : memref<10240x128xf32, #tpu.memory_space<vmem_shared>>)
    %dma_wait3A_24 = arith.constant 0 : i32
    %dma_wait3A_25 = arith.constant 0 : i32
    %dma_wait3A_26 = tpu.memref_slice %arg7[%dma_wait3A_24, %dma_wait3A_25] : memref<80x125xi32, #tpu.memory_space<vmem>> -> memref<1x125xi32, #tpu.memory_space<vmem>>
    %dma_wait3A_27 = tpu.memref_squeeze %dma_wait3A_26 : memref<1x125xi32, #tpu.memory_space<vmem>> -> memref<125xi32, #tpu.memory_space<vmem>>
    %dma_wait3A_28 = arith.constant 0 : i32
    %dma_wait3A_29 = arith.constant 0 : i32
    %dma_wait3A_30 = tpu.memref_slice %arg6[%dma_wait3A_28, %dma_wait3A_29] : memref<10240x128xf32, #tpu.memory_space<vmem_shared>> -> memref<10240x128xf32, #tpu.memory_space<vmem_shared>>
    tpu.wait_indirect_dma semaphore(%arg9 : memref<!tpu.dma_semaphore, #tpu.memory_space<semaphore_mem>>) src(%arg8 : memref<125x128xf32, #tpu.memory_space<vmem>>) dst(%dma_wait3A_30 : memref<10240x128xf32, #tpu.memory_space<vmem_shared>>)
    %dma_wait3A_31 = arith.constant 0 : i32
    %dma_wait3A_32 = arith.constant 0 : i32
    %dma_wait3A_33 = tpu.memref_slice %arg7[%dma_wait3A_31, %dma_wait3A_32] : memref<80x125xi32, #tpu.memory_space<vmem>> -> memref<1x125xi32, #tpu.memory_space<vmem>>
    %dma_wait3A_34 = tpu.memref_squeeze %dma_wait3A_33 : memref<1x125xi32, #tpu.memory_space<vmem>> -> memref<125xi32, #tpu.memory_space<vmem>>
    %dma_wait3A_35 = arith.constant 0 : i32
    %dma_wait3A_36 = arith.constant 0 : i32
    %dma_wait3A_37 = tpu.memref_slice %arg6[%dma_wait3A_35, %dma_wait3A_36] : memref<10240x128xf32, #tpu.memory_space<vmem_shared>> -> memref<10240x128xf32, #tpu.memory_space<vmem_shared>>
    tpu.wait_indirect_dma semaphore(%arg9 : memref<!tpu.dma_semaphore, #tpu.memory_space<semaphore_mem>>) src(%arg8 : memref<125x128xf32, #tpu.memory_space<vmem>>) dst(%dma_wait3A_37 : memref<10240x128xf32, #tpu.memory_space<vmem_shared>>)
    %barrier3A_38 = arith.constant 0 : index
    tpu.barrier barrier_id(%barrier3A_38)
    %mul3A_39 = arith.constant 640 : i32
    %mul3A_40 = arith.muli %arg1, %mul3A_39 : i32
    %mul3A_41 = arith.constant 640 : i32
    %mul3A_42 = arith.muli %arg1, %mul3A_41 : i32
    "tpu.region"() ({
      %run_scoped3A = tpu.sem_alloc : memref<!tpu.dma_semaphore, #tpu.memory_space<semaphore_mem>>
      %dma_start3A = arith.constant 0 : i32
      %dma_start3A_43 = arith.constant 0 : i32
      %dma_start3A_44 = tpu.memref_slice %arg5[%arg0, %dma_start3A, %dma_start3A_43] : memref<2x10240x128xf32, #tpu.memory_space<hbm>> -> memref<1x10240x128xf32, #tpu.memory_space<hbm>>
      %dma_start3A_45 = tpu.memref_squeeze %dma_start3A_44 : memref<1x10240x128xf32, #tpu.memory_space<hbm>> -> memref<10240x128xf32, #tpu.memory_space<hbm>>
      %dma_start3A_46 = arith.constant 0 : i32
      %dma_start3A_47 = tpu.memref_slice %dma_start3A_45[%mul3A_42, %dma_start3A_46] : memref<10240x128xf32, #tpu.memory_space<hbm>> -> memref<640x128xf32, #tpu.memory_space<hbm>>
      %dma_start3A_48 = arith.constant 0 : i32
      %dma_start3A_49 = tpu.memref_slice %arg6[%mul3A_40, %dma_start3A_48] : memref<10240x128xf32, #tpu.memory_space<vmem_shared>> -> memref<640x128xf32, #tpu.memory_space<vmem_shared>>
      tpu.enqueue_dma source(%dma_start3A_49 : memref<640x128xf32, #tpu.memory_space<vmem_shared>>) target(%dma_start3A_47 : memref<640x128xf32, #tpu.memory_space<hbm>>) target_semaphore(%run_scoped3A : memref<!tpu.dma_semaphore, #tpu.memory_space<semaphore_mem>>)
      %dma_wait3A_50 = arith.constant 0 : i32
      %dma_wait3A_51 = arith.constant 0 : i32
      %dma_wait3A_52 = tpu.memref_slice %arg5[%arg0, %dma_wait3A_50, %dma_wait3A_51] : memref<2x10240x128xf32, #tpu.memory_space<hbm>> -> memref<1x10240x128xf32, #tpu.memory_space<hbm>>
      %dma_wait3A_53 = tpu.memref_squeeze %dma_wait3A_52 : memref<1x10240x128xf32, #tpu.memory_space<hbm>> -> memref<10240x128xf32, #tpu.memory_space<hbm>>
      %dma_wait3A_54 = arith.constant 0 : i32
      %dma_wait3A_55 = tpu.memref_slice %dma_wait3A_53[%mul3A_42, %dma_wait3A_54] : memref<10240x128xf32, #tpu.memory_space<hbm>> -> memref<640x128xf32, #tpu.memory_space<hbm>>
      %dma_wait3A_56 = arith.constant 0 : i32
      %dma_wait3A_57 = tpu.memref_slice %arg6[%mul3A_40, %dma_wait3A_56] : memref<10240x128xf32, #tpu.memory_space<vmem_shared>> -> memref<640x128xf32, #tpu.memory_space<vmem_shared>>
      tpu.wait_dma2 semaphore(%run_scoped3A : memref<!tpu.dma_semaphore, #tpu.memory_space<semaphore_mem>>) src(%dma_wait3A_57 : memref<640x128xf32, #tpu.memory_space<vmem_shared>>) dst(%dma_wait3A_55 : memref<640x128xf32, #tpu.memory_space<hbm>>)
      tpu.yield
    }) : () -> ()
    return
  }
}

#map = affine_map<(d0, d1) -> (0, 0)>
#map1 = affine_map<(d0, d1) -> (0)>
module attributes {stable_mosaic.version = 14 : i64} {
  func.func @_tgt_gather_body(%arg0: i32, %arg1: i32, %arg2: memref<10240x128xf32, #tpu.memory_space<hbm>>, %arg3: memref<4096xi32, #tpu.memory_space<hbm>>, %arg4: memref<4096x128xf32, #tpu.memory_space<hbm>>, %arg5: memref<128xi32, #tpu.memory_space<vmem>>, %arg6: memref<128x128xf32, #tpu.memory_space<vmem>>, %arg7: memref<!tpu.dma_semaphore, #tpu.memory_space<semaphore_mem>>) attributes {dimension_semantics = [#tpu.dimension_semantics<core_parallel>, #tpu.dimension_semantics<subcore_parallel>], iteration_bounds = array<i64: 2, 16>, scalar_prefetch = 0 : i64, scratch_operands = 3 : i64, tpu.core_type = #tpu.core_type<sc_vector_subcore>, window_params = [{transform_indices = #map}, {transform_indices = #map1}, {transform_indices = #map}]} {
    %mul3A = arith.constant 2 : i32
    %mul3A_0 = arith.muli %arg1, %mul3A : i32
    %add3A = arith.addi %mul3A_0, %arg0 : i32
    %mul3A_1 = arith.constant 128 : i32
    %mul3A_2 = arith.muli %add3A, %mul3A_1 : i32
    "tpu.region"() ({
      %run_scoped3A = tpu.sem_alloc : memref<!tpu.dma_semaphore, #tpu.memory_space<semaphore_mem>>
      %dma_start3A_7 = tpu.memref_slice %arg3[%mul3A_2] : memref<4096xi32, #tpu.memory_space<hbm>> -> memref<128xi32, #tpu.memory_space<hbm>>
      %dma_start3A_8 = tpu.memref_slice %arg3[%mul3A_2] : memref<4096xi32, #tpu.memory_space<hbm>> -> memref<128xi32, #tpu.memory_space<hbm>>
      tpu.enqueue_dma source(%dma_start3A_8 : memref<128xi32, #tpu.memory_space<hbm>>) target(%arg5 : memref<128xi32, #tpu.memory_space<vmem>>) target_semaphore(%run_scoped3A : memref<!tpu.dma_semaphore, #tpu.memory_space<semaphore_mem>>)
      %dma_wait3A_9 = tpu.memref_slice %arg3[%mul3A_2] : memref<4096xi32, #tpu.memory_space<hbm>> -> memref<128xi32, #tpu.memory_space<hbm>>
      %dma_wait3A_10 = tpu.memref_slice %arg3[%mul3A_2] : memref<4096xi32, #tpu.memory_space<hbm>> -> memref<128xi32, #tpu.memory_space<hbm>>
      tpu.wait_dma2 semaphore(%run_scoped3A : memref<!tpu.dma_semaphore, #tpu.memory_space<semaphore_mem>>) src(%dma_wait3A_10 : memref<128xi32, #tpu.memory_space<hbm>>) dst(%arg5 : memref<128xi32, #tpu.memory_space<vmem>>)
      tpu.yield
    }) : () -> ()
    %dma_start3A = arith.constant 0 : i32
    %dma_start3A_3 = arith.constant 0 : i32
    %dma_start3A_4 = tpu.memref_slice %arg2[%dma_start3A, %dma_start3A_3] : memref<10240x128xf32, #tpu.memory_space<hbm>> -> memref<10240x128xf32, #tpu.memory_space<hbm>>
    tpu.enqueue_indirect_dma source(%dma_start3A_4 : memref<10240x128xf32, #tpu.memory_space<hbm>>) target(%arg6 : memref<128x128xf32, #tpu.memory_space<vmem>>) offsets(%arg5 : memref<128xi32, #tpu.memory_space<vmem>>) semaphore(%arg7 : memref<!tpu.dma_semaphore, #tpu.memory_space<semaphore_mem>>)
    %dma_wait3A = arith.constant 0 : i32
    %dma_wait3A_5 = arith.constant 0 : i32
    %dma_wait3A_6 = tpu.memref_slice %arg2[%dma_wait3A, %dma_wait3A_5] : memref<10240x128xf32, #tpu.memory_space<hbm>> -> memref<10240x128xf32, #tpu.memory_space<hbm>>
    tpu.wait_indirect_dma semaphore(%arg7 : memref<!tpu.dma_semaphore, #tpu.memory_space<semaphore_mem>>) src(%dma_wait3A_6 : memref<10240x128xf32, #tpu.memory_space<hbm>>) dst(%arg6 : memref<128x128xf32, #tpu.memory_space<vmem>>)
    "tpu.region"() ({
      %run_scoped3A = tpu.sem_alloc : memref<!tpu.dma_semaphore, #tpu.memory_space<semaphore_mem>>
      %dma_start3A_7 = arith.constant 0 : i32
      %dma_start3A_8 = tpu.memref_slice %arg4[%mul3A_2, %dma_start3A_7] : memref<4096x128xf32, #tpu.memory_space<hbm>> -> memref<128x128xf32, #tpu.memory_space<hbm>>
      %dma_start3A_9 = arith.constant 0 : i32
      %dma_start3A_10 = tpu.memref_slice %arg4[%mul3A_2, %dma_start3A_9] : memref<4096x128xf32, #tpu.memory_space<hbm>> -> memref<128x128xf32, #tpu.memory_space<hbm>>
      tpu.enqueue_dma source(%arg6 : memref<128x128xf32, #tpu.memory_space<vmem>>) target(%dma_start3A_10 : memref<128x128xf32, #tpu.memory_space<hbm>>) target_semaphore(%run_scoped3A : memref<!tpu.dma_semaphore, #tpu.memory_space<semaphore_mem>>)
      %dma_wait3A_11 = arith.constant 0 : i32
      %dma_wait3A_12 = tpu.memref_slice %arg4[%mul3A_2, %dma_wait3A_11] : memref<4096x128xf32, #tpu.memory_space<hbm>> -> memref<128x128xf32, #tpu.memory_space<hbm>>
      %dma_wait3A_13 = arith.constant 0 : i32
      %dma_wait3A_14 = tpu.memref_slice %arg4[%mul3A_2, %dma_wait3A_13] : memref<4096x128xf32, #tpu.memory_space<hbm>> -> memref<128x128xf32, #tpu.memory_space<hbm>>
      tpu.wait_dma2 semaphore(%run_scoped3A : memref<!tpu.dma_semaphore, #tpu.memory_space<semaphore_mem>>) src(%arg6 : memref<128x128xf32, #tpu.memory_space<vmem>>) dst(%dma_wait3A_14 : memref<128x128xf32, #tpu.memory_space<hbm>>)
      tpu.yield
    }) : () -> ()
    return
  }
}

#map = affine_map<(d0, d1) -> (0, 0)>
#map1 = affine_map<(d0, d1) -> (0, 0, 0, 0)>
#map2 = affine_map<(d0, d1) -> (0, 0, 0)>
module attributes {stable_mosaic.version = 14 : i64} {
  func.func @_agg_body(%arg0: i32, %arg1: i32, %arg2: memref<10240x128xf32, #tpu.memory_space<hbm>>, %arg3: memref<32x2x40x125xi32, #tpu.memory_space<hbm>>, %arg4: memref<32x2x40x125xi32, #tpu.memory_space<hbm>>, %arg5: memref<10240x128xf32, #tpu.memory_space<hbm>>, %arg6: memref<2x10240x128xf32, #tpu.memory_space<hbm>>, %arg7: memref<10240x128xf32, #tpu.memory_space<vmem_shared>>, %arg8: memref<40x125xi32, #tpu.memory_space<vmem>>, %arg9: memref<40x125xi32, #tpu.memory_space<vmem>>, %arg10: memref<125x128xf32, #tpu.memory_space<vmem>>, %arg11: memref<125x128xf32, #tpu.memory_space<vmem>>, %arg12: memref<!tpu.dma_semaphore, #tpu.memory_space<semaphore_mem>>, %arg13: memref<!tpu.dma_semaphore, #tpu.memory_space<semaphore_mem>>) attributes {dimension_semantics = [#tpu.dimension_semantics<core_parallel>, #tpu.dimension_semantics<subcore_parallel>], iteration_bounds = array<i64: 2, 16>, scalar_prefetch = 0 : i64, scratch_operands = 7 : i64, tpu.core_type = #tpu.core_type<sc_vector_subcore>, window_params = [{transform_indices = #map}, {transform_indices = #map1}, {transform_indices = #map1}, {transform_indices = #map}, {transform_indices = #map2}]} {
    %mul3A = arith.constant 2 : i32
    %mul3A_0 = arith.muli %arg1, %mul3A : i32
    %add3A = arith.addi %mul3A_0, %arg0 : i32
    %mul3A_1 = arith.constant 640 : i32
    %mul3A_2 = arith.muli %arg1, %mul3A_1 : i32
    %mul3A_3 = arith.constant 640 : i32
    %mul3A_4 = arith.muli %arg1, %mul3A_3 : i32
    "tpu.region"() ({
      %run_scoped3A_39 = tpu.sem_alloc : memref<!tpu.dma_semaphore, #tpu.memory_space<semaphore_mem>>
      %dma_start3A_40 = arith.constant 0 : i32
      %dma_start3A_41 = tpu.memref_slice %arg7[%mul3A_4, %dma_start3A_40] : memref<10240x128xf32, #tpu.memory_space<vmem_shared>> -> memref<640x128xf32, #tpu.memory_space<vmem_shared>>
      %dma_start3A_42 = arith.constant 0 : i32
      %dma_start3A_43 = tpu.memref_slice %arg5[%mul3A_2, %dma_start3A_42] : memref<10240x128xf32, #tpu.memory_space<hbm>> -> memref<640x128xf32, #tpu.memory_space<hbm>>
      tpu.enqueue_dma source(%dma_start3A_43 : memref<640x128xf32, #tpu.memory_space<hbm>>) target(%dma_start3A_41 : memref<640x128xf32, #tpu.memory_space<vmem_shared>>) target_semaphore(%run_scoped3A_39 : memref<!tpu.dma_semaphore, #tpu.memory_space<semaphore_mem>>)
      %dma_wait3A = arith.constant 0 : i32
      %dma_wait3A_44 = tpu.memref_slice %arg7[%mul3A_4, %dma_wait3A] : memref<10240x128xf32, #tpu.memory_space<vmem_shared>> -> memref<640x128xf32, #tpu.memory_space<vmem_shared>>
      %dma_wait3A_45 = arith.constant 0 : i32
      %dma_wait3A_46 = tpu.memref_slice %arg5[%mul3A_2, %dma_wait3A_45] : memref<10240x128xf32, #tpu.memory_space<hbm>> -> memref<640x128xf32, #tpu.memory_space<hbm>>
      tpu.wait_dma2 semaphore(%run_scoped3A_39 : memref<!tpu.dma_semaphore, #tpu.memory_space<semaphore_mem>>) src(%dma_wait3A_46 : memref<640x128xf32, #tpu.memory_space<hbm>>) dst(%dma_wait3A_44 : memref<640x128xf32, #tpu.memory_space<vmem_shared>>)
      tpu.yield
    }) : () -> ()
    %barrier3A = arith.constant 0 : index
    tpu.barrier barrier_id(%barrier3A)
    %run_scoped3A = arith.constant 0 : i32
    "tpu.region"() ({
      %run_scoped3A_39 = tpu.sem_alloc : memref<!tpu.dma_semaphore, #tpu.memory_space<semaphore_mem>>
      %dma_start3A_40 = arith.constant 0 : i32
      %dma_start3A_41 = arith.constant 0 : i32
      %dma_start3A_42 = arith.constant 0 : i32
      %dma_start3A_43 = tpu.memref_slice %arg3[%add3A, %dma_start3A_40, %dma_start3A_41, %dma_start3A_42] : memref<32x2x40x125xi32, #tpu.memory_space<hbm>> -> memref<1x2x40x125xi32, #tpu.memory_space<hbm>>
      %dma_start3A_44 = tpu.memref_squeeze %dma_start3A_43 : memref<1x2x40x125xi32, #tpu.memory_space<hbm>> -> memref<2x40x125xi32, #tpu.memory_space<hbm>>
      %dma_start3A_45 = arith.constant 0 : i32
      %dma_start3A_46 = arith.constant 0 : i32
      %dma_start3A_47 = tpu.memref_slice %dma_start3A_44[%run_scoped3A, %dma_start3A_45, %dma_start3A_46] : memref<2x40x125xi32, #tpu.memory_space<hbm>> -> memref<1x40x125xi32, #tpu.memory_space<hbm>>
      %dma_start3A_48 = tpu.memref_squeeze %dma_start3A_47 : memref<1x40x125xi32, #tpu.memory_space<hbm>> -> memref<40x125xi32, #tpu.memory_space<hbm>>
      %dma_start3A_49 = arith.constant 0 : i32
      %dma_start3A_50 = arith.constant 0 : i32
      %dma_start3A_51 = arith.constant 0 : i32
      %dma_start3A_52 = tpu.memref_slice %arg3[%add3A, %dma_start3A_49, %dma_start3A_50, %dma_start3A_51] : memref<32x2x40x125xi32, #tpu.memory_space<hbm>> -> memref<1x2x40x125xi32, #tpu.memory_space<hbm>>
      %dma_start3A_53 = tpu.memref_squeeze %dma_start3A_52 : memref<1x2x40x125xi32, #tpu.memory_space<hbm>> -> memref<2x40x125xi32, #tpu.memory_space<hbm>>
      %dma_start3A_54 = arith.constant 0 : i32
      %dma_start3A_55 = arith.constant 0 : i32
      %dma_start3A_56 = tpu.memref_slice %dma_start3A_53[%run_scoped3A, %dma_start3A_54, %dma_start3A_55] : memref<2x40x125xi32, #tpu.memory_space<hbm>> -> memref<1x40x125xi32, #tpu.memory_space<hbm>>
      %dma_start3A_57 = tpu.memref_squeeze %dma_start3A_56 : memref<1x40x125xi32, #tpu.memory_space<hbm>> -> memref<40x125xi32, #tpu.memory_space<hbm>>
      tpu.enqueue_dma source(%dma_start3A_57 : memref<40x125xi32, #tpu.memory_space<hbm>>) target(%arg8 : memref<40x125xi32, #tpu.memory_space<vmem>>) target_semaphore(%run_scoped3A_39 : memref<!tpu.dma_semaphore, #tpu.memory_space<semaphore_mem>>)
      %dma_wait3A = arith.constant 0 : i32
      %dma_wait3A_58 = arith.constant 0 : i32
      %dma_wait3A_59 = arith.constant 0 : i32
      %dma_wait3A_60 = tpu.memref_slice %arg3[%add3A, %dma_wait3A, %dma_wait3A_58, %dma_wait3A_59] : memref<32x2x40x125xi32, #tpu.memory_space<hbm>> -> memref<1x2x40x125xi32, #tpu.memory_space<hbm>>
      %dma_wait3A_61 = tpu.memref_squeeze %dma_wait3A_60 : memref<1x2x40x125xi32, #tpu.memory_space<hbm>> -> memref<2x40x125xi32, #tpu.memory_space<hbm>>
      %dma_wait3A_62 = arith.constant 0 : i32
      %dma_wait3A_63 = arith.constant 0 : i32
      %dma_wait3A_64 = tpu.memref_slice %dma_wait3A_61[%run_scoped3A, %dma_wait3A_62, %dma_wait3A_63] : memref<2x40x125xi32, #tpu.memory_space<hbm>> -> memref<1x40x125xi32, #tpu.memory_space<hbm>>
      %dma_wait3A_65 = tpu.memref_squeeze %dma_wait3A_64 : memref<1x40x125xi32, #tpu.memory_space<hbm>> -> memref<40x125xi32, #tpu.memory_space<hbm>>
      %dma_wait3A_66 = arith.constant 0 : i32
      %dma_wait3A_67 = arith.constant 0 : i32
      %dma_wait3A_68 = arith.constant 0 : i32
      %dma_wait3A_69 = tpu.memref_slice %arg3[%add3A, %dma_wait3A_66, %dma_wait3A_67, %dma_wait3A_68] : memref<32x2x40x125xi32, #tpu.memory_space<hbm>> -> memref<1x2x40x125xi32, #tpu.memory_space<hbm>>
      %dma_wait3A_70 = tpu.memref_squeeze %dma_wait3A_69 : memref<1x2x40x125xi32, #tpu.memory_space<hbm>> -> memref<2x40x125xi32, #tpu.memory_space<hbm>>
      %dma_wait3A_71 = arith.constant 0 : i32
      %dma_wait3A_72 = arith.constant 0 : i32
      %dma_wait3A_73 = tpu.memref_slice %dma_wait3A_70[%run_scoped3A, %dma_wait3A_71, %dma_wait3A_72] : memref<2x40x125xi32, #tpu.memory_space<hbm>> -> memref<1x40x125xi32, #tpu.memory_space<hbm>>
      %dma_wait3A_74 = tpu.memref_squeeze %dma_wait3A_73 : memref<1x40x125xi32, #tpu.memory_space<hbm>> -> memref<40x125xi32, #tpu.memory_space<hbm>>
      tpu.wait_dma2 semaphore(%run_scoped3A_39 : memref<!tpu.dma_semaphore, #tpu.memory_space<semaphore_mem>>) src(%dma_wait3A_74 : memref<40x125xi32, #tpu.memory_space<hbm>>) dst(%arg8 : memref<40x125xi32, #tpu.memory_space<vmem>>)
      tpu.yield
    }) : () -> ()
    %run_scoped3A_5 = arith.constant 0 : i32
    "tpu.region"() ({
      %run_scoped3A_39 = tpu.sem_alloc : memref<!tpu.dma_semaphore, #tpu.memory_space<semaphore_mem>>
      %dma_start3A_40 = arith.constant 0 : i32
      %dma_start3A_41 = arith.constant 0 : i32
      %dma_start3A_42 = arith.constant 0 : i32
      %dma_start3A_43 = tpu.memref_slice %arg4[%add3A, %dma_start3A_40, %dma_start3A_41, %dma_start3A_42] : memref<32x2x40x125xi32, #tpu.memory_space<hbm>> -> memref<1x2x40x125xi32, #tpu.memory_space<hbm>>
      %dma_start3A_44 = tpu.memref_squeeze %dma_start3A_43 : memref<1x2x40x125xi32, #tpu.memory_space<hbm>> -> memref<2x40x125xi32, #tpu.memory_space<hbm>>
      %dma_start3A_45 = arith.constant 0 : i32
      %dma_start3A_46 = arith.constant 0 : i32
      %dma_start3A_47 = tpu.memref_slice %dma_start3A_44[%run_scoped3A_5, %dma_start3A_45, %dma_start3A_46] : memref<2x40x125xi32, #tpu.memory_space<hbm>> -> memref<1x40x125xi32, #tpu.memory_space<hbm>>
      %dma_start3A_48 = tpu.memref_squeeze %dma_start3A_47 : memref<1x40x125xi32, #tpu.memory_space<hbm>> -> memref<40x125xi32, #tpu.memory_space<hbm>>
      %dma_start3A_49 = arith.constant 0 : i32
      %dma_start3A_50 = arith.constant 0 : i32
      %dma_start3A_51 = arith.constant 0 : i32
      %dma_start3A_52 = tpu.memref_slice %arg4[%add3A, %dma_start3A_49, %dma_start3A_50, %dma_start3A_51] : memref<32x2x40x125xi32, #tpu.memory_space<hbm>> -> memref<1x2x40x125xi32, #tpu.memory_space<hbm>>
      %dma_start3A_53 = tpu.memref_squeeze %dma_start3A_52 : memref<1x2x40x125xi32, #tpu.memory_space<hbm>> -> memref<2x40x125xi32, #tpu.memory_space<hbm>>
      %dma_start3A_54 = arith.constant 0 : i32
      %dma_start3A_55 = arith.constant 0 : i32
      %dma_start3A_56 = tpu.memref_slice %dma_start3A_53[%run_scoped3A_5, %dma_start3A_54, %dma_start3A_55] : memref<2x40x125xi32, #tpu.memory_space<hbm>> -> memref<1x40x125xi32, #tpu.memory_space<hbm>>
      %dma_start3A_57 = tpu.memref_squeeze %dma_start3A_56 : memref<1x40x125xi32, #tpu.memory_space<hbm>> -> memref<40x125xi32, #tpu.memory_space<hbm>>
      tpu.enqueue_dma source(%dma_start3A_57 : memref<40x125xi32, #tpu.memory_space<hbm>>) target(%arg9 : memref<40x125xi32, #tpu.memory_space<vmem>>) target_semaphore(%run_scoped3A_39 : memref<!tpu.dma_semaphore, #tpu.memory_space<semaphore_mem>>)
      %dma_wait3A = arith.constant 0 : i32
      %dma_wait3A_58 = arith.constant 0 : i32
      %dma_wait3A_59 = arith.constant 0 : i32
      %dma_wait3A_60 = tpu.memref_slice %arg4[%add3A, %dma_wait3A, %dma_wait3A_58, %dma_wait3A_59] : memref<32x2x40x125xi32, #tpu.memory_space<hbm>> -> memref<1x2x40x125xi32, #tpu.memory_space<hbm>>
      %dma_wait3A_61 = tpu.memref_squeeze %dma_wait3A_60 : memref<1x2x40x125xi32, #tpu.memory_space<hbm>> -> memref<2x40x125xi32, #tpu.memory_space<hbm>>
      %dma_wait3A_62 = arith.constant 0 : i32
      %dma_wait3A_63 = arith.constant 0 : i32
      %dma_wait3A_64 = tpu.memref_slice %dma_wait3A_61[%run_scoped3A_5, %dma_wait3A_62, %dma_wait3A_63] : memref<2x40x125xi32, #tpu.memory_space<hbm>> -> memref<1x40x125xi32, #tpu.memory_space<hbm>>
      %dma_wait3A_65 = tpu.memref_squeeze %dma_wait3A_64 : memref<1x40x125xi32, #tpu.memory_space<hbm>> -> memref<40x125xi32, #tpu.memory_space<hbm>>
      %dma_wait3A_66 = arith.constant 0 : i32
      %dma_wait3A_67 = arith.constant 0 : i32
      %dma_wait3A_68 = arith.constant 0 : i32
      %dma_wait3A_69 = tpu.memref_slice %arg4[%add3A, %dma_wait3A_66, %dma_wait3A_67, %dma_wait3A_68] : memref<32x2x40x125xi32, #tpu.memory_space<hbm>> -> memref<1x2x40x125xi32, #tpu.memory_space<hbm>>
      %dma_wait3A_70 = tpu.memref_squeeze %dma_wait3A_69 : memref<1x2x40x125xi32, #tpu.memory_space<hbm>> -> memref<2x40x125xi32, #tpu.memory_space<hbm>>
      %dma_wait3A_71 = arith.constant 0 : i32
      %dma_wait3A_72 = arith.constant 0 : i32
      %dma_wait3A_73 = tpu.memref_slice %dma_wait3A_70[%run_scoped3A_5, %dma_wait3A_71, %dma_wait3A_72] : memref<2x40x125xi32, #tpu.memory_space<hbm>> -> memref<1x40x125xi32, #tpu.memory_space<hbm>>
      %dma_wait3A_74 = tpu.memref_squeeze %dma_wait3A_73 : memref<1x40x125xi32, #tpu.memory_space<hbm>> -> memref<40x125xi32, #tpu.memory_space<hbm>>
      tpu.wait_dma2 semaphore(%run_scoped3A_39 : memref<!tpu.dma_semaphore, #tpu.memory_space<semaphore_mem>>) src(%dma_wait3A_74 : memref<40x125xi32, #tpu.memory_space<hbm>>) dst(%arg9 : memref<40x125xi32, #tpu.memory_space<vmem>>)
      tpu.yield
    }) : () -> ()
    %dma_start3A = arith.constant 0 : i32
    %dma_start3A_6 = arith.constant 0 : i32
    %dma_start3A_7 = tpu.memref_slice %arg8[%dma_start3A, %dma_start3A_6] : memref<40x125xi32, #tpu.memory_space<vmem>> -> memref<1x125xi32, #tpu.memory_space<vmem>>
    %dma_start3A_8 = tpu.memref_squeeze %dma_start3A_7 : memref<1x125xi32, #tpu.memory_space<vmem>> -> memref<125xi32, #tpu.memory_space<vmem>>
    %dma_start3A_9 = arith.constant 0 : i32
    %dma_start3A_10 = arith.constant 0 : i32
    %dma_start3A_11 = tpu.memref_slice %arg2[%dma_start3A_9, %dma_start3A_10] : memref<10240x128xf32, #tpu.memory_space<hbm>> -> memref<10240x128xf32, #tpu.memory_space<hbm>>
    tpu.enqueue_indirect_dma source(%dma_start3A_11 : memref<10240x128xf32, #tpu.memory_space<hbm>>) target(%arg10 : memref<125x128xf32, #tpu.memory_space<vmem>>) offsets(%dma_start3A_8 : memref<125xi32, #tpu.memory_space<vmem>>) semaphore(%arg12 : memref<!tpu.dma_semaphore, #tpu.memory_space<semaphore_mem>>)
    %scan3A = arith.constant 0 : i32
    %scan3A_12 = arith.constant 0 : i32
    %scan3A_13 = arith.constant 20 : i32
    %scan3A_14 = arith.addi %scan3A_12, %scan3A_13 : i32
    %scan3A_15 = arith.constant 1 : i32
    %scan3A_16 = scf.for %scan3A_39 = %scan3A_12 to %scan3A_14 step %scan3A_15 iter_args(%scan3A_40 = %scan3A) -> (i32)  : i32 {
      %mul3A_41 = arith.constant 2 : i32
      %mul3A_42 = arith.muli %mul3A_41, %scan3A_39 : i32
      %add3A_43 = arith.constant 1 : i32
      %add3A_44 = arith.addi %mul3A_42, %add3A_43 : i32
      %dma_start3A_45 = arith.constant 0 : i32
      %dma_start3A_46 = tpu.memref_slice %arg8[%add3A_44, %dma_start3A_45] : memref<40x125xi32, #tpu.memory_space<vmem>> -> memref<1x125xi32, #tpu.memory_space<vmem>>
      %dma_start3A_47 = tpu.memref_squeeze %dma_start3A_46 : memref<1x125xi32, #tpu.memory_space<vmem>> -> memref<125xi32, #tpu.memory_space<vmem>>
      %dma_start3A_48 = arith.constant 0 : i32
      %dma_start3A_49 = arith.constant 0 : i32
      %dma_start3A_50 = tpu.memref_slice %arg2[%dma_start3A_48, %dma_start3A_49] : memref<10240x128xf32, #tpu.memory_space<hbm>> -> memref<10240x128xf32, #tpu.memory_space<hbm>>
      tpu.enqueue_indirect_dma source(%dma_start3A_50 : memref<10240x128xf32, #tpu.memory_space<hbm>>) target(%arg11 : memref<125x128xf32, #tpu.memory_space<vmem>>) offsets(%dma_start3A_47 : memref<125xi32, #tpu.memory_space<vmem>>) semaphore(%arg13 : memref<!tpu.dma_semaphore, #tpu.memory_space<semaphore_mem>>)
      %mul3A_51 = arith.constant 2 : i32
      %mul3A_52 = arith.muli %mul3A_51, %scan3A_39 : i32
      %dma_wait3A = arith.constant 0 : i32
      %dma_wait3A_53 = tpu.memref_slice %arg8[%mul3A_52, %dma_wait3A] : memref<40x125xi32, #tpu.memory_space<vmem>> -> memref<1x125xi32, #tpu.memory_space<vmem>>
      %dma_wait3A_54 = tpu.memref_squeeze %dma_wait3A_53 : memref<1x125xi32, #tpu.memory_space<vmem>> -> memref<125xi32, #tpu.memory_space<vmem>>
      %dma_wait3A_55 = arith.constant 0 : i32
      %dma_wait3A_56 = arith.constant 0 : i32
      %dma_wait3A_57 = tpu.memref_slice %arg2[%dma_wait3A_55, %dma_wait3A_56] : memref<10240x128xf32, #tpu.memory_space<hbm>> -> memref<10240x128xf32, #tpu.memory_space<hbm>>
      tpu.wait_indirect_dma semaphore(%arg12 : memref<!tpu.dma_semaphore, #tpu.memory_space<semaphore_mem>>) src(%dma_wait3A_57 : memref<10240x128xf32, #tpu.memory_space<hbm>>) dst(%arg10 : memref<125x128xf32, #tpu.memory_space<vmem>>)
      %mul3A_58 = arith.constant 2 : i32
      %mul3A_59 = arith.muli %mul3A_58, %scan3A_39 : i32
      "tpu.region"() ({
        %run_scoped3A_77 = tpu.sem_alloc : memref<!tpu.dma_semaphore, #tpu.memory_space<semaphore_mem>>
        %dma_start3A_78 = arith.constant 0 : i32
        %dma_start3A_79 = tpu.memref_slice %arg9[%mul3A_59, %dma_start3A_78] : memref<40x125xi32, #tpu.memory_space<vmem>> -> memref<1x125xi32, #tpu.memory_space<vmem>>
        %dma_start3A_80 = tpu.memref_squeeze %dma_start3A_79 : memref<1x125xi32, #tpu.memory_space<vmem>> -> memref<125xi32, #tpu.memory_space<vmem>>
        %dma_start3A_81 = arith.constant 0 : i32
        %dma_start3A_82 = arith.constant 0 : i32
        %dma_start3A_83 = tpu.memref_slice %arg7[%dma_start3A_81, %dma_start3A_82] : memref<10240x128xf32, #tpu.memory_space<vmem_shared>> -> memref<10240x128xf32, #tpu.memory_space<vmem_shared>>
        tpu.enqueue_indirect_dma source(%arg10 : memref<125x128xf32, #tpu.memory_space<vmem>>) target(%dma_start3A_83 : memref<10240x128xf32, #tpu.memory_space<vmem_shared>>) offsets(%dma_start3A_80 : memref<125xi32, #tpu.memory_space<vmem>>) semaphore(%run_scoped3A_77 : memref<!tpu.dma_semaphore, #tpu.memory_space<semaphore_mem>>) {add = true}
        %dma_wait3A_84 = arith.constant 0 : i32
        %dma_wait3A_85 = tpu.memref_slice %arg9[%mul3A_59, %dma_wait3A_84] : memref<40x125xi32, #tpu.memory_space<vmem>> -> memref<1x125xi32, #tpu.memory_space<vmem>>
        %dma_wait3A_86 = tpu.memref_squeeze %dma_wait3A_85 : memref<1x125xi32, #tpu.memory_space<vmem>> -> memref<125xi32, #tpu.memory_space<vmem>>
        %dma_wait3A_87 = arith.constant 0 : i32
        %dma_wait3A_88 = arith.constant 0 : i32
        %dma_wait3A_89 = tpu.memref_slice %arg7[%dma_wait3A_87, %dma_wait3A_88] : memref<10240x128xf32, #tpu.memory_space<vmem_shared>> -> memref<10240x128xf32, #tpu.memory_space<vmem_shared>>
        tpu.wait_indirect_dma semaphore(%run_scoped3A_77 : memref<!tpu.dma_semaphore, #tpu.memory_space<semaphore_mem>>) src(%arg10 : memref<125x128xf32, #tpu.memory_space<vmem>>) dst(%dma_wait3A_89 : memref<10240x128xf32, #tpu.memory_space<vmem_shared>>)
        tpu.yield
      }) : () -> ()
      %lt3A = arith.constant 19 : i32
      %lt3A_60 = arith.cmpi slt, %scan3A_39, %lt3A : i32
      %convert_element_type3A = arith.extui %lt3A_60 : i1 to i32
      %cond3A = arith.constant 0 : i32
      %cond3A_61 = arith.cmpi ne, %convert_element_type3A, %cond3A : i32
      scf.if %cond3A_61 {
        %mul3A_77 = arith.constant 2 : i32
        %mul3A_78 = arith.muli %mul3A_77, %scan3A_39 : i32
        %add3A_79 = arith.constant 2 : i32
        %add3A_80 = arith.addi %mul3A_78, %add3A_79 : i32
        %dma_start3A_81 = arith.constant 0 : i32
        %dma_start3A_82 = tpu.memref_slice %arg8[%add3A_80, %dma_start3A_81] : memref<40x125xi32, #tpu.memory_space<vmem>> -> memref<1x125xi32, #tpu.memory_space<vmem>>
        %dma_start3A_83 = tpu.memref_squeeze %dma_start3A_82 : memref<1x125xi32, #tpu.memory_space<vmem>> -> memref<125xi32, #tpu.memory_space<vmem>>
        %dma_start3A_84 = arith.constant 0 : i32
        %dma_start3A_85 = arith.constant 0 : i32
        %dma_start3A_86 = tpu.memref_slice %arg2[%dma_start3A_84, %dma_start3A_85] : memref<10240x128xf32, #tpu.memory_space<hbm>> -> memref<10240x128xf32, #tpu.memory_space<hbm>>
        tpu.enqueue_indirect_dma source(%dma_start3A_86 : memref<10240x128xf32, #tpu.memory_space<hbm>>) target(%arg10 : memref<125x128xf32, #tpu.memory_space<vmem>>) offsets(%dma_start3A_83 : memref<125xi32, #tpu.memory_space<vmem>>) semaphore(%arg12 : memref<!tpu.dma_semaphore, #tpu.memory_space<semaphore_mem>>)
      } else {
      }
      %mul3A_62 = arith.constant 2 : i32
      %mul3A_63 = arith.muli %mul3A_62, %scan3A_39 : i32
      %add3A_64 = arith.constant 1 : i32
      %add3A_65 = arith.addi %mul3A_63, %add3A_64 : i32
      %dma_wait3A_66 = arith.constant 0 : i32
      %dma_wait3A_67 = tpu.memref_slice %arg8[%add3A_65, %dma_wait3A_66] : memref<40x125xi32, #tpu.memory_space<vmem>> -> memref<1x125xi32, #tpu.memory_space<vmem>>
      %dma_wait3A_68 = tpu.memref_squeeze %dma_wait3A_67 : memref<1x125xi32, #tpu.memory_space<vmem>> -> memref<125xi32, #tpu.memory_space<vmem>>
      %dma_wait3A_69 = arith.constant 0 : i32
      %dma_wait3A_70 = arith.constant 0 : i32
      %dma_wait3A_71 = tpu.memref_slice %arg2[%dma_wait3A_69, %dma_wait3A_70] : memref<10240x128xf32, #tpu.memory_space<hbm>> -> memref<10240x128xf32, #tpu.memory_space<hbm>>
      tpu.wait_indirect_dma semaphore(%arg13 : memref<!tpu.dma_semaphore, #tpu.memory_space<semaphore_mem>>) src(%dma_wait3A_71 : memref<10240x128xf32, #tpu.memory_space<hbm>>) dst(%arg11 : memref<125x128xf32, #tpu.memory_space<vmem>>)
      %mul3A_72 = arith.constant 2 : i32
      %mul3A_73 = arith.muli %mul3A_72, %scan3A_39 : i32
      %add3A_74 = arith.constant 1 : i32
      %add3A_75 = arith.addi %mul3A_73, %add3A_74 : i32
      "tpu.region"() ({
        %run_scoped3A_77 = tpu.sem_alloc : memref<!tpu.dma_semaphore, #tpu.memory_space<semaphore_mem>>
        %dma_start3A_78 = arith.constant 0 : i32
        %dma_start3A_79 = tpu.memref_slice %arg9[%add3A_75, %dma_start3A_78] : memref<40x125xi32, #tpu.memory_space<vmem>> -> memref<1x125xi32, #tpu.memory_space<vmem>>
        %dma_start3A_80 = tpu.memref_squeeze %dma_start3A_79 : memref<1x125xi32, #tpu.memory_space<vmem>> -> memref<125xi32, #tpu.memory_space<vmem>>
        %dma_start3A_81 = arith.constant 0 : i32
        %dma_start3A_82 = arith.constant 0 : i32
        %dma_start3A_83 = tpu.memref_slice %arg7[%dma_start3A_81, %dma_start3A_82] : memref<10240x128xf32, #tpu.memory_space<vmem_shared>> -> memref<10240x128xf32, #tpu.memory_space<vmem_shared>>
        tpu.enqueue_indirect_dma source(%arg11 : memref<125x128xf32, #tpu.memory_space<vmem>>) target(%dma_start3A_83 : memref<10240x128xf32, #tpu.memory_space<vmem_shared>>) offsets(%dma_start3A_80 : memref<125xi32, #tpu.memory_space<vmem>>) semaphore(%run_scoped3A_77 : memref<!tpu.dma_semaphore, #tpu.memory_space<semaphore_mem>>) {add = true}
        %dma_wait3A_84 = arith.constant 0 : i32
        %dma_wait3A_85 = tpu.memref_slice %arg9[%add3A_75, %dma_wait3A_84] : memref<40x125xi32, #tpu.memory_space<vmem>> -> memref<1x125xi32, #tpu.memory_space<vmem>>
        %dma_wait3A_86 = tpu.memref_squeeze %dma_wait3A_85 : memref<1x125xi32, #tpu.memory_space<vmem>> -> memref<125xi32, #tpu.memory_space<vmem>>
        %dma_wait3A_87 = arith.constant 0 : i32
        %dma_wait3A_88 = arith.constant 0 : i32
        %dma_wait3A_89 = tpu.memref_slice %arg7[%dma_wait3A_87, %dma_wait3A_88] : memref<10240x128xf32, #tpu.memory_space<vmem_shared>> -> memref<10240x128xf32, #tpu.memory_space<vmem_shared>>
        tpu.wait_indirect_dma semaphore(%run_scoped3A_77 : memref<!tpu.dma_semaphore, #tpu.memory_space<semaphore_mem>>) src(%arg11 : memref<125x128xf32, #tpu.memory_space<vmem>>) dst(%dma_wait3A_89 : memref<10240x128xf32, #tpu.memory_space<vmem_shared>>)
        tpu.yield
      }) : () -> ()
      %scan3A_76 = arith.constant 0 : i32
      scf.yield %scan3A_76 : i32
    }
    %scan3A_17 = arith.constant 20 : i32
    %run_scoped3A_18 = arith.constant 1 : i32
    "tpu.region"() ({
      %run_scoped3A_39 = tpu.sem_alloc : memref<!tpu.dma_semaphore, #tpu.memory_space<semaphore_mem>>
      %dma_start3A_40 = arith.constant 0 : i32
      %dma_start3A_41 = arith.constant 0 : i32
      %dma_start3A_42 = arith.constant 0 : i32
      %dma_start3A_43 = tpu.memref_slice %arg3[%add3A, %dma_start3A_40, %dma_start3A_41, %dma_start3A_42] : memref<32x2x40x125xi32, #tpu.memory_space<hbm>> -> memref<1x2x40x125xi32, #tpu.memory_space<hbm>>
      %dma_start3A_44 = tpu.memref_squeeze %dma_start3A_43 : memref<1x2x40x125xi32, #tpu.memory_space<hbm>> -> memref<2x40x125xi32, #tpu.memory_space<hbm>>
      %dma_start3A_45 = arith.constant 0 : i32
      %dma_start3A_46 = arith.constant 0 : i32
      %dma_start3A_47 = tpu.memref_slice %dma_start3A_44[%run_scoped3A_18, %dma_start3A_45, %dma_start3A_46] : memref<2x40x125xi32, #tpu.memory_space<hbm>> -> memref<1x40x125xi32, #tpu.memory_space<hbm>>
      %dma_start3A_48 = tpu.memref_squeeze %dma_start3A_47 : memref<1x40x125xi32, #tpu.memory_space<hbm>> -> memref<40x125xi32, #tpu.memory_space<hbm>>
      %dma_start3A_49 = arith.constant 0 : i32
      %dma_start3A_50 = arith.constant 0 : i32
      %dma_start3A_51 = arith.constant 0 : i32
      %dma_start3A_52 = tpu.memref_slice %arg3[%add3A, %dma_start3A_49, %dma_start3A_50, %dma_start3A_51] : memref<32x2x40x125xi32, #tpu.memory_space<hbm>> -> memref<1x2x40x125xi32, #tpu.memory_space<hbm>>
      %dma_start3A_53 = tpu.memref_squeeze %dma_start3A_52 : memref<1x2x40x125xi32, #tpu.memory_space<hbm>> -> memref<2x40x125xi32, #tpu.memory_space<hbm>>
      %dma_start3A_54 = arith.constant 0 : i32
      %dma_start3A_55 = arith.constant 0 : i32
      %dma_start3A_56 = tpu.memref_slice %dma_start3A_53[%run_scoped3A_18, %dma_start3A_54, %dma_start3A_55] : memref<2x40x125xi32, #tpu.memory_space<hbm>> -> memref<1x40x125xi32, #tpu.memory_space<hbm>>
      %dma_start3A_57 = tpu.memref_squeeze %dma_start3A_56 : memref<1x40x125xi32, #tpu.memory_space<hbm>> -> memref<40x125xi32, #tpu.memory_space<hbm>>
      tpu.enqueue_dma source(%dma_start3A_57 : memref<40x125xi32, #tpu.memory_space<hbm>>) target(%arg8 : memref<40x125xi32, #tpu.memory_space<vmem>>) target_semaphore(%run_scoped3A_39 : memref<!tpu.dma_semaphore, #tpu.memory_space<semaphore_mem>>)
      %dma_wait3A = arith.constant 0 : i32
      %dma_wait3A_58 = arith.constant 0 : i32
      %dma_wait3A_59 = arith.constant 0 : i32
      %dma_wait3A_60 = tpu.memref_slice %arg3[%add3A, %dma_wait3A, %dma_wait3A_58, %dma_wait3A_59] : memref<32x2x40x125xi32, #tpu.memory_space<hbm>> -> memref<1x2x40x125xi32, #tpu.memory_space<hbm>>
      %dma_wait3A_61 = tpu.memref_squeeze %dma_wait3A_60 : memref<1x2x40x125xi32, #tpu.memory_space<hbm>> -> memref<2x40x125xi32, #tpu.memory_space<hbm>>
      %dma_wait3A_62 = arith.constant 0 : i32
      %dma_wait3A_63 = arith.constant 0 : i32
      %dma_wait3A_64 = tpu.memref_slice %dma_wait3A_61[%run_scoped3A_18, %dma_wait3A_62, %dma_wait3A_63] : memref<2x40x125xi32, #tpu.memory_space<hbm>> -> memref<1x40x125xi32, #tpu.memory_space<hbm>>
      %dma_wait3A_65 = tpu.memref_squeeze %dma_wait3A_64 : memref<1x40x125xi32, #tpu.memory_space<hbm>> -> memref<40x125xi32, #tpu.memory_space<hbm>>
      %dma_wait3A_66 = arith.constant 0 : i32
      %dma_wait3A_67 = arith.constant 0 : i32
      %dma_wait3A_68 = arith.constant 0 : i32
      %dma_wait3A_69 = tpu.memref_slice %arg3[%add3A, %dma_wait3A_66, %dma_wait3A_67, %dma_wait3A_68] : memref<32x2x40x125xi32, #tpu.memory_space<hbm>> -> memref<1x2x40x125xi32, #tpu.memory_space<hbm>>
      %dma_wait3A_70 = tpu.memref_squeeze %dma_wait3A_69 : memref<1x2x40x125xi32, #tpu.memory_space<hbm>> -> memref<2x40x125xi32, #tpu.memory_space<hbm>>
      %dma_wait3A_71 = arith.constant 0 : i32
      %dma_wait3A_72 = arith.constant 0 : i32
      %dma_wait3A_73 = tpu.memref_slice %dma_wait3A_70[%run_scoped3A_18, %dma_wait3A_71, %dma_wait3A_72] : memref<2x40x125xi32, #tpu.memory_space<hbm>> -> memref<1x40x125xi32, #tpu.memory_space<hbm>>
      %dma_wait3A_74 = tpu.memref_squeeze %dma_wait3A_73 : memref<1x40x125xi32, #tpu.memory_space<hbm>> -> memref<40x125xi32, #tpu.memory_space<hbm>>
      tpu.wait_dma2 semaphore(%run_scoped3A_39 : memref<!tpu.dma_semaphore, #tpu.memory_space<semaphore_mem>>) src(%dma_wait3A_74 : memref<40x125xi32, #tpu.memory_space<hbm>>) dst(%arg8 : memref<40x125xi32, #tpu.memory_space<vmem>>)
      tpu.yield
    }) : () -> ()
    %run_scoped3A_19 = arith.constant 1 : i32
    "tpu.region"() ({
      %run_scoped3A_39 = tpu.sem_alloc : memref<!tpu.dma_semaphore, #tpu.memory_space<semaphore_mem>>
      %dma_start3A_40 = arith.constant 0 : i32
      %dma_start3A_41 = arith.constant 0 : i32
      %dma_start3A_42 = arith.constant 0 : i32
      %dma_start3A_43 = tpu.memref_slice %arg4[%add3A, %dma_start3A_40, %dma_start3A_41, %dma_start3A_42] : memref<32x2x40x125xi32, #tpu.memory_space<hbm>> -> memref<1x2x40x125xi32, #tpu.memory_space<hbm>>
      %dma_start3A_44 = tpu.memref_squeeze %dma_start3A_43 : memref<1x2x40x125xi32, #tpu.memory_space<hbm>> -> memref<2x40x125xi32, #tpu.memory_space<hbm>>
      %dma_start3A_45 = arith.constant 0 : i32
      %dma_start3A_46 = arith.constant 0 : i32
      %dma_start3A_47 = tpu.memref_slice %dma_start3A_44[%run_scoped3A_19, %dma_start3A_45, %dma_start3A_46] : memref<2x40x125xi32, #tpu.memory_space<hbm>> -> memref<1x40x125xi32, #tpu.memory_space<hbm>>
      %dma_start3A_48 = tpu.memref_squeeze %dma_start3A_47 : memref<1x40x125xi32, #tpu.memory_space<hbm>> -> memref<40x125xi32, #tpu.memory_space<hbm>>
      %dma_start3A_49 = arith.constant 0 : i32
      %dma_start3A_50 = arith.constant 0 : i32
      %dma_start3A_51 = arith.constant 0 : i32
      %dma_start3A_52 = tpu.memref_slice %arg4[%add3A, %dma_start3A_49, %dma_start3A_50, %dma_start3A_51] : memref<32x2x40x125xi32, #tpu.memory_space<hbm>> -> memref<1x2x40x125xi32, #tpu.memory_space<hbm>>
      %dma_start3A_53 = tpu.memref_squeeze %dma_start3A_52 : memref<1x2x40x125xi32, #tpu.memory_space<hbm>> -> memref<2x40x125xi32, #tpu.memory_space<hbm>>
      %dma_start3A_54 = arith.constant 0 : i32
      %dma_start3A_55 = arith.constant 0 : i32
      %dma_start3A_56 = tpu.memref_slice %dma_start3A_53[%run_scoped3A_19, %dma_start3A_54, %dma_start3A_55] : memref<2x40x125xi32, #tpu.memory_space<hbm>> -> memref<1x40x125xi32, #tpu.memory_space<hbm>>
      %dma_start3A_57 = tpu.memref_squeeze %dma_start3A_56 : memref<1x40x125xi32, #tpu.memory_space<hbm>> -> memref<40x125xi32, #tpu.memory_space<hbm>>
      tpu.enqueue_dma source(%dma_start3A_57 : memref<40x125xi32, #tpu.memory_space<hbm>>) target(%arg9 : memref<40x125xi32, #tpu.memory_space<vmem>>) target_semaphore(%run_scoped3A_39 : memref<!tpu.dma_semaphore, #tpu.memory_space<semaphore_mem>>)
      %dma_wait3A = arith.constant 0 : i32
      %dma_wait3A_58 = arith.constant 0 : i32
      %dma_wait3A_59 = arith.constant 0 : i32
      %dma_wait3A_60 = tpu.memref_slice %arg4[%add3A, %dma_wait3A, %dma_wait3A_58, %dma_wait3A_59] : memref<32x2x40x125xi32, #tpu.memory_space<hbm>> -> memref<1x2x40x125xi32, #tpu.memory_space<hbm>>
      %dma_wait3A_61 = tpu.memref_squeeze %dma_wait3A_60 : memref<1x2x40x125xi32, #tpu.memory_space<hbm>> -> memref<2x40x125xi32, #tpu.memory_space<hbm>>
      %dma_wait3A_62 = arith.constant 0 : i32
      %dma_wait3A_63 = arith.constant 0 : i32
      %dma_wait3A_64 = tpu.memref_slice %dma_wait3A_61[%run_scoped3A_19, %dma_wait3A_62, %dma_wait3A_63] : memref<2x40x125xi32, #tpu.memory_space<hbm>> -> memref<1x40x125xi32, #tpu.memory_space<hbm>>
      %dma_wait3A_65 = tpu.memref_squeeze %dma_wait3A_64 : memref<1x40x125xi32, #tpu.memory_space<hbm>> -> memref<40x125xi32, #tpu.memory_space<hbm>>
      %dma_wait3A_66 = arith.constant 0 : i32
      %dma_wait3A_67 = arith.constant 0 : i32
      %dma_wait3A_68 = arith.constant 0 : i32
      %dma_wait3A_69 = tpu.memref_slice %arg4[%add3A, %dma_wait3A_66, %dma_wait3A_67, %dma_wait3A_68] : memref<32x2x40x125xi32, #tpu.memory_space<hbm>> -> memref<1x2x40x125xi32, #tpu.memory_space<hbm>>
      %dma_wait3A_70 = tpu.memref_squeeze %dma_wait3A_69 : memref<1x2x40x125xi32, #tpu.memory_space<hbm>> -> memref<2x40x125xi32, #tpu.memory_space<hbm>>
      %dma_wait3A_71 = arith.constant 0 : i32
      %dma_wait3A_72 = arith.constant 0 : i32
      %dma_wait3A_73 = tpu.memref_slice %dma_wait3A_70[%run_scoped3A_19, %dma_wait3A_71, %dma_wait3A_72] : memref<2x40x125xi32, #tpu.memory_space<hbm>> -> memref<1x40x125xi32, #tpu.memory_space<hbm>>
      %dma_wait3A_74 = tpu.memref_squeeze %dma_wait3A_73 : memref<1x40x125xi32, #tpu.memory_space<hbm>> -> memref<40x125xi32, #tpu.memory_space<hbm>>
      tpu.wait_dma2 semaphore(%run_scoped3A_39 : memref<!tpu.dma_semaphore, #tpu.memory_space<semaphore_mem>>) src(%dma_wait3A_74 : memref<40x125xi32, #tpu.memory_space<hbm>>) dst(%arg9 : memref<40x125xi32, #tpu.memory_space<vmem>>)
      tpu.yield
    }) : () -> ()
    %dma_start3A_20 = arith.constant 0 : i32
    %dma_start3A_21 = arith.constant 0 : i32
    %dma_start3A_22 = tpu.memref_slice %arg8[%dma_start3A_20, %dma_start3A_21] : memref<40x125xi32, #tpu.memory_space<vmem>> -> memref<1x125xi32, #tpu.memory_space<vmem>>
    %dma_start3A_23 = tpu.memref_squeeze %dma_start3A_22 : memref<1x125xi32, #tpu.memory_space<vmem>> -> memref<125xi32, #tpu.memory_space<vmem>>
    %dma_start3A_24 = arith.constant 0 : i32
    %dma_start3A_25 = arith.constant 0 : i32
    %dma_start3A_26 = tpu.memref_slice %arg2[%dma_start3A_24, %dma_start3A_25] : memref<10240x128xf32, #tpu.memory_space<hbm>> -> memref<10240x128xf32, #tpu.memory_space<hbm>>
    tpu.enqueue_indirect_dma source(%dma_start3A_26 : memref<10240x128xf32, #tpu.memory_space<hbm>>) target(%arg10 : memref<125x128xf32, #tpu.memory_space<vmem>>) offsets(%dma_start3A_23 : memref<125xi32, #tpu.memory_space<vmem>>) semaphore(%arg12 : memref<!tpu.dma_semaphore, #tpu.memory_space<semaphore_mem>>)
    %scan3A_27 = arith.constant 0 : i32
    %scan3A_28 = arith.constant 0 : i32
    %scan3A_29 = arith.constant 20 : i32
    %scan3A_30 = arith.addi %scan3A_28, %scan3A_29 : i32
    %scan3A_31 = arith.constant 1 : i32
    %scan3A_32 = scf.for %scan3A_39 = %scan3A_28 to %scan3A_30 step %scan3A_31 iter_args(%scan3A_40 = %scan3A_27) -> (i32)  : i32 {
      %mul3A_41 = arith.constant 2 : i32
      %mul3A_42 = arith.muli %mul3A_41, %scan3A_39 : i32
      %add3A_43 = arith.constant 1 : i32
      %add3A_44 = arith.addi %mul3A_42, %add3A_43 : i32
      %dma_start3A_45 = arith.constant 0 : i32
      %dma_start3A_46 = tpu.memref_slice %arg8[%add3A_44, %dma_start3A_45] : memref<40x125xi32, #tpu.memory_space<vmem>> -> memref<1x125xi32, #tpu.memory_space<vmem>>
      %dma_start3A_47 = tpu.memref_squeeze %dma_start3A_46 : memref<1x125xi32, #tpu.memory_space<vmem>> -> memref<125xi32, #tpu.memory_space<vmem>>
      %dma_start3A_48 = arith.constant 0 : i32
      %dma_start3A_49 = arith.constant 0 : i32
      %dma_start3A_50 = tpu.memref_slice %arg2[%dma_start3A_48, %dma_start3A_49] : memref<10240x128xf32, #tpu.memory_space<hbm>> -> memref<10240x128xf32, #tpu.memory_space<hbm>>
      tpu.enqueue_indirect_dma source(%dma_start3A_50 : memref<10240x128xf32, #tpu.memory_space<hbm>>) target(%arg11 : memref<125x128xf32, #tpu.memory_space<vmem>>) offsets(%dma_start3A_47 : memref<125xi32, #tpu.memory_space<vmem>>) semaphore(%arg13 : memref<!tpu.dma_semaphore, #tpu.memory_space<semaphore_mem>>)
      %mul3A_51 = arith.constant 2 : i32
      %mul3A_52 = arith.muli %mul3A_51, %scan3A_39 : i32
      %dma_wait3A = arith.constant 0 : i32
      %dma_wait3A_53 = tpu.memref_slice %arg8[%mul3A_52, %dma_wait3A] : memref<40x125xi32, #tpu.memory_space<vmem>> -> memref<1x125xi32, #tpu.memory_space<vmem>>
      %dma_wait3A_54 = tpu.memref_squeeze %dma_wait3A_53 : memref<1x125xi32, #tpu.memory_space<vmem>> -> memref<125xi32, #tpu.memory_space<vmem>>
      %dma_wait3A_55 = arith.constant 0 : i32
      %dma_wait3A_56 = arith.constant 0 : i32
      %dma_wait3A_57 = tpu.memref_slice %arg2[%dma_wait3A_55, %dma_wait3A_56] : memref<10240x128xf32, #tpu.memory_space<hbm>> -> memref<10240x128xf32, #tpu.memory_space<hbm>>
      tpu.wait_indirect_dma semaphore(%arg12 : memref<!tpu.dma_semaphore, #tpu.memory_space<semaphore_mem>>) src(%dma_wait3A_57 : memref<10240x128xf32, #tpu.memory_space<hbm>>) dst(%arg10 : memref<125x128xf32, #tpu.memory_space<vmem>>)
      %mul3A_58 = arith.constant 2 : i32
      %mul3A_59 = arith.muli %mul3A_58, %scan3A_39 : i32
      "tpu.region"() ({
        %run_scoped3A_77 = tpu.sem_alloc : memref<!tpu.dma_semaphore, #tpu.memory_space<semaphore_mem>>
        %dma_start3A_78 = arith.constant 0 : i32
        %dma_start3A_79 = tpu.memref_slice %arg9[%mul3A_59, %dma_start3A_78] : memref<40x125xi32, #tpu.memory_space<vmem>> -> memref<1x125xi32, #tpu.memory_space<vmem>>
        %dma_start3A_80 = tpu.memref_squeeze %dma_start3A_79 : memref<1x125xi32, #tpu.memory_space<vmem>> -> memref<125xi32, #tpu.memory_space<vmem>>
        %dma_start3A_81 = arith.constant 0 : i32
        %dma_start3A_82 = arith.constant 0 : i32
        %dma_start3A_83 = tpu.memref_slice %arg7[%dma_start3A_81, %dma_start3A_82] : memref<10240x128xf32, #tpu.memory_space<vmem_shared>> -> memref<10240x128xf32, #tpu.memory_space<vmem_shared>>
        tpu.enqueue_indirect_dma source(%arg10 : memref<125x128xf32, #tpu.memory_space<vmem>>) target(%dma_start3A_83 : memref<10240x128xf32, #tpu.memory_space<vmem_shared>>) offsets(%dma_start3A_80 : memref<125xi32, #tpu.memory_space<vmem>>) semaphore(%run_scoped3A_77 : memref<!tpu.dma_semaphore, #tpu.memory_space<semaphore_mem>>) {add = true}
        %dma_wait3A_84 = arith.constant 0 : i32
        %dma_wait3A_85 = tpu.memref_slice %arg9[%mul3A_59, %dma_wait3A_84] : memref<40x125xi32, #tpu.memory_space<vmem>> -> memref<1x125xi32, #tpu.memory_space<vmem>>
        %dma_wait3A_86 = tpu.memref_squeeze %dma_wait3A_85 : memref<1x125xi32, #tpu.memory_space<vmem>> -> memref<125xi32, #tpu.memory_space<vmem>>
        %dma_wait3A_87 = arith.constant 0 : i32
        %dma_wait3A_88 = arith.constant 0 : i32
        %dma_wait3A_89 = tpu.memref_slice %arg7[%dma_wait3A_87, %dma_wait3A_88] : memref<10240x128xf32, #tpu.memory_space<vmem_shared>> -> memref<10240x128xf32, #tpu.memory_space<vmem_shared>>
        tpu.wait_indirect_dma semaphore(%run_scoped3A_77 : memref<!tpu.dma_semaphore, #tpu.memory_space<semaphore_mem>>) src(%arg10 : memref<125x128xf32, #tpu.memory_space<vmem>>) dst(%dma_wait3A_89 : memref<10240x128xf32, #tpu.memory_space<vmem_shared>>)
        tpu.yield
      }) : () -> ()
      %lt3A = arith.constant 19 : i32
      %lt3A_60 = arith.cmpi slt, %scan3A_39, %lt3A : i32
      %convert_element_type3A = arith.extui %lt3A_60 : i1 to i32
      %cond3A = arith.constant 0 : i32
      %cond3A_61 = arith.cmpi ne, %convert_element_type3A, %cond3A : i32
      scf.if %cond3A_61 {
        %mul3A_77 = arith.constant 2 : i32
        %mul3A_78 = arith.muli %mul3A_77, %scan3A_39 : i32
        %add3A_79 = arith.constant 2 : i32
        %add3A_80 = arith.addi %mul3A_78, %add3A_79 : i32
        %dma_start3A_81 = arith.constant 0 : i32
        %dma_start3A_82 = tpu.memref_slice %arg8[%add3A_80, %dma_start3A_81] : memref<40x125xi32, #tpu.memory_space<vmem>> -> memref<1x125xi32, #tpu.memory_space<vmem>>
        %dma_start3A_83 = tpu.memref_squeeze %dma_start3A_82 : memref<1x125xi32, #tpu.memory_space<vmem>> -> memref<125xi32, #tpu.memory_space<vmem>>
        %dma_start3A_84 = arith.constant 0 : i32
        %dma_start3A_85 = arith.constant 0 : i32
        %dma_start3A_86 = tpu.memref_slice %arg2[%dma_start3A_84, %dma_start3A_85] : memref<10240x128xf32, #tpu.memory_space<hbm>> -> memref<10240x128xf32, #tpu.memory_space<hbm>>
        tpu.enqueue_indirect_dma source(%dma_start3A_86 : memref<10240x128xf32, #tpu.memory_space<hbm>>) target(%arg10 : memref<125x128xf32, #tpu.memory_space<vmem>>) offsets(%dma_start3A_83 : memref<125xi32, #tpu.memory_space<vmem>>) semaphore(%arg12 : memref<!tpu.dma_semaphore, #tpu.memory_space<semaphore_mem>>)
      } else {
      }
      %mul3A_62 = arith.constant 2 : i32
      %mul3A_63 = arith.muli %mul3A_62, %scan3A_39 : i32
      %add3A_64 = arith.constant 1 : i32
      %add3A_65 = arith.addi %mul3A_63, %add3A_64 : i32
      %dma_wait3A_66 = arith.constant 0 : i32
      %dma_wait3A_67 = tpu.memref_slice %arg8[%add3A_65, %dma_wait3A_66] : memref<40x125xi32, #tpu.memory_space<vmem>> -> memref<1x125xi32, #tpu.memory_space<vmem>>
      %dma_wait3A_68 = tpu.memref_squeeze %dma_wait3A_67 : memref<1x125xi32, #tpu.memory_space<vmem>> -> memref<125xi32, #tpu.memory_space<vmem>>
      %dma_wait3A_69 = arith.constant 0 : i32
      %dma_wait3A_70 = arith.constant 0 : i32
      %dma_wait3A_71 = tpu.memref_slice %arg2[%dma_wait3A_69, %dma_wait3A_70] : memref<10240x128xf32, #tpu.memory_space<hbm>> -> memref<10240x128xf32, #tpu.memory_space<hbm>>
      tpu.wait_indirect_dma semaphore(%arg13 : memref<!tpu.dma_semaphore, #tpu.memory_space<semaphore_mem>>) src(%dma_wait3A_71 : memref<10240x128xf32, #tpu.memory_space<hbm>>) dst(%arg11 : memref<125x128xf32, #tpu.memory_space<vmem>>)
      %mul3A_72 = arith.constant 2 : i32
      %mul3A_73 = arith.muli %mul3A_72, %scan3A_39 : i32
      %add3A_74 = arith.constant 1 : i32
      %add3A_75 = arith.addi %mul3A_73, %add3A_74 : i32
      "tpu.region"() ({
        %run_scoped3A_77 = tpu.sem_alloc : memref<!tpu.dma_semaphore, #tpu.memory_space<semaphore_mem>>
        %dma_start3A_78 = arith.constant 0 : i32
        %dma_start3A_79 = tpu.memref_slice %arg9[%add3A_75, %dma_start3A_78] : memref<40x125xi32, #tpu.memory_space<vmem>> -> memref<1x125xi32, #tpu.memory_space<vmem>>
        %dma_start3A_80 = tpu.memref_squeeze %dma_start3A_79 : memref<1x125xi32, #tpu.memory_space<vmem>> -> memref<125xi32, #tpu.memory_space<vmem>>
        %dma_start3A_81 = arith.constant 0 : i32
        %dma_start3A_82 = arith.constant 0 : i32
        %dma_start3A_83 = tpu.memref_slice %arg7[%dma_start3A_81, %dma_start3A_82] : memref<10240x128xf32, #tpu.memory_space<vmem_shared>> -> memref<10240x128xf32, #tpu.memory_space<vmem_shared>>
        tpu.enqueue_indirect_dma source(%arg11 : memref<125x128xf32, #tpu.memory_space<vmem>>) target(%dma_start3A_83 : memref<10240x128xf32, #tpu.memory_space<vmem_shared>>) offsets(%dma_start3A_80 : memref<125xi32, #tpu.memory_space<vmem>>) semaphore(%run_scoped3A_77 : memref<!tpu.dma_semaphore, #tpu.memory_space<semaphore_mem>>) {add = true}
        %dma_wait3A_84 = arith.constant 0 : i32
        %dma_wait3A_85 = tpu.memref_slice %arg9[%add3A_75, %dma_wait3A_84] : memref<40x125xi32, #tpu.memory_space<vmem>> -> memref<1x125xi32, #tpu.memory_space<vmem>>
        %dma_wait3A_86 = tpu.memref_squeeze %dma_wait3A_85 : memref<1x125xi32, #tpu.memory_space<vmem>> -> memref<125xi32, #tpu.memory_space<vmem>>
        %dma_wait3A_87 = arith.constant 0 : i32
        %dma_wait3A_88 = arith.constant 0 : i32
        %dma_wait3A_89 = tpu.memref_slice %arg7[%dma_wait3A_87, %dma_wait3A_88] : memref<10240x128xf32, #tpu.memory_space<vmem_shared>> -> memref<10240x128xf32, #tpu.memory_space<vmem_shared>>
        tpu.wait_indirect_dma semaphore(%run_scoped3A_77 : memref<!tpu.dma_semaphore, #tpu.memory_space<semaphore_mem>>) src(%arg11 : memref<125x128xf32, #tpu.memory_space<vmem>>) dst(%dma_wait3A_89 : memref<10240x128xf32, #tpu.memory_space<vmem_shared>>)
        tpu.yield
      }) : () -> ()
      %scan3A_76 = arith.constant 0 : i32
      scf.yield %scan3A_76 : i32
    }
    %scan3A_33 = arith.constant 20 : i32
    %barrier3A_34 = arith.constant 0 : index
    tpu.barrier barrier_id(%barrier3A_34)
    %mul3A_35 = arith.constant 640 : i32
    %mul3A_36 = arith.muli %arg1, %mul3A_35 : i32
    %mul3A_37 = arith.constant 640 : i32
    %mul3A_38 = arith.muli %arg1, %mul3A_37 : i32
    "tpu.region"() ({
      %run_scoped3A_39 = tpu.sem_alloc : memref<!tpu.dma_semaphore, #tpu.memory_space<semaphore_mem>>
      %dma_start3A_40 = arith.constant 0 : i32
      %dma_start3A_41 = arith.constant 0 : i32
      %dma_start3A_42 = tpu.memref_slice %arg6[%arg0, %dma_start3A_40, %dma_start3A_41] : memref<2x10240x128xf32, #tpu.memory_space<hbm>> -> memref<1x10240x128xf32, #tpu.memory_space<hbm>>
      %dma_start3A_43 = tpu.memref_squeeze %dma_start3A_42 : memref<1x10240x128xf32, #tpu.memory_space<hbm>> -> memref<10240x128xf32, #tpu.memory_space<hbm>>
      %dma_start3A_44 = arith.constant 0 : i32
      %dma_start3A_45 = tpu.memref_slice %dma_start3A_43[%mul3A_38, %dma_start3A_44] : memref<10240x128xf32, #tpu.memory_space<hbm>> -> memref<640x128xf32, #tpu.memory_space<hbm>>
      %dma_start3A_46 = arith.constant 0 : i32
      %dma_start3A_47 = tpu.memref_slice %arg7[%mul3A_36, %dma_start3A_46] : memref<10240x128xf32, #tpu.memory_space<vmem_shared>> -> memref<640x128xf32, #tpu.memory_space<vmem_shared>>
      tpu.enqueue_dma source(%dma_start3A_47 : memref<640x128xf32, #tpu.memory_space<vmem_shared>>) target(%dma_start3A_45 : memref<640x128xf32, #tpu.memory_space<hbm>>) target_semaphore(%run_scoped3A_39 : memref<!tpu.dma_semaphore, #tpu.memory_space<semaphore_mem>>)
      %dma_wait3A = arith.constant 0 : i32
      %dma_wait3A_48 = arith.constant 0 : i32
      %dma_wait3A_49 = tpu.memref_slice %arg6[%arg0, %dma_wait3A, %dma_wait3A_48] : memref<2x10240x128xf32, #tpu.memory_space<hbm>> -> memref<1x10240x128xf32, #tpu.memory_space<hbm>>
      %dma_wait3A_50 = tpu.memref_squeeze %dma_wait3A_49 : memref<1x10240x128xf32, #tpu.memory_space<hbm>> -> memref<10240x128xf32, #tpu.memory_space<hbm>>
      %dma_wait3A_51 = arith.constant 0 : i32
      %dma_wait3A_52 = tpu.memref_slice %dma_wait3A_50[%mul3A_38, %dma_wait3A_51] : memref<10240x128xf32, #tpu.memory_space<hbm>> -> memref<640x128xf32, #tpu.memory_space<hbm>>
      %dma_wait3A_53 = arith.constant 0 : i32
      %dma_wait3A_54 = tpu.memref_slice %arg7[%mul3A_36, %dma_wait3A_53] : memref<10240x128xf32, #tpu.memory_space<vmem_shared>> -> memref<640x128xf32, #tpu.memory_space<vmem_shared>>
      tpu.wait_dma2 semaphore(%run_scoped3A_39 : memref<!tpu.dma_semaphore, #tpu.memory_space<semaphore_mem>>) src(%dma_wait3A_54 : memref<640x128xf32, #tpu.memory_space<vmem_shared>>) dst(%dma_wait3A_52 : memref<640x128xf32, #tpu.memory_space<hbm>>)
      tpu.yield
    }) : () -> ()
    return
  }
}

module attributes {stable_mosaic.version = 14 : i64} {
  func.func @_mm_body(%arg0: i32, %arg1: memref<1024x128xf32, #tpu.memory_space<vmem>>, %arg2: memref<128x128xf32, #tpu.memory_space<vmem>>, %arg3: memref<1024x128xf32, #tpu.memory_space<vmem>>) attributes {dimension_semantics = [#tpu.dimension_semantics<arbitrary>], iteration_bounds = array<i64: 10>, scalar_prefetch = 0 : i64, scratch_operands = 0 : i64, tpu.core_type = #tpu.core_type<tc>, window_params = [{transform_indices = @transform_0, window_bounds = array<i64: 1024, 128>}, {pipeline_mode = #tpu.pipeline_mode<synchronous>, transform_indices = @transform_1, window_bounds = array<i64: 128, 128>}, {transform_indices = @transform_2, window_bounds = array<i64: 1024, 128>}]} {
    %get3A = arith.constant 0 : index
    %get3A_0 = arith.constant 0 : index
    %get3A_1 = vector.load %arg1[%get3A, %get3A_0] : memref<1024x128xf32, #tpu.memory_space<vmem>>, vector<1024x128xf32>
    %get3A_2 = arith.constant 0 : index
    %get3A_3 = arith.constant 0 : index
    %get3A_4 = vector.load %arg2[%get3A_2, %get3A_3] : memref<128x128xf32, #tpu.memory_space<vmem>>, vector<128x128xf32>
    %dot_general3A = arith.constant dense<0.000000e+00> : vector<1024x128xf32>
    %dot_general3A_5 = tpu.matmul %get3A_1, %get3A_4, %dot_general3A {dimension_numbers = #tpu.dot_dimension_numbers<[1], [0], [0], [1], [0, 0, 1, 1], [], []>, transpose_lhs_hint = false} : vector<1024x128xf32>, vector<128x128xf32>, vector<1024x128xf32> -> vector<1024x128xf32>
    %swap3A = arith.constant 0 : index
    %swap3A_6 = arith.constant 0 : index
    %swap3A_7 = vector.load %arg3[%swap3A, %swap3A_6] : memref<1024x128xf32, #tpu.memory_space<vmem>>, vector<1024x128xf32>
    tpu.vector_store %arg3[%swap3A, %swap3A_6], %dot_general3A_5 {strides = array<i32>} : memref<1024x128xf32, #tpu.memory_space<vmem>>, vector<1024x128xf32>,
    return
  }
  func.func @transform_0(%arg0: i32) -> (i32, i32) {
    %c0_i32 = arith.constant 0 : i32
    %c0_i32_0 = arith.constant 0 : i32
    return %arg0, %c0_i32 : i32, i32
  }
  func.func @transform_1(%arg0: i32) -> (i32, i32) {
    %c0_i32 = arith.constant 0 : i32
    %c0_i32_0 = arith.constant 0 : i32
    %c0_i32_1 = arith.constant 0 : i32
    return %c0_i32, %c0_i32_0 : i32, i32
  }
  func.func @transform_2(%arg0: i32) -> (i32, i32) {
    %c0_i32 = arith.constant 0 : i32
    %c0_i32_0 = arith.constant 0 : i32
    return %arg0, %c0_i32 : i32, i32
  }
}

module attributes {stable_mosaic.version = 14 : i64} {
  func.func @_scale_body(%arg0: i32, %arg1: memref<1024x128xf32, #tpu.memory_space<vmem>>, %arg2: memref<2x1024x128xf32, #tpu.memory_space<vmem>>, %arg3: memref<1024x128xf32, #tpu.memory_space<vmem>>, %arg4: memref<1024x128xf32, #tpu.memory_space<vmem>>) attributes {dimension_semantics = [#tpu.dimension_semantics<arbitrary>], iteration_bounds = array<i64: 10>, scalar_prefetch = 0 : i64, scratch_operands = 0 : i64, tpu.core_type = #tpu.core_type<tc>, window_params = [{transform_indices = @transform_0, window_bounds = array<i64: 1024, 128>}, {transform_indices = @transform_1, window_bounds = array<i64: 2, 1024, 128>}, {transform_indices = @transform_2, window_bounds = array<i64: 1024, 128>}, {transform_indices = @transform_3, window_bounds = array<i64: 1024, 128>}]} {
    %get3A = arith.constant 0 : index
    %get3A_0 = arith.constant 0 : index
    %get3A_1 = arith.constant 0 : index
    %get3A_2 = vector.load %arg2[%get3A, %get3A_0, %get3A_1] : memref<2x1024x128xf32, #tpu.memory_space<vmem>>, vector<1x1024x128xf32>
    %get3A_3 = vector.shape_cast %get3A_2 : vector<1x1024x128xf32> to vector<1024x128xf32>
    %get3A_4 = arith.constant 1 : index
    %get3A_5 = arith.constant 0 : index
    %get3A_6 = arith.constant 0 : index
    %get3A_7 = vector.load %arg2[%get3A_4, %get3A_5, %get3A_6] : memref<2x1024x128xf32, #tpu.memory_space<vmem>>, vector<1x1024x128xf32>
    %get3A_8 = vector.shape_cast %get3A_7 : vector<1x1024x128xf32> to vector<1024x128xf32>
    %add3A = arith.addf %get3A_3, %get3A_8 : vector<1024x128xf32>
    %add3A_9 = arith.constant 1.000000e+00 : f32
    %add3A_10 = vector.broadcast %add3A_9 : f32 to vector<1024x128xf32>
    %add3A_11 = arith.addf %add3A, %add3A_10 : vector<1024x128xf32>
    %rsqrt3A = math.rsqrt %add3A_11 : vector<1024x128xf32>
    %swap3A = arith.constant 0 : index
    %swap3A_12 = arith.constant 0 : index
    %swap3A_13 = vector.load %arg4[%swap3A, %swap3A_12] : memref<1024x128xf32, #tpu.memory_space<vmem>>, vector<1024x128xf32>
    tpu.vector_store %arg4[%swap3A, %swap3A_12], %rsqrt3A {strides = array<i32>} : memref<1024x128xf32, #tpu.memory_space<vmem>>, vector<1024x128xf32>,
    %get3A_14 = arith.constant 0 : index
    %get3A_15 = arith.constant 0 : index
    %get3A_16 = vector.load %arg1[%get3A_14, %get3A_15] : memref<1024x128xf32, #tpu.memory_space<vmem>>, vector<1024x128xf32>
    %mul3A = arith.mulf %get3A_16, %rsqrt3A : vector<1024x128xf32>
    %swap3A_17 = arith.constant 0 : index
    %swap3A_18 = arith.constant 0 : index
    %swap3A_19 = vector.load %arg3[%swap3A_17, %swap3A_18] : memref<1024x128xf32, #tpu.memory_space<vmem>>, vector<1024x128xf32>
    tpu.vector_store %arg3[%swap3A_17, %swap3A_18], %mul3A {strides = array<i32>} : memref<1024x128xf32, #tpu.memory_space<vmem>>, vector<1024x128xf32>,
    return
  }
  func.func @transform_0(%arg0: i32) -> (i32, i32) {
    %c0_i32 = arith.constant 0 : i32
    %c0_i32_0 = arith.constant 0 : i32
    return %arg0, %c0_i32 : i32, i32
  }
  func.func @transform_1(%arg0: i32) -> (i32, i32, i32) {
    %c0_i32 = arith.constant 0 : i32
    %c0_i32_0 = arith.constant 0 : i32
    %c0_i32_1 = arith.constant 0 : i32
    return %c0_i32, %arg0, %c0_i32_0 : i32, i32, i32
  }
  func.func @transform_2(%arg0: i32) -> (i32, i32) {
    %c0_i32 = arith.constant 0 : i32
    %c0_i32_0 = arith.constant 0 : i32
    return %arg0, %c0_i32 : i32, i32
  }
  func.func @transform_3(%arg0: i32) -> (i32, i32) {
    %c0_i32 = arith.constant 0 : i32
    %c0_i32_0 = arith.constant 0 : i32
    return %arg0, %c0_i32 : i32, i32
  }
}

module attributes {stable_mosaic.version = 14 : i64} {
  func.func @_stats_body(%arg0: i32, %arg1: memref<2x1024x128xf32, #tpu.memory_space<vmem>>, %arg2: memref<1024x128xf32, #tpu.memory_space<vmem>>, %arg3: memref<1024x128xf32, #tpu.memory_space<vmem>>, %arg4: memref<1x128xf32, #tpu.memory_space<vmem>>, %arg5: memref<1024x128xf32, #tpu.memory_space<vmem>>, %arg6: memref<1x128xf32, #tpu.memory_space<vmem>>, %arg7: memref<1x128xf32, #tpu.memory_space<vmem>>) attributes {dimension_semantics = [#tpu.dimension_semantics<arbitrary>], iteration_bounds = array<i64: 10>, scalar_prefetch = 0 : i64, scratch_operands = 0 : i64, tpu.core_type = #tpu.core_type<tc>, window_params = [{transform_indices = @transform_0, window_bounds = array<i64: 2, 1024, 128>}, {transform_indices = @transform_1, window_bounds = array<i64: 1024, 128>}, {transform_indices = @transform_2, window_bounds = array<i64: 1024, 128>}, {pipeline_mode = #tpu.pipeline_mode<synchronous>, transform_indices = @transform_3, window_bounds = array<i64: 1, 128>}, {transform_indices = @transform_4, window_bounds = array<i64: 1024, 128>}, {pipeline_mode = #tpu.pipeline_mode<synchronous>, transform_indices = @transform_5, window_bounds = array<i64: 1, 128>}, {pipeline_mode = #tpu.pipeline_mode<synchronous>, transform_indices = @transform_6, window_bounds = array<i64: 1, 128>}]} {
    %eq3A = arith.constant 0 : i32
    %eq3A_0 = arith.cmpi eq, %arg0, %eq3A : i32
    %convert_element_type3A = arith.extui %eq3A_0 : i1 to i32
    %cond3A = arith.constant 0 : i32
    %cond3A_1 = arith.cmpi ne, %convert_element_type3A, %cond3A : i32
    scf.if %cond3A_1 {
      %broadcast_in_dim3A_51 = arith.constant 0.000000e+00 : f32
      %broadcast_in_dim3A_52 = vector.broadcast %broadcast_in_dim3A_51 : f32 to vector<1x128xf32>
      %swap3A_53 = arith.constant 0 : index
      %swap3A_54 = arith.constant 0 : index
      %swap3A_55 = vector.load %arg6[%swap3A_53, %swap3A_54] : memref<1x128xf32, #tpu.memory_space<vmem>>, vector<1x128xf32>
      tpu.vector_store %arg6[%swap3A_53, %swap3A_54], %broadcast_in_dim3A_52 {strides = array<i32>} : memref<1x128xf32, #tpu.memory_space<vmem>>, vector<1x128xf32>,
      %broadcast_in_dim3A_56 = arith.constant 0.000000e+00 : f32
      %broadcast_in_dim3A_57 = vector.broadcast %broadcast_in_dim3A_56 : f32 to vector<1x128xf32>
      %swap3A_58 = arith.constant 0 : index
      %swap3A_59 = arith.constant 0 : index
      %swap3A_60 = vector.load %arg7[%swap3A_58, %swap3A_59] : memref<1x128xf32, #tpu.memory_space<vmem>>, vector<1x128xf32>
      tpu.vector_store %arg7[%swap3A_58, %swap3A_59], %broadcast_in_dim3A_57 {strides = array<i32>} : memref<1x128xf32, #tpu.memory_space<vmem>>, vector<1x128xf32>,
    } else {
    }
    %get3A = arith.constant 0 : index
    %get3A_2 = arith.constant 0 : index
    %get3A_3 = arith.constant 0 : index
    %get3A_4 = vector.load %arg1[%get3A, %get3A_2, %get3A_3] : memref<2x1024x128xf32, #tpu.memory_space<vmem>>, vector<1x1024x128xf32>
    %get3A_5 = vector.shape_cast %get3A_4 : vector<1x1024x128xf32> to vector<1024x128xf32>
    %get3A_6 = arith.constant 1 : index
    %get3A_7 = arith.constant 0 : index
    %get3A_8 = arith.constant 0 : index
    %get3A_9 = vector.load %arg1[%get3A_6, %get3A_7, %get3A_8] : memref<2x1024x128xf32, #tpu.memory_space<vmem>>, vector<1x1024x128xf32>
    %get3A_10 = vector.shape_cast %get3A_9 : vector<1x1024x128xf32> to vector<1024x128xf32>
    %add3A = arith.addf %get3A_5, %get3A_10 : vector<1024x128xf32>
    %get3A_11 = arith.constant 0 : index
    %get3A_12 = arith.constant 0 : index
    %get3A_13 = vector.load %arg2[%get3A_11, %get3A_12] : memref<1024x128xf32, #tpu.memory_space<vmem>>, vector<1024x128xf32>
    %add3A_14 = arith.addf %add3A, %get3A_13 : vector<1024x128xf32>
    %get3A_15 = arith.constant 0 : index
    %get3A_16 = arith.constant 0 : index
    %get3A_17 = vector.load %arg3[%get3A_15, %get3A_16] : memref<1024x128xf32, #tpu.memory_space<vmem>>, vector<1024x128xf32>
    %mul3A = arith.mulf %add3A_14, %get3A_17 : vector<1024x128xf32>
    %get3A_18 = arith.constant 0 : index
    %get3A_19 = arith.constant 0 : index
    %get3A_20 = vector.load %arg4[%get3A_18, %get3A_19] : memref<1x128xf32, #tpu.memory_space<vmem>>, vector<1x128xf32>
    %add3A_21 = vector.broadcast %get3A_20 : vector<1x128xf32> to vector<1024x128xf32>
    %add3A_22 = arith.addf %mul3A, %add3A_21 : vector<1024x128xf32>
    %swap3A = arith.constant 0 : index
    %swap3A_23 = arith.constant 0 : index
    %swap3A_24 = vector.load %arg5[%swap3A, %swap3A_23] : memref<1024x128xf32, #tpu.memory_space<vmem>>, vector<1024x128xf32>
    tpu.vector_store %arg5[%swap3A, %swap3A_23], %add3A_22 {strides = array<i32>} : memref<1024x128xf32, #tpu.memory_space<vmem>>, vector<1024x128xf32>,
    %mul3A_25 = arith.constant 1024 : i32
    %mul3A_26 = arith.muli %arg0, %mul3A_25 : i32
    %iota3A = tpu.iota {dimensions = array<i32: 0>} : vector<1024x128xi32>
    %add3A_27 = vector.broadcast %mul3A_26 : i32 to vector<1024x128xi32>
    %add3A_28 = arith.addi %add3A_27, %iota3A : vector<1024x128xi32>
    %lt3A = arith.constant 10000 : i32
    %lt3A_29 = vector.broadcast %lt3A : i32 to vector<1024x128xi32>
    %lt3A_30 = arith.cmpi slt, %add3A_28, %lt3A_29 : vector<1024x128xi32>
    %jit3A = arith.constant 0.000000e+00 : f32
    %broadcast_in_dim3A = vector.broadcast %jit3A : f32 to vector<1024x128xf32>
    %select_n3A = arith.select %lt3A_30, %add3A_22, %broadcast_in_dim3A : vector<1024x128xi1>, vector<1024x128xf32>
    %get3A_31 = arith.constant 0 : index
    %get3A_32 = arith.constant 0 : index
    %get3A_33 = vector.load %arg6[%get3A_31, %get3A_32] : memref<1x128xf32, #tpu.memory_space<vmem>>, vector<1x128xf32>
    %reduce_sum3A = arith.constant dense<0.000000e+00> : vector<128xf32>
    %reduce_sum3A_34 = vector.multi_reduction <add>, %select_n3A, %reduce_sum3A [0] : vector<1024x128xf32> to vector<128xf32>
    %broadcast_in_dim3A_35 = vector.shape_cast %reduce_sum3A_34 : vector<128xf32> to vector<1x128xf32>
    %add3A_36 = arith.addf %get3A_33, %broadcast_in_dim3A_35 : vector<1x128xf32>
    %swap3A_37 = arith.constant 0 : index
    %swap3A_38 = arith.constant 0 : index
    %swap3A_39 = vector.load %arg6[%swap3A_37, %swap3A_38] : memref<1x128xf32, #tpu.memory_space<vmem>>, vector<1x128xf32>
    tpu.vector_store %arg6[%swap3A_37, %swap3A_38], %add3A_36 {strides = array<i32>} : memref<1x128xf32, #tpu.memory_space<vmem>>, vector<1x128xf32>,
    %get3A_40 = arith.constant 0 : index
    %get3A_41 = arith.constant 0 : index
    %get3A_42 = vector.load %arg7[%get3A_40, %get3A_41] : memref<1x128xf32, #tpu.memory_space<vmem>>, vector<1x128xf32>
    %mul3A_43 = arith.mulf %select_n3A, %select_n3A : vector<1024x128xf32>
    %reduce_sum3A_44 = arith.constant dense<0.000000e+00> : vector<128xf32>
    %reduce_sum3A_45 = vector.multi_reduction <add>, %mul3A_43, %reduce_sum3A_44 [0] : vector<1024x128xf32> to vector<128xf32>
    %broadcast_in_dim3A_46 = vector.shape_cast %reduce_sum3A_45 : vector<128xf32> to vector<1x128xf32>
    %add3A_47 = arith.addf %get3A_42, %broadcast_in_dim3A_46 : vector<1x128xf32>
    %swap3A_48 = arith.constant 0 : index
    %swap3A_49 = arith.constant 0 : index
    %swap3A_50 = vector.load %arg7[%swap3A_48, %swap3A_49] : memref<1x128xf32, #tpu.memory_space<vmem>>, vector<1x128xf32>
    tpu.vector_store %arg7[%swap3A_48, %swap3A_49], %add3A_47 {strides = array<i32>} : memref<1x128xf32, #tpu.memory_space<vmem>>, vector<1x128xf32>,
    return
  }
  func.func @transform_0(%arg0: i32) -> (i32, i32, i32) {
    %c0_i32 = arith.constant 0 : i32
    %c0_i32_0 = arith.constant 0 : i32
    %c0_i32_1 = arith.constant 0 : i32
    return %c0_i32, %arg0, %c0_i32_0 : i32, i32, i32
  }
  func.func @transform_1(%arg0: i32) -> (i32, i32) {
    %c0_i32 = arith.constant 0 : i32
    %c0_i32_0 = arith.constant 0 : i32
    return %arg0, %c0_i32 : i32, i32
  }
  func.func @transform_2(%arg0: i32) -> (i32, i32) {
    %c0_i32 = arith.constant 0 : i32
    %c0_i32_0 = arith.constant 0 : i32
    return %arg0, %c0_i32 : i32, i32
  }
  func.func @transform_3(%arg0: i32) -> (i32, i32) {
    %c0_i32 = arith.constant 0 : i32
    %c0_i32_0 = arith.constant 0 : i32
    %c0_i32_1 = arith.constant 0 : i32
    return %c0_i32, %c0_i32_0 : i32, i32
  }
  func.func @transform_4(%arg0: i32) -> (i32, i32) {
    %c0_i32 = arith.constant 0 : i32
    %c0_i32_0 = arith.constant 0 : i32
    return %arg0, %c0_i32 : i32, i32
  }
  func.func @transform_5(%arg0: i32) -> (i32, i32) {
    %c0_i32 = arith.constant 0 : i32
    %c0_i32_0 = arith.constant 0 : i32
    %c0_i32_1 = arith.constant 0 : i32
    return %c0_i32, %c0_i32_0 : i32, i32
  }
  func.func @transform_6(%arg0: i32) -> (i32, i32) {
    %c0_i32 = arith.constant 0 : i32
    %c0_i32_0 = arith.constant 0 : i32
    %c0_i32_1 = arith.constant 0 : i32
    return %c0_i32, %c0_i32_0 : i32, i32
  }
}

module attributes {stable_mosaic.version = 14 : i64} {
  func.func @_bn_mm_body(%arg0: i32, %arg1: memref<1024x128xf32, #tpu.memory_space<vmem>>, %arg2: memref<1x128xf32, #tpu.memory_space<vmem>>, %arg3: memref<1x128xf32, #tpu.memory_space<vmem>>, %arg4: memref<1x128xf32, #tpu.memory_space<vmem>>, %arg5: memref<1x128xf32, #tpu.memory_space<vmem>>, %arg6: memref<128x128xf32, #tpu.memory_space<vmem>>, %arg7: memref<1024x128xf32, #tpu.memory_space<vmem>>, %arg8: memref<1024x128xf32, #tpu.memory_space<vmem>>) attributes {dimension_semantics = [#tpu.dimension_semantics<arbitrary>], iteration_bounds = array<i64: 10>, scalar_prefetch = 0 : i64, scratch_operands = 0 : i64, tpu.core_type = #tpu.core_type<tc>, window_params = [{transform_indices = @transform_0, window_bounds = array<i64: 1024, 128>}, {pipeline_mode = #tpu.pipeline_mode<synchronous>, transform_indices = @transform_1, window_bounds = array<i64: 1, 128>}, {pipeline_mode = #tpu.pipeline_mode<synchronous>, transform_indices = @transform_2, window_bounds = array<i64: 1, 128>}, {pipeline_mode = #tpu.pipeline_mode<synchronous>, transform_indices = @transform_3, window_bounds = array<i64: 1, 128>}, {pipeline_mode = #tpu.pipeline_mode<synchronous>, transform_indices = @transform_4, window_bounds = array<i64: 1, 128>}, {pipeline_mode = #tpu.pipeline_mode<synchronous>, transform_indices = @transform_5, window_bounds = array<i64: 128, 128>}, {transform_indices = @transform_6, window_bounds = array<i64: 1024, 128>}, {transform_indices = @transform_7, window_bounds = array<i64: 1024, 128>}]} {
    %get3A = arith.constant 0 : index
    %get3A_0 = arith.constant 0 : index
    %get3A_1 = vector.load %arg2[%get3A, %get3A_0] : memref<1x128xf32, #tpu.memory_space<vmem>>, vector<1x128xf32>
    %div3A = arith.constant 1.000000e+04 : f32
    %div3A_2 = vector.broadcast %div3A : f32 to vector<1x128xf32>
    %div3A_3 = arith.divf %get3A_1, %div3A_2 : vector<1x128xf32>
    %get3A_4 = arith.constant 0 : index
    %get3A_5 = arith.constant 0 : index
    %get3A_6 = vector.load %arg3[%get3A_4, %get3A_5] : memref<1x128xf32, #tpu.memory_space<vmem>>, vector<1x128xf32>
    %div3A_7 = arith.constant 1.000000e+04 : f32
    %div3A_8 = vector.broadcast %div3A_7 : f32 to vector<1x128xf32>
    %div3A_9 = arith.divf %get3A_6, %div3A_8 : vector<1x128xf32>
    %mul3A = arith.mulf %div3A_3, %div3A_3 : vector<1x128xf32>
    %sub3A = arith.subf %div3A_9, %mul3A : vector<1x128xf32>
    %get3A_10 = arith.constant 0 : index
    %get3A_11 = arith.constant 0 : index
    %get3A_12 = vector.load %arg4[%get3A_10, %get3A_11] : memref<1x128xf32, #tpu.memory_space<vmem>>, vector<1x128xf32>
    %add3A = arith.constant 9.99999974E-6 : f32
    %add3A_13 = vector.broadcast %add3A : f32 to vector<1x128xf32>
    %add3A_14 = arith.addf %sub3A, %add3A_13 : vector<1x128xf32>
    %rsqrt3A = math.rsqrt %add3A_14 : vector<1x128xf32>
    %mul3A_15 = arith.mulf %get3A_12, %rsqrt3A : vector<1x128xf32>
    %get3A_16 = arith.constant 0 : index
    %get3A_17 = arith.constant 0 : index
    %get3A_18 = vector.load %arg5[%get3A_16, %get3A_17] : memref<1x128xf32, #tpu.memory_space<vmem>>, vector<1x128xf32>
    %mul3A_19 = arith.mulf %div3A_3, %mul3A_15 : vector<1x128xf32>
    %sub3A_20 = arith.subf %get3A_18, %mul3A_19 : vector<1x128xf32>
    %get3A_21 = arith.constant 0 : index
    %get3A_22 = arith.constant 0 : index
    %get3A_23 = vector.load %arg1[%get3A_21, %get3A_22] : memref<1024x128xf32, #tpu.memory_space<vmem>>, vector<1024x128xf32>
    %mul3A_24 = vector.broadcast %mul3A_15 : vector<1x128xf32> to vector<1024x128xf32>
    %mul3A_25 = arith.mulf %get3A_23, %mul3A_24 : vector<1024x128xf32>
    %add3A_26 = vector.broadcast %sub3A_20 : vector<1x128xf32> to vector<1024x128xf32>
    %add3A_27 = arith.addf %mul3A_25, %add3A_26 : vector<1024x128xf32>
    %max3A = arith.constant 0.000000e+00 : f32
    %max3A_28 = vector.broadcast %max3A : f32 to vector<1024x128xf32>
    %max3A_29 = arith.maximumf %add3A_27, %max3A_28 : vector<1024x128xf32>
    %get3A_30 = arith.constant 0 : index
    %get3A_31 = arith.constant 0 : index
    %get3A_32 = vector.load %arg6[%get3A_30, %get3A_31] : memref<128x128xf32, #tpu.memory_space<vmem>>, vector<128x128xf32>
    %dot_general3A = arith.constant dense<0.000000e+00> : vector<1024x128xf32>
    %dot_general3A_33 = tpu.matmul %max3A_29, %get3A_32, %dot_general3A {dimension_numbers = #tpu.dot_dimension_numbers<[1], [0], [0], [1], [0, 0, 1, 1], [], []>, transpose_lhs_hint = false} : vector<1024x128xf32>, vector<128x128xf32>, vector<1024x128xf32> -> vector<1024x128xf32>
    %get3A_34 = arith.constant 0 : index
    %get3A_35 = arith.constant 0 : index
    %get3A_36 = vector.load %arg7[%get3A_34, %get3A_35] : memref<1024x128xf32, #tpu.memory_space<vmem>>, vector<1024x128xf32>
    %mul3A_37 = arith.mulf %dot_general3A_33, %get3A_36 : vector<1024x128xf32>
    %swap3A = arith.constant 0 : index
    %swap3A_38 = arith.constant 0 : index
    %swap3A_39 = vector.load %arg8[%swap3A, %swap3A_38] : memref<1024x128xf32, #tpu.memory_space<vmem>>, vector<1024x128xf32>
    tpu.vector_store %arg8[%swap3A, %swap3A_38], %mul3A_37 {strides = array<i32>} : memref<1024x128xf32, #tpu.memory_space<vmem>>, vector<1024x128xf32>,
    return
  }
  func.func @transform_0(%arg0: i32) -> (i32, i32) {
    %c0_i32 = arith.constant 0 : i32
    %c0_i32_0 = arith.constant 0 : i32
    return %arg0, %c0_i32 : i32, i32
  }
  func.func @transform_1(%arg0: i32) -> (i32, i32) {
    %c0_i32 = arith.constant 0 : i32
    %c0_i32_0 = arith.constant 0 : i32
    %c0_i32_1 = arith.constant 0 : i32
    return %c0_i32, %c0_i32_0 : i32, i32
  }
  func.func @transform_2(%arg0: i32) -> (i32, i32) {
    %c0_i32 = arith.constant 0 : i32
    %c0_i32_0 = arith.constant 0 : i32
    %c0_i32_1 = arith.constant 0 : i32
    return %c0_i32, %c0_i32_0 : i32, i32
  }
  func.func @transform_3(%arg0: i32) -> (i32, i32) {
    %c0_i32 = arith.constant 0 : i32
    %c0_i32_0 = arith.constant 0 : i32
    %c0_i32_1 = arith.constant 0 : i32
    return %c0_i32, %c0_i32_0 : i32, i32
  }
  func.func @transform_4(%arg0: i32) -> (i32, i32) {
    %c0_i32 = arith.constant 0 : i32
    %c0_i32_0 = arith.constant 0 : i32
    %c0_i32_1 = arith.constant 0 : i32
    return %c0_i32, %c0_i32_0 : i32, i32
  }
  func.func @transform_5(%arg0: i32) -> (i32, i32) {
    %c0_i32 = arith.constant 0 : i32
    %c0_i32_0 = arith.constant 0 : i32
    %c0_i32_1 = arith.constant 0 : i32
    return %c0_i32, %c0_i32_0 : i32, i32
  }
  func.func @transform_6(%arg0: i32) -> (i32, i32) {
    %c0_i32 = arith.constant 0 : i32
    %c0_i32_0 = arith.constant 0 : i32
    return %arg0, %c0_i32 : i32, i32
  }
  func.func @transform_7(%arg0: i32) -> (i32, i32) {
    %c0_i32 = arith.constant 0 : i32
    %c0_i32_0 = arith.constant 0 : i32
    return %arg0, %c0_i32 : i32, i32
  }
}

module attributes {stable_mosaic.version = 14 : i64} {
  func.func @_out1_body(%arg0: i32, %arg1: memref<2x1024x128xf32, #tpu.memory_space<vmem>>, %arg2: memref<1024x128xf32, #tpu.memory_space<vmem>>, %arg3: memref<1024x128xf32, #tpu.memory_space<vmem>>, %arg4: memref<1x128xf32, #tpu.memory_space<vmem>>, %arg5: memref<1024x128xf32, #tpu.memory_space<vmem>>) attributes {dimension_semantics = [#tpu.dimension_semantics<arbitrary>], iteration_bounds = array<i64: 10>, scalar_prefetch = 0 : i64, scratch_operands = 0 : i64, tpu.core_type = #tpu.core_type<tc>, window_params = [{transform_indices = @transform_0, window_bounds = array<i64: 2, 1024, 128>}, {transform_indices = @transform_1, window_bounds = array<i64: 1024, 128>}, {transform_indices = @transform_2, window_bounds = array<i64: 1024, 128>}, {pipeline_mode = #tpu.pipeline_mode<synchronous>, transform_indices = @transform_3, window_bounds = array<i64: 1, 128>}, {transform_indices = @transform_4, window_bounds = array<i64: 1024, 128>}]} {
    %get3A = arith.constant 0 : index
    %get3A_0 = arith.constant 0 : index
    %get3A_1 = arith.constant 0 : index
    %get3A_2 = vector.load %arg1[%get3A, %get3A_0, %get3A_1] : memref<2x1024x128xf32, #tpu.memory_space<vmem>>, vector<1x1024x128xf32>
    %get3A_3 = vector.shape_cast %get3A_2 : vector<1x1024x128xf32> to vector<1024x128xf32>
    %get3A_4 = arith.constant 1 : index
    %get3A_5 = arith.constant 0 : index
    %get3A_6 = arith.constant 0 : index
    %get3A_7 = vector.load %arg1[%get3A_4, %get3A_5, %get3A_6] : memref<2x1024x128xf32, #tpu.memory_space<vmem>>, vector<1x1024x128xf32>
    %get3A_8 = vector.shape_cast %get3A_7 : vector<1x1024x128xf32> to vector<1024x128xf32>
    %add3A = arith.addf %get3A_3, %get3A_8 : vector<1024x128xf32>
    %get3A_9 = arith.constant 0 : index
    %get3A_10 = arith.constant 0 : index
    %get3A_11 = vector.load %arg2[%get3A_9, %get3A_10] : memref<1024x128xf32, #tpu.memory_space<vmem>>, vector<1024x128xf32>
    %add3A_12 = arith.addf %add3A, %get3A_11 : vector<1024x128xf32>
    %get3A_13 = arith.constant 0 : index
    %get3A_14 = arith.constant 0 : index
    %get3A_15 = vector.load %arg3[%get3A_13, %get3A_14] : memref<1024x128xf32, #tpu.memory_space<vmem>>, vector<1024x128xf32>
    %mul3A = arith.mulf %add3A_12, %get3A_15 : vector<1024x128xf32>
    %get3A_16 = arith.constant 0 : index
    %get3A_17 = arith.constant 0 : index
    %get3A_18 = vector.load %arg4[%get3A_16, %get3A_17] : memref<1x128xf32, #tpu.memory_space<vmem>>, vector<1x128xf32>
    %add3A_19 = vector.broadcast %get3A_18 : vector<1x128xf32> to vector<1024x128xf32>
    %add3A_20 = arith.addf %mul3A, %add3A_19 : vector<1024x128xf32>
    %swap3A = arith.constant 0 : index
    %swap3A_21 = arith.constant 0 : index
    %swap3A_22 = vector.load %arg5[%swap3A, %swap3A_21] : memref<1024x128xf32, #tpu.memory_space<vmem>>, vector<1024x128xf32>
    tpu.vector_store %arg5[%swap3A, %swap3A_21], %add3A_20 {strides = array<i32>} : memref<1024x128xf32, #tpu.memory_space<vmem>>, vector<1024x128xf32>,
    return
  }
  func.func @transform_0(%arg0: i32) -> (i32, i32, i32) {
    %c0_i32 = arith.constant 0 : i32
    %c0_i32_0 = arith.constant 0 : i32
    %c0_i32_1 = arith.constant 0 : i32
    return %c0_i32, %arg0, %c0_i32_0 : i32, i32, i32
  }
  func.func @transform_1(%arg0: i32) -> (i32, i32) {
    %c0_i32 = arith.constant 0 : i32
    %c0_i32_0 = arith.constant 0 : i32
    return %arg0, %c0_i32 : i32, i32
  }
  func.func @transform_2(%arg0: i32) -> (i32, i32) {
    %c0_i32 = arith.constant 0 : i32
    %c0_i32_0 = arith.constant 0 : i32
    return %arg0, %c0_i32 : i32, i32
  }
  func.func @transform_3(%arg0: i32) -> (i32, i32) {
    %c0_i32 = arith.constant 0 : i32
    %c0_i32_0 = arith.constant 0 : i32
    %c0_i32_1 = arith.constant 0 : i32
    return %c0_i32, %c0_i32_0 : i32, i32
  }
  func.func @transform_4(%arg0: i32) -> (i32, i32) {
    %c0_i32 = arith.constant 0 : i32
    %c0_i32_0 = arith.constant 0 : i32
    return %arg0, %c0_i32 : i32, i32
  }
}

module attributes {stable_mosaic.version = 14 : i64} {
  func.func @_ffn_body(%arg0: i32, %arg1: memref<1024x128xf32, #tpu.memory_space<vmem>>, %arg2: memref<128x128xf32, #tpu.memory_space<vmem>>, %arg3: memref<1x128xf32, #tpu.memory_space<vmem>>, %arg4: memref<128x128xf32, #tpu.memory_space<vmem>>, %arg5: memref<1x128xf32, #tpu.memory_space<vmem>>, %arg6: memref<1024x128xf32, #tpu.memory_space<vmem>>) attributes {dimension_semantics = [#tpu.dimension_semantics<arbitrary>], iteration_bounds = array<i64: 4>, scalar_prefetch = 0 : i64, scratch_operands = 0 : i64, tpu.core_type = #tpu.core_type<tc>, window_params = [{transform_indices = @transform_0, window_bounds = array<i64: 1024, 128>}, {pipeline_mode = #tpu.pipeline_mode<synchronous>, transform_indices = @transform_1, window_bounds = array<i64: 128, 128>}, {pipeline_mode = #tpu.pipeline_mode<synchronous>, transform_indices = @transform_2, window_bounds = array<i64: 1, 128>}, {pipeline_mode = #tpu.pipeline_mode<synchronous>, transform_indices = @transform_3, window_bounds = array<i64: 128, 128>}, {pipeline_mode = #tpu.pipeline_mode<synchronous>, transform_indices = @transform_4, window_bounds = array<i64: 1, 128>}, {transform_indices = @transform_5, window_bounds = array<i64: 1024, 128>}]} {
    %get3A = arith.constant 0 : index
    %get3A_0 = arith.constant 0 : index
    %get3A_1 = vector.load %arg1[%get3A, %get3A_0] : memref<1024x128xf32, #tpu.memory_space<vmem>>, vector<1024x128xf32>
    %get3A_2 = arith.constant 0 : index
    %get3A_3 = arith.constant 0 : index
    %get3A_4 = vector.load %arg2[%get3A_2, %get3A_3] : memref<128x128xf32, #tpu.memory_space<vmem>>, vector<128x128xf32>
    %dot_general3A = arith.constant dense<0.000000e+00> : vector<1024x128xf32>
    %dot_general3A_5 = tpu.matmul %get3A_1, %get3A_4, %dot_general3A {dimension_numbers = #tpu.dot_dimension_numbers<[1], [0], [0], [1], [0, 0, 1, 1], [], []>, transpose_lhs_hint = false} : vector<1024x128xf32>, vector<128x128xf32>, vector<1024x128xf32> -> vector<1024x128xf32>
    %get3A_6 = arith.constant 0 : index
    %get3A_7 = arith.constant 0 : index
    %get3A_8 = vector.load %arg3[%get3A_6, %get3A_7] : memref<1x128xf32, #tpu.memory_space<vmem>>, vector<1x128xf32>
    %add3A = vector.broadcast %get3A_8 : vector<1x128xf32> to vector<1024x128xf32>
    %add3A_9 = arith.addf %dot_general3A_5, %add3A : vector<1024x128xf32>
    %max3A = arith.constant 0.000000e+00 : f32
    %max3A_10 = vector.broadcast %max3A : f32 to vector<1024x128xf32>
    %max3A_11 = arith.maximumf %add3A_9, %max3A_10 : vector<1024x128xf32>
    %get3A_12 = arith.constant 0 : index
    %get3A_13 = arith.constant 0 : index
    %get3A_14 = vector.load %arg4[%get3A_12, %get3A_13] : memref<128x128xf32, #tpu.memory_space<vmem>>, vector<128x128xf32>
    %dot_general3A_15 = arith.constant dense<0.000000e+00> : vector<1024x128xf32>
    %dot_general3A_16 = tpu.matmul %max3A_11, %get3A_14, %dot_general3A_15 {dimension_numbers = #tpu.dot_dimension_numbers<[1], [0], [0], [1], [0, 0, 1, 1], [], []>, transpose_lhs_hint = false} : vector<1024x128xf32>, vector<128x128xf32>, vector<1024x128xf32> -> vector<1024x128xf32>
    %get3A_17 = arith.constant 0 : index
    %get3A_18 = arith.constant 0 : index
    %get3A_19 = vector.load %arg5[%get3A_17, %get3A_18] : memref<1x128xf32, #tpu.memory_space<vmem>>, vector<1x128xf32>
    %add3A_20 = vector.broadcast %get3A_19 : vector<1x128xf32> to vector<1024x128xf32>
    %add3A_21 = arith.addf %dot_general3A_16, %add3A_20 : vector<1024x128xf32>
    %swap3A = arith.constant 0 : index
    %swap3A_22 = arith.constant 0 : index
    %swap3A_23 = vector.load %arg6[%swap3A, %swap3A_22] : memref<1024x128xf32, #tpu.memory_space<vmem>>, vector<1024x128xf32>
    tpu.vector_store %arg6[%swap3A, %swap3A_22], %add3A_21 {strides = array<i32>} : memref<1024x128xf32, #tpu.memory_space<vmem>>, vector<1024x128xf32>,
    return
  }
  func.func @transform_0(%arg0: i32) -> (i32, i32) {
    %c0_i32 = arith.constant 0 : i32
    %c0_i32_0 = arith.constant 0 : i32
    return %arg0, %c0_i32 : i32, i32
  }
  func.func @transform_1(%arg0: i32) -> (i32, i32) {
    %c0_i32 = arith.constant 0 : i32
    %c0_i32_0 = arith.constant 0 : i32
    %c0_i32_1 = arith.constant 0 : i32
    return %c0_i32, %c0_i32_0 : i32, i32
  }
  func.func @transform_2(%arg0: i32) -> (i32, i32) {
    %c0_i32 = arith.constant 0 : i32
    %c0_i32_0 = arith.constant 0 : i32
    %c0_i32_1 = arith.constant 0 : i32
    return %c0_i32, %c0_i32_0 : i32, i32
  }
  func.func @transform_3(%arg0: i32) -> (i32, i32) {
    %c0_i32 = arith.constant 0 : i32
    %c0_i32_0 = arith.constant 0 : i32
    %c0_i32_1 = arith.constant 0 : i32
    return %c0_i32, %c0_i32_0 : i32, i32
  }
  func.func @transform_4(%arg0: i32) -> (i32, i32) {
    %c0_i32 = arith.constant 0 : i32
    %c0_i32_0 = arith.constant 0 : i32
    %c0_i32_1 = arith.constant 0 : i32
    return %c0_i32, %c0_i32_0 : i32, i32
  }
  func.func @transform_5(%arg0: i32) -> (i32, i32) {
    %c0_i32 = arith.constant 0 : i32
    %c0_i32_0 = arith.constant 0 : i32
    return %arg0, %c0_i32 : i32, i32
  }
}

</mosaic_0001>

<sc_bundles>
// kernel: kernel.12.cloned.1.call-start
scs
__scs_entry_jumppad:
0x0: {  	(pc) =	sbr.rel $0x88, $3  }
0x1: {  	(tag) =	ssettag $0x0;
	lr =	simm.s32 $0x1  }
0x2: {  	[smem:$0x3F94] =	sst lr;
	_ =	strace $0xD0000000  }
0x3: {  	_ = 	snop  }
0x4: {  	_ = 	snop  }
0x5: {  	_ = 	snop  }
0x6: {  	_ = 	snop  }
0x7: {  	_ = 	snop  }
__scs_overlays_trampoline_lowered:
0x8: {  	[smem:$0x3FA3] =	sst s0  }
0x9: {  	[smem:$0x3FA4] =	sst s1  }
0xa: {  	[smem:$0x3FA5] =	sst s2  }
0xb: {  	[smem:$0x3FA6] =	sst s3  }
0xc: {  	[smem:$0x3FA7] =	sst s4  }
0xd: {  	[smem:$0x3FA8] =	sst s5  }
0xe: {  	[smem:$0x3FA9] =	sst s6  }
0xf: {  	[smem:$0x3FAA] =	sst s7  }
0x10: {  	[smem:$0x3FAB] =	sst s8  }
0x11: {  	[smem:$0x3FAC] =	sst s9;
	s0 =	simm.s32 @!p0 $0x0  }
0x12: {  	s1 =	sld [smem:$0x3F92];
	s0 =	simm.s32 @p0 $0x1  }
0x13: {  	[smem:$0x3FAD] =	sst s0;
	s0 =	simm.s32 @!p1 $0x0  }
0x14: {  	s2 =	sld [smem:$0x3F91];
	s0 =	simm.s32 @p1 $0x1  }
0x15: {  	[smem:$0x3FAE] =	sst s0;
	s0 =	simm.s32 @!p2 $0x0  }
0x16: {  	s3 =	sld [smem:$0x3FDB];
	s0 =	simm.s32 @p2 $0x1  }
0x17: {  	s4 =	simm.s32 $0x1BF5;
	[smem:$0x3FB0] =	sst s0  }
0x18: {  	s0 =	sld [smem:$0x3F93];
	_ =	swait.ge [sflag:s4], $0x0  }
0x19: {  	s7 =	sld [smem:$0x3F94]  }
0x1a: {  	s8 =	sadd.s32 $0xFFFFE003, lr  }
0x1b: {  	s9 =	sadd.s32 $0xFFFFFEF7, lr;
	s5 =	simm.s32 $0xFFFFFFFF;
	p2 =	slt.u32 s8, $0xFFFFF086  }
0x1c: {  	p1 =	slt.u32 s9, $0xF7A;
	s5 =	simm.s32 @!p2 $0x0  }
0x1d: {  	s5 =	simm.s32 @p1 $0x1;
	p0 =	seq.s32 s7, s2  }
0x1e: {  	s7 =	smul.u32 @!p0 $0xF7A, s2;
	p2 =	seq.s32 @!p0 s5, $0x0  }
0x1f: {  	s9 =	smul.u32 $0xF7A, s1;
	s8 =	simm.s32 @!p0 $0x1BF5;
	p2 =	por !p2, p0  }
0x20: {  	[sflag:s8] =	ssyncset.s32 @!p0 $0xFFFFF086;
	s6 =	sadd.s32 @!p0 s3, s7;
	s7 =	simm.s32 @!p0 $0x108  }
0x21: {  	s3 =	sadd.s32 s3, s9;
	s6 =	sadd.s32 @!p0 $0x88, s6;
	s7 =	simm.s32 @p2 $0x1082  }
0x22: {  	[simem:s7], [sflag:s8] =	dma.local @!p0 [hbm:s6], $0xF7A  }
0x23: {  	s9 =	sor.u32 $0xD0000000, s2;
	s6 =	simm.s32 $0x108;
	_ =	swait.ge @!p0 [sflag:s8], $0x0  }
0x24: {  	s3 =	sadd.s32 $0x88, s3;
	s6 =	simm.s32 @!p1 $0x1082;
	[sflag:s4] =	ssyncset.s32 $0xFFFFF086  }
0x25: {  	[simem:s6], [sflag:s4] =	dma.local [hbm:s3], $0xF7A  }
0x26: {  	[smem:$0x3F94] =	sst s1;
	(tag) =	ssettag s2;
	_ =	strace s9  }
0x27: {  	s1 =	sld [smem:$0x3FA4]  }
0x28: {  	s2 =	sld [smem:$0x3FA5]  }
0x29: {  	s4 =	sld [smem:$0x3FA7]  }
0x2a: {  	p0 =	seq.s32 s5, $0x0;
	s5 =	sld [smem:$0x3FA8]  }
0x2b: {  	s6 =	sld [smem:$0x3FA9]  }
0x2c: {  	s7 =	sld [smem:$0x3FAA]  }
0x2d: {  	s3 =	simm.s32 $0x108;
	s8 =	sld [smem:$0x3FAB]  }
0x2e: {  	s3 =	simm.s32 @!p0 $0x1082;
	s9 =	sld [smem:$0x3FAC]  }
0x2f: {  	lr =	sadd.s32 s0, s3;
	s0 =	sld [smem:$0x3FA3]  }
0x30: {  	s3 =	sld [smem:$0x3FA6]  }
0x31: {  	[smem:$0x3FAF] =	sst s10  }
0x32: {  	s10 =	sld [smem:$0x3FAD];
	_ =	sdelay $0x3  }
0x33: {  	p0 =	seq.s32 s10, $0x1;
	s10 =	sld [smem:$0x3FAF];
	_ =	sdelay $0x3  }
0x34: {  	[smem:$0x3FAF] =	sst s10  }
0x35: {  	s10 =	sld [smem:$0x3FAE];
	_ =	sdelay $0x3  }
0x36: {  	p1 =	seq.s32 s10, $0x1;
	s10 =	sld [smem:$0x3FAF];
	_ =	sdelay $0x3  }
0x37: {  	[smem:$0x3FAF] =	sst s10  }
0x38: {  	s10 =	sld [smem:$0x3FB0]  }
0x39: {  	_ = 	snop;
	(pc) =	sbr.ind lr, $3  }
0x3a: {  	_ = 	snop  }
0x3b: {  	_ = 	snop  }
0x3c: {  	p2 =	seq.s32 s10, $0x1;
	s10 =	sld [smem:$0x3FAF]  }
0x3d: {  	_ =	shalt  }
0x3e: {  	_ =	shalt  }
0x3f: {  	_ =	shalt  }
0x40: {  	_ =	shalt  }
0x41: {  	_ =	shalt  }
0x42: {  	_ =	shalt  }
0x43: {  	_ =	shalt  }
0x44: {  	_ =	shalt  }
0x45: {  	_ =	shalt  }
0x46: {  	_ =	shalt  }
0x47: {  	_ =	shalt  }
0x48: {  	_ =	shalt  }
0x49: {  	_ =	shalt  }
0x4a: {  	_ =	shalt  }
0x4b: {  	_ =	shalt  }
0x4c: {  	_ =	shalt  }
0x4d: {  	_ =	shalt  }
0x4e: {  	_ =	shalt  }
0x4f: {  	_ =	shalt  }
0x50: {  	_ =	shalt  }
0x51: {  	_ =	shalt  }
0x52: {  	_ =	shalt  }
0x53: {  	_ =	shalt  }
0x54: {  	_ =	shalt  }
0x55: {  	_ =	shalt  }
0x56: {  	_ =	shalt  }
0x57: {  	_ =	shalt  }
0x58: {  	_ =	shalt  }
0x59: {  	_ =	shalt  }
0x5a: {  	_ =	shalt  }
0x5b: {  	_ =	shalt  }
0x5c: {  	_ =	shalt  }
0x5d: {  	_ =	shalt  }
0x5e: {  	_ =	shalt  }
0x5f: {  	_ =	shalt  }
0x60: {  	_ =	shalt  }
0x61: {  	_ =	shalt  }
0x62: {  	_ =	shalt  }
0x63: {  	_ =	shalt  }
0x64: {  	_ =	shalt  }
0x65: {  	_ =	shalt  }
0x66: {  	_ =	shalt  }
0x67: {  	_ =	shalt  }
0x68: {  	_ =	shalt  }
0x69: {  	_ =	shalt  }
0x6a: {  	_ =	shalt  }
0x6b: {  	_ =	shalt  }
0x6c: {  	_ =	shalt  }
0x6d: {  	_ =	shalt  }
0x6e: {  	_ =	shalt  }
0x6f: {  	_ =	shalt  }
0x70: {  	_ =	shalt  }
0x71: {  	_ =	shalt  }
0x72: {  	_ =	shalt  }
0x73: {  	_ =	shalt  }
0x74: {  	_ =	shalt  }
0x75: {  	_ =	shalt  }
0x76: {  	_ =	shalt  }
0x77: {  	_ =	shalt  }
0x78: {  	_ =	shalt  }
0x79: {  	_ =	shalt  }
0x7a: {  	_ =	shalt  }
0x7b: {  	_ =	shalt  }
0x7c: {  	_ =	shalt  }
0x7d: {  	_ =	shalt  }
0x7e: {  	_ =	shalt  }
0x7f: {  	_ =	shalt  }
0x80: {  	_ =	shalt  }
0x81: {  	_ =	shalt  }
0x82: {  	_ =	shalt  }
0x83: {  	_ =	shalt  }
0x84: {  	_ =	shalt  }
0x85: {  	_ =	shalt  }
0x86: {  	_ =	shalt  }
0x87: {  	_ =	shalt  }
.Lfunc_end0:
.L_simem_size_0:
called_computation_lowered:
.L_overlay_start_0:
0x88: {  	s2 =	sld [smem:$0x3FD9]  }
0x89: {  	s3 =	sld [smem:$0x3FFE];
	_ =	sdelay $0x1  }
0x8a: {  	s1 =	srdreg.scid  }
0x8b: {  	s0 =	sand.u32 $0x1, s1  }
0x8c: {  	s17 =	sshll.u32 s0, $0xA;
	s2 =	sadd.s32 s3, s2  }
0x8d: {  	s2 =	sadd.s32 s2, s17  }
0x8e: {  	[smem:$0x3FBB] =	sst s2  }
0x8f: {  	_ = 	snop  }
0x90: {  	s2 =	sld [smem:$0x3FD0];
	(tm) =	ssettm $0x1  }
0x91: {  	s18 =	sld [smem:$0x3FFB];
	_ =	sdelay $0x3  }
0x92: {  	_ =	strace s18  }
0x93: {  	s3 =	sld [smem:$0x3FFC];
	_ =	sdelay $0x3  }
0x94: {  	_ =	strace s3  }
0x95: {  	s3 =	sld [smem:$0x3FFD];
	_ =	sdelay $0x3  }
0x96: {  	_ =	strace s3  }
0x97: {  	_ =	strace $0x8FFFFFFF  }
0x98: {  	s19 =	sld [smem:$0x3FDB];
	_ =	sdelay $0x1  }
0x99: {  	s4 =	simm.s32 $_scs_section_size  }
0x9a: {  	s5 =	simm.s32 $_size__tile_overlayer_lowered;
	s6 =	simm.s32 $_tile_overlayer_lowered  }
0x9b: {  	s22 =	simm.s32 $0x1BFF;
	s21 =	sshll.u32 s6, $0x1;
	s3 =	sadd.s32 s4, s19  }
0x9c: {  	s7 =	simm.s32 $0x0;
	s20 =	sshll.u32 s5, $0x1;
	s5 =	sadd.s32 s21, s3  }
0x9d: {  	[timem:s7], [sflag:s22] =	dma.local [hbm:s5], s20  }
0x9e: {  	_ =	swait.ge [sflag:s22], s20  }
0x9f: {  	s4 =	ssub.s32 $0x0, s20;
	[sflag:s22] =	ssyncset.done $0x0  }
0xa0: {  	[sflag:s22] =	ssyncadd.s32 s4;
	_ =	sdelay $0x1  }
0xa1: {  	s23 =	simm.s32 $0x1B8B  }
0xa2: {  	_ =	swait.ge [sflag:s23], $0x1  }
0xa3: {  	[sflag:s23] =	ssyncset.done $0x0  }
0xa4: {  	s25 =	simm.s32 $0x1B8E;
	s24 =	sld [smem:$0x3FFE];
	[sflag:s23] =	ssyncadd.s32 $0xFFFFFFFF  }
0xa5: {  	s26 =	simm.s32 $execute0_lowered;
	[smem:$0x3FD2] =	sst s25  }
0xa6: {  	s5 =	sshll.u32 s26, $0x1;
	_ =	strace $0x80000046;
	[dreg:$0x1] =	wrdreg $0xFFFFFFFF  }
0xa7: {  	s28 =	simm.s32 $_size_execute0_lowered;
	s3 =	sadd.s32 s3, s5;
	[dreg:$0x0] =	wrdreg $0x0  }
0xa8: {  	s5 =	sshll.u32 s28, $0x1;
	[dreg:$0x2] =	wrdreg s3  }
0xa9: {  	[dreg:$0x3] =	wrdreg s5  }
0xaa: {  	[dreg:$0x4] =	wrdreg $0xC0  }
0xab: {  	_ =	task [dreg:s7], $0x5FFFF  }
0xac: {  	[dreg:$0x1] =	wrdreg $0xFFFFFFFF  }
0xad: {  	[dreg:$0x0] =	wrdreg $0x60  }
0xae: {  	[dreg:$0x2] =	wrdreg s2  }
0xaf: {  	[dreg:$0x3] =	wrdreg s24  }
0xb0: {  	[dreg:$0x4] =	wrdreg $0x0  }
0xb1: {  	[dreg:$0x5] =	wrdreg $0x9  }
0xb2: {  	_ =	task.clear_ibuf [dreg:s7], $0x6FFFF;
	_ =	strace $0x90000046  }
0xb3: {  	s29 =	simm.s32 $0x9;
	_ =	strace $0x80000048  }
0xb4: {  	_ =	swait.ge [sflag:s29], $0x1  }
0xb5: {  	[sflag:s29] =	ssyncadd.s32 $0xFFFFFFFF  }
0xb6: {  	_ =	strace $0x90000048  }
0xb7: {  	_ =	sfence  }
0xb8: {  	s30 =	sld [smem:$0x0];
	_ =	sdelay $0x2  }
0xb9: {  	s31 =	sshll.u32 s1, $0xD;
	s1 =	sshrl.u32 s1, $0x2  }
0xba: {  	s3 =	sand.u32 $0x4000, s31;
	s1 =	sadd.s32 s1, s30  }
0xbb: {  	s0 =	sor.u32 s3, s0;
	s1 =	sshll.u32 s1, $0x11  }
0xbc: {  	s0 =	sor.u32 s1, s0  }
0xbd: {  	s0 =	sadd.s32 $0x8F2B, s0  }
0xbe: {  	[sflag:s0] =	ssyncadd.remote.s32 $0x1  }
0xbf: {  	_ =	sfence.sel $0xFFFF  }
0xc0: {  	[dreg:$0x0] =	wrdreg $0xFFFFFFFF;
	(pc) =	sbr.abs _section_cstart, $3  }
0xc1: {  	[dreg:$0x1] =	wrdreg $0xFFFFFFFF  }
0xc2: {  	_ =	task.clear_ibuf [dreg:s7], $0x2FFFF;
	_ =	strace $0x9FFFFFFF  }
0xc3: {  	(tm) =	ssettm $0x7FFFFFFF  }
tec
execute0_lowered:
.L_overlay_start_1:
0x0: {  	(tag) =	ssettag $0x1  }
0x1: {  	s5 =	rddreg [dreg:$0x0]  }
0x2: {  	s6 =	rddreg [dreg:$0x1]  }
0x3: {  	s2 =	rddreg [dreg:$0x2]  }
0x4: {  	s0 =	rddreg [dreg:$0x3];
	s3 =	simm.s32 $0x0  }
0x5: {  	s1 =	stileid.u32;
	s4 =	srdreg.scid;
	s13 =	simm.s32 $0x7D  }
0x6: {  	s14 =	simm.s32 $0x14080;
	s15 =	simm.s32 $0x14100;
	s16 =	simm.s32 $0x14180  }
0x7: {  	s17 =	simm.s32 $0x1;
	[smem:$0x7FF] =	sst s3;
	s18 =	smul.u32 $0x2800, s1  }
0x8: {  	s7 =	sand.u32 $0x1, s4;
	s4 =	sadd.s32 $0x3A00, s6;
	s9 =	sshll.u32 s1, $0x1  }
0x9: {  	s28 =	smul.u32 $0x50000, s1;
	s31 =	sshll.u32 s1, $0x6;
	_ =	strace $0x80000047  }
0xa: {  	s8 =	smul.u32 $0x28000, s7;
	s10 =	ssub.s32 $0x2, s7;
	s7 =	sor.u32 s7, s9  }
0xb: {  	s9 =	simm.s32 $0x2;
	s11 =	sadd.s32 s18, s6;
	s12 =	sshrl.u32 s10, $0x1  }
0xc: {  	s7 =	smul.u32 $0x500, s7;
	s29 =	sshrl.u32 s28, $0x2;
	s8 =	sadd.s32 s8, s6  }
0xd: {  	s10 =	ssub.s32 s10, s12;
	s30 =	sadd.s32 s29, s2;
	s6 =	sadd.s32 $0x4200, s11  }
0xe: {  	s11 =	sor.u32 $0x1C02, s31;
	s5 =	sadd.s32 s5, s7;
	s19 =	sadd.s32 $0x2C200, s8  }
0xf: {  	s7 =	smax.u32 s10, $0x1;
	s8 =	simm.s32 $0x14000;
	s10 =	simm.s32 $0x16800  }
0x10: {  	s12 =	sshrl.u32 s30, $0x3;
	s18 =	sadd.s32 s18, s19;
	s19 =	simm.s32 $0x0  }
.LBB2_1:
0x11: {  	[tilespmem:s8], [sflag:$0x2] =	stream.linear.gather [hbm4b:s5+s3], $0x2800, $0x38;
	[tilespmem:$0x1A800] =	vst v63  }
0x12: {  	_ =	swait.ge [sflag:s9], $0x2800  }
0x13: {  	[sflag:s9] =	ssyncset.done $0x0  }
0x14: {  	[sflag:s9] =	ssyncadd.s32 $0xFFFFD800  }
0x15: {  	[tilespmem:s10], [sflag:$0x2] =	stream.linear.gather [hbm4b:s4+s3], $0x3E80, $0x38;
	[tilespmem:$0x1A800] =	vst v63  }
0x16: {  	_ =	swait.ge [sflag:s9], $0x3E80  }
0x17: {  	[sflag:s9] =	ssyncset.done $0x0  }
0x18: {  	[sflag:s9] =	ssyncadd.s32 $0xFFFFC180  }
0x19: {  	[spmem:s12], [sflag:s11] =	dma.local [hbm:s6], $0x2800  }
0x1a: {  	_ =	swait.ge [sflag:s9], $0x2800  }
0x1b: {  	[sflag:s9] =	ssyncset.done $0x0  }
0x1c: {  	[sflag:s9] =	ssyncadd.s32 $0xFFFFD800  }
0x1d: {  	[bflag:$0x0] =	sbarrier.arrive $0xFFFF  }
0x1e: {  	[spmem:s2] =	stream.indirect.scatter.add.f32 [tilespmem:s10], [sflag:$0x1], $0x80, s8, s13, $0xb8;
	[tilespmem:$0x1A800] =	vst v63  }
0x1f: {  	_ = 	snop  }
0x20: {  	[spmem:s2] =	stream.indirect.scatter.add.f32 [tilespmem:s10], [sflag:$0x1], $0x80, s14, s13, $0xb8;
	[tilespmem:$0x1A800] =	vst v63  }
0x21: {  	_ = 	snop  }
0x22: {  	[spmem:s2] =	stream.indirect.scatter.add.f32 [tilespmem:s10], [sflag:$0x1], $0x80, s15, s13, $0xb8;
	[tilespmem:$0x1A800] =	vst v63  }
0x23: {  	_ = 	snop  }
0x24: {  	[spmem:s2] =	stream.indirect.scatter.add.f32 [tilespmem:s10], [sflag:$0x1], $0x80, s16, s13, $0xb8;
	[tilespmem:$0x1A800] =	vst v63  }
0x25: {  	s20 =	simm.s32 $0x14200  }
0x26: {  	[spmem:s2] =	stream.indirect.scatter.add.f32 [tilespmem:s10], [sflag:$0x1], $0x80, s20, s13, $0xb8;
	[tilespmem:$0x1A800] =	vst v63  }
0x27: {  	s20 =	simm.s32 $0xA00;
	_ =	swait.ge [sflag:s17], $0x3E80  }
.LBB2_2:
0x28: {  	s21 =	sshra.s32 s20, $0x2;
	[sflag:s17] =	ssyncset.done $0x0;
	p0 =	sne.s32 s20, $0x9E00  }
.Ltmp0:
0x29: {  	s21 =	sadd.s32 $0x14000, s21;
	[sflag:s17] =	ssyncadd.s32 $0xFFFFC180;
	(pc) =	sbr.rel @p0 .LBB2_2-.Ltmp0, $3  }
0x2a: {  	[spmem:s2] =	stream.indirect.scatter.add.f32 [tilespmem:s10], [sflag:$0x1], $0x80, s21, s13, $0xb8;
	[tilespmem:$0x1A800] =	vst v63  }
0x2b: {  	s20 =	sadd.s32 $0x200, s20;
	_ =	sdelay $0x1  }
0x2c: {  	_ =	swait.ge [sflag:s17], $0x3E80  }
0x2d: {  	[sflag:s17] =	ssyncset.done $0x0  }
0x2e: {  	[sflag:s17] =	ssyncadd.s32 $0xFFFFC180  }
0x2f: {  	_ =	swait.ge [sflag:s17], $0x3E80  }
0x30: {  	[sflag:s17] =	ssyncset.done $0x0  }
0x31: {  	[sflag:s17] =	ssyncadd.s32 $0xFFFFC180  }
0x32: {  	_ =	swait.ge [sflag:s17], $0x3E80  }
0x33: {  	[sflag:s17] =	ssyncset.done $0x0  }
0x34: {  	[sflag:s17] =	ssyncadd.s32 $0xFFFFC180  }
0x35: {  	_ =	swait.ge [sflag:s17], $0x3E80  }
0x36: {  	[sflag:s17] =	ssyncset.done $0x0  }
0x37: {  	[sflag:s17] =	ssyncadd.s32 $0xFFFFC180  }
0x38: {  	_ =	swait.ge [sflag:s17], $0x3E80  }
0x39: {  	s19 =	sadd.s32 $0x1, s19;
	[sflag:s17] =	ssyncset.done $0x0  }
0x3a: {  	p0 =	sne.s32 s19, s7;
	[sflag:s17] =	ssyncadd.s32 $0xFFFFC180  }
.Ltmp1:
0x3b: {  	[bflag:$0x0] =	sbarrier.arrive $0xFFFF;
	(pc) =	sbr.rel @p0 .LBB2_1-.Ltmp1, $4  }
0x3c: {  	[hbm:s18], [sflag:s11] =	dma.local [spmem:s12], $0x2800  }
0x3d: {  	_ =	swait.ge [sflag:s9], $0x2800  }
0x3e: {  	[sflag:s9] =	ssyncset.done $0x0  }
0x3f: {  	[sflag:s9] =	ssyncadd.s32 $0xFFFFD800  }
0x40: {  	_ =	sfence.sel $0x180000  }
0x41: {  	[bflag:$0x0] =	sbarrier.arrive $0xFFFF  }
0x42: {  	p0 =	sne.s32 s1, $0x0;
	_ =	strace $0x90000047  }
0x43: {  	s0 =	sadd.s32 @!p0 $0x100000, s0;
	[bflag:$0x2] =	sbarrier.arrive $0xFFFF  }
0x44: {  	[sflag:s0] =	ssyncadd.tile.s32 @!p0 $0x1;
	_ =	shalt  }
.Lfunc_end2:
_tile_overlayer_lowered:
.L_overlay_start_2:
0x45: {  	(tag) =	ssettag $0x2  }
0x46: {  	s0 =	rddreg [dreg:$0x0];
	s2 =	stileid.u32  }
0x47: {  	s1 =	rddreg [dreg:$0x1];
	p0 =	sne.s32 s2, $0x0  }
0x48: {  	s3 =	rddreg [dreg:$0x2];
	[bflag:$0x3] =	sbarrier.arrive $0xFFFF;
	s2 =	simm.s32 @!p0 $0x1C02  }
0x49: {  	[timem:s3], [sflag:s2] =	dma.local @!p0 [hbm:s0], s1  }
0x4a: {  	s0 =	simm.s32 @!p0 $0x2  }
0x4b: {  	_ =	swait.ge @!p0 [sflag:s0], s1  }
0x4c: {  	s1 =	ssub.s32 @!p0 $0x0, s1;
	[sflag:s0] =	ssyncset.done @!p0 $0x0  }
0x4d: {  	[sflag:s0] =	ssyncadd.s32 @!p0 s1  }
0x4e: {  	[bflag:$0x3] =	sbarrier.arrive $0xFFFF  }
0x4f: {  	_ =	shalt  }

// kernel: kernel.15.cloned.1.call-start
scs
__scs_entry_jumppad:
0x0: {  	(pc) =	sbr.rel $0x88, $3  }
0x1: {  	(tag) =	ssettag $0x0;
	lr =	simm.s32 $0x1  }
0x2: {  	[smem:$0x3F94] =	sst lr;
	_ =	strace $0xD0000000  }
0x3: {  	_ = 	snop  }
0x4: {  	_ = 	snop  }
0x5: {  	_ = 	snop  }
0x6: {  	_ = 	snop  }
0x7: {  	_ = 	snop  }
__scs_overlays_trampoline_lowered:
0x8: {  	[smem:$0x3FA3] =	sst s0  }
0x9: {  	[smem:$0x3FA4] =	sst s1  }
0xa: {  	[smem:$0x3FA5] =	sst s2  }
0xb: {  	[smem:$0x3FA6] =	sst s3  }
0xc: {  	[smem:$0x3FA7] =	sst s4  }
0xd: {  	[smem:$0x3FA8] =	sst s5  }
0xe: {  	[smem:$0x3FA9] =	sst s6  }
0xf: {  	[smem:$0x3FAA] =	sst s7  }
0x10: {  	[smem:$0x3FAB] =	sst s8  }
0x11: {  	[smem:$0x3FAC] =	sst s9;
	s0 =	simm.s32 @!p0 $0x0  }
0x12: {  	s1 =	sld [smem:$0x3F92];
	s0 =	simm.s32 @p0 $0x1  }
0x13: {  	[smem:$0x3FAD] =	sst s0;
	s0 =	simm.s32 @!p1 $0x0  }
0x14: {  	s2 =	sld [smem:$0x3F91];
	s0 =	simm.s32 @p1 $0x1  }
0x15: {  	[smem:$0x3FAE] =	sst s0;
	s0 =	simm.s32 @!p2 $0x0  }
0x16: {  	s3 =	sld [smem:$0x3FDB];
	s0 =	simm.s32 @p2 $0x1  }
0x17: {  	s4 =	simm.s32 $0x1BF5;
	[smem:$0x3FB0] =	sst s0  }
0x18: {  	s0 =	sld [smem:$0x3F93];
	_ =	swait.ge [sflag:s4], $0x0  }
0x19: {  	s7 =	sld [smem:$0x3F94]  }
0x1a: {  	s8 =	sadd.s32 $0xFFFFE003, lr  }
0x1b: {  	s9 =	sadd.s32 $0xFFFFFEF7, lr;
	s5 =	simm.s32 $0xFFFFFFFF;
	p2 =	slt.u32 s8, $0xFFFFF086  }
0x1c: {  	p1 =	slt.u32 s9, $0xF7A;
	s5 =	simm.s32 @!p2 $0x0  }
0x1d: {  	s5 =	simm.s32 @p1 $0x1;
	p0 =	seq.s32 s7, s2  }
0x1e: {  	s7 =	smul.u32 @!p0 $0xF7A, s2;
	p2 =	seq.s32 @!p0 s5, $0x0  }
0x1f: {  	s9 =	smul.u32 $0xF7A, s1;
	s8 =	simm.s32 @!p0 $0x1BF5;
	p2 =	por !p2, p0  }
0x20: {  	[sflag:s8] =	ssyncset.s32 @!p0 $0xFFFFF086;
	s6 =	sadd.s32 @!p0 s3, s7;
	s7 =	simm.s32 @!p0 $0x108  }
0x21: {  	s3 =	sadd.s32 s3, s9;
	s6 =	sadd.s32 @!p0 $0x88, s6;
	s7 =	simm.s32 @p2 $0x1082  }
0x22: {  	[simem:s7], [sflag:s8] =	dma.local @!p0 [hbm:s6], $0xF7A  }
0x23: {  	s9 =	sor.u32 $0xD0000000, s2;
	s6 =	simm.s32 $0x108;
	_ =	swait.ge @!p0 [sflag:s8], $0x0  }
0x24: {  	s3 =	sadd.s32 $0x88, s3;
	s6 =	simm.s32 @!p1 $0x1082;
	[sflag:s4] =	ssyncset.s32 $0xFFFFF086  }
0x25: {  	[simem:s6], [sflag:s4] =	dma.local [hbm:s3], $0xF7A  }
0x26: {  	[smem:$0x3F94] =	sst s1;
	(tag) =	ssettag s2;
	_ =	strace s9  }
0x27: {  	s1 =	sld [smem:$0x3FA4]  }
0x28: {  	s2 =	sld [smem:$0x3FA5]  }
0x29: {  	s4 =	sld [smem:$0x3FA7]  }
0x2a: {  	p0 =	seq.s32 s5, $0x0;
	s5 =	sld [smem:$0x3FA8]  }
0x2b: {  	s6 =	sld [smem:$0x3FA9]  }
0x2c: {  	s7 =	sld [smem:$0x3FAA]  }
0x2d: {  	s3 =	simm.s32 $0x108;
	s8 =	sld [smem:$0x3FAB]  }
0x2e: {  	s3 =	simm.s32 @!p0 $0x1082;
	s9 =	sld [smem:$0x3FAC]  }
0x2f: {  	lr =	sadd.s32 s0, s3;
	s0 =	sld [smem:$0x3FA3]  }
0x30: {  	s3 =	sld [smem:$0x3FA6]  }
0x31: {  	[smem:$0x3FAF] =	sst s10  }
0x32: {  	s10 =	sld [smem:$0x3FAD];
	_ =	sdelay $0x3  }
0x33: {  	p0 =	seq.s32 s10, $0x1;
	s10 =	sld [smem:$0x3FAF];
	_ =	sdelay $0x3  }
0x34: {  	[smem:$0x3FAF] =	sst s10  }
0x35: {  	s10 =	sld [smem:$0x3FAE];
	_ =	sdelay $0x3  }
0x36: {  	p1 =	seq.s32 s10, $0x1;
	s10 =	sld [smem:$0x3FAF];
	_ =	sdelay $0x3  }
0x37: {  	[smem:$0x3FAF] =	sst s10  }
0x38: {  	s10 =	sld [smem:$0x3FB0]  }
0x39: {  	_ = 	snop;
	(pc) =	sbr.ind lr, $3  }
0x3a: {  	_ = 	snop  }
0x3b: {  	_ = 	snop  }
0x3c: {  	p2 =	seq.s32 s10, $0x1;
	s10 =	sld [smem:$0x3FAF]  }
0x3d: {  	_ =	shalt  }
0x3e: {  	_ =	shalt  }
0x3f: {  	_ =	shalt  }
0x40: {  	_ =	shalt  }
0x41: {  	_ =	shalt  }
0x42: {  	_ =	shalt  }
0x43: {  	_ =	shalt  }
0x44: {  	_ =	shalt  }
0x45: {  	_ =	shalt  }
0x46: {  	_ =	shalt  }
0x47: {  	_ =	shalt  }
0x48: {  	_ =	shalt  }
0x49: {  	_ =	shalt  }
0x4a: {  	_ =	shalt  }
0x4b: {  	_ =	shalt  }
0x4c: {  	_ =	shalt  }
0x4d: {  	_ =	shalt  }
0x4e: {  	_ =	shalt  }
0x4f: {  	_ =	shalt  }
0x50: {  	_ =	shalt  }
0x51: {  	_ =	shalt  }
0x52: {  	_ =	shalt  }
0x53: {  	_ =	shalt  }
0x54: {  	_ =	shalt  }
0x55: {  	_ =	shalt  }
0x56: {  	_ =	shalt  }
0x57: {  	_ =	shalt  }
0x58: {  	_ =	shalt  }
0x59: {  	_ =	shalt  }
0x5a: {  	_ =	shalt  }
0x5b: {  	_ =	shalt  }
0x5c: {  	_ =	shalt  }
0x5d: {  	_ =	shalt  }
0x5e: {  	_ =	shalt  }
0x5f: {  	_ =	shalt  }
0x60: {  	_ =	shalt  }
0x61: {  	_ =	shalt  }
0x62: {  	_ =	shalt  }
0x63: {  	_ =	shalt  }
0x64: {  	_ =	shalt  }
0x65: {  	_ =	shalt  }
0x66: {  	_ =	shalt  }
0x67: {  	_ =	shalt  }
0x68: {  	_ =	shalt  }
0x69: {  	_ =	shalt  }
0x6a: {  	_ =	shalt  }
0x6b: {  	_ =	shalt  }
0x6c: {  	_ =	shalt  }
0x6d: {  	_ =	shalt  }
0x6e: {  	_ =	shalt  }
0x6f: {  	_ =	shalt  }
0x70: {  	_ =	shalt  }
0x71: {  	_ =	shalt  }
0x72: {  	_ =	shalt  }
0x73: {  	_ =	shalt  }
0x74: {  	_ =	shalt  }
0x75: {  	_ =	shalt  }
0x76: {  	_ =	shalt  }
0x77: {  	_ =	shalt  }
0x78: {  	_ =	shalt  }
0x79: {  	_ =	shalt  }
0x7a: {  	_ =	shalt  }
0x7b: {  	_ =	shalt  }
0x7c: {  	_ =	shalt  }
0x7d: {  	_ =	shalt  }
0x7e: {  	_ =	shalt  }
0x7f: {  	_ =	shalt  }
0x80: {  	_ =	shalt  }
0x81: {  	_ =	shalt  }
0x82: {  	_ =	shalt  }
0x83: {  	_ =	shalt  }
0x84: {  	_ =	shalt  }
0x85: {  	_ =	shalt  }
0x86: {  	_ =	shalt  }
0x87: {  	_ =	shalt  }
.Lfunc_end0:
.L_simem_size_0:
called_computation.1_lowered:
.L_overlay_start_0:
0x88: {  	s2 =	sld [smem:$0x3FD9]  }
0x89: {  	s3 =	sld [smem:$0x3FFE];
	_ =	sdelay $0x1  }
0x8a: {  	s1 =	srdreg.scid  }
0x8b: {  	s0 =	sand.u32 $0x1, s1  }
0x8c: {  	s16 =	sshll.u32 s0, $0xA;
	s2 =	sadd.s32 s3, s2  }
0x8d: {  	s2 =	sadd.s32 s2, s16  }
0x8e: {  	[smem:$0x3FBB] =	sst s2  }
0x8f: {  	_ = 	snop  }
0x90: {  	(tm) =	ssettm $0x1  }
0x91: {  	s17 =	sld [smem:$0x3FFB];
	_ =	sdelay $0x3  }
0x92: {  	_ =	strace s17  }
0x93: {  	s2 =	sld [smem:$0x3FFC];
	_ =	sdelay $0x3  }
0x94: {  	_ =	strace s2  }
0x95: {  	s2 =	sld [smem:$0x3FFD];
	_ =	sdelay $0x3  }
0x96: {  	_ =	strace s2  }
0x97: {  	_ =	strace $0x8FFFFFFF  }
0x98: {  	s18 =	sld [smem:$0x3FDB];
	_ =	sdelay $0x1  }
0x99: {  	s19 =	simm.s32 $_scs_section_size  }
0x9a: {  	s4 =	simm.s32 $_size__tile_overlayer_lowered;
	s5 =	simm.s32 $_tile_overlayer_lowered  }
0x9b: {  	s22 =	simm.s32 $0x1BFF;
	s21 =	sshll.u32 s5, $0x1;
	s2 =	sadd.s32 s19, s18  }
0x9c: {  	s6 =	simm.s32 $0x0;
	s20 =	sshll.u32 s4, $0x1;
	s4 =	sadd.s32 s21, s2  }
0x9d: {  	[timem:s6], [sflag:s22] =	dma.local [hbm:s4], s20  }
0x9e: {  	_ =	swait.ge [sflag:s22], s20  }
0x9f: {  	s3 =	ssub.s32 $0x0, s20;
	[sflag:s22] =	ssyncset.done $0x0  }
0xa0: {  	[sflag:s22] =	ssyncadd.s32 s3;
	_ =	sdelay $0x1  }
0xa1: {  	s23 =	simm.s32 $0x1B8B  }
0xa2: {  	_ =	swait.ge [sflag:s23], $0x1  }
0xa3: {  	[sflag:s23] =	ssyncset.done $0x0  }
0xa4: {  	s25 =	simm.s32 $0x1B8E;
	s24 =	sld [smem:$0x3FFE];
	[sflag:s23] =	ssyncadd.s32 $0xFFFFFFFF  }
0xa5: {  	s26 =	simm.s32 $execute0_lowered;
	[smem:$0x3FD2] =	sst s25  }
0xa6: {  	s4 =	sshll.u32 s26, $0x1;
	_ =	strace $0x80000049;
	[dreg:$0x1] =	wrdreg $0xFFFFFFFF  }
0xa7: {  	s28 =	simm.s32 $_size_execute0_lowered;
	s2 =	sadd.s32 s2, s4;
	[dreg:$0x0] =	wrdreg $0x0  }
0xa8: {  	s4 =	sshll.u32 s28, $0x1;
	[dreg:$0x2] =	wrdreg s2  }
0xa9: {  	[dreg:$0x3] =	wrdreg s4  }
0xaa: {  	[dreg:$0x4] =	wrdreg $0xC0  }
0xab: {  	_ =	task [dreg:s6], $0x5FFFF  }
0xac: {  	[dreg:$0x1] =	wrdreg $0xFFFFFFFF  }
0xad: {  	[dreg:$0x0] =	wrdreg $0x60  }
0xae: {  	[dreg:$0x2] =	wrdreg s24  }
0xaf: {  	[dreg:$0x3] =	wrdreg $0x0  }
0xb0: {  	[dreg:$0x4] =	wrdreg $0x9  }
0xb1: {  	_ =	task.clear_ibuf [dreg:s6], $0x5FFFF;
	_ =	strace $0x90000049  }
0xb2: {  	s29 =	simm.s32 $0x9;
	_ =	strace $0x8000004B  }
0xb3: {  	_ =	swait.ge [sflag:s29], $0x1  }
0xb4: {  	[sflag:s29] =	ssyncadd.s32 $0xFFFFFFFF  }
0xb5: {  	_ =	strace $0x9000004B  }
0xb6: {  	_ =	sfence  }
0xb7: {  	s30 =	sld [smem:$0x0];
	_ =	sdelay $0x2  }
0xb8: {  	s31 =	sshll.u32 s1, $0xD;
	s1 =	sshrl.u32 s1, $0x2  }
0xb9: {  	s3 =	sand.u32 $0x4000, s31;
	s1 =	sadd.s32 s1, s30  }
0xba: {  	s0 =	sor.u32 s3, s0;
	s1 =	sshll.u32 s1, $0x11  }
0xbb: {  	s0 =	sor.u32 s1, s0  }
0xbc: {  	s0 =	sadd.s32 $0x8F2B, s0  }
0xbd: {  	[sflag:s0] =	ssyncadd.remote.s32 $0x1  }
0xbe: {  	_ =	sfence.sel $0xFFFF  }
0xbf: {  	[dreg:$0x0] =	wrdreg $0xFFFFFFFF;
	(pc) =	sbr.abs _section_cstart, $3  }
0xc0: {  	[dreg:$0x1] =	wrdreg $0xFFFFFFFF  }
0xc1: {  	_ =	task.clear_ibuf [dreg:s6], $0x2FFFF;
	_ =	strace $0x9FFFFFFF  }
0xc2: {  	(tm) =	ssettm $0x7FFFFFFF  }
0xc3: {  	_ =	shalt  }
tec
execute0_lowered:
.L_overlay_start_1:
0x0: {  	(tag) =	ssettag $0x1  }
0x1: {  	s1 =	srdreg.scid;
	s5 =	rddreg [dreg:$0x0]  }
0x2: {  	s0 =	stileid.u32;
	s2 =	rddreg [dreg:$0x1];
	s3 =	simm.s32 $0x0  }
0x3: {  	s14 =	simm.s32 $0x7D;
	s15 =	simm.s32 $0x16800;
	s16 =	simm.s32 $0x1A800  }
0x4: {  	s17 =	simm.s32 $0x1;
	s18 =	simm.s32 $0x2;
	s19 =	simm.s32 $0x15380  }
0x5: {  	s20 =	simm.s32 $0x16700;
	s21 =	simm.s32 $0x16780;
	s6 =	sand.u32 $0x1, s1  }
0x6: {  	s28 =	sshll.u32 s0, $0x1;
	s1 =	rddreg [dreg:$0x2];
	s24 =	smul.u32 $0x2800, s0  }
0x7: {  	[smem:$0x7FF] =	sst s3;
	s9 =	smul.u32 $0x50000, s0;
	s31 =	sshll.u32 s0, $0x6  }
0x8: {  	s4 =	sor.u32 s6, s28;
	_ =	strace $0x8000004A;
	s8 =	smul.u32 $0x28000, s6  }
0x9: {  	s6 =	ssub.s32 $0x2, s6;
	s7 =	smul.u32 $0x500, s4;
	s4 =	sadd.s32 $0x2C200, s5  }
0xa: {  	s29 =	sadd.s32 s24, s5;
	s11 =	sshrl.u32 s6, $0x1;
	s30 =	sshrl.u32 s9, $0x2  }
0xb: {  	s12 =	sadd.s32 s8, s5;
	s11 =	ssub.s32 s6, s11;
	s13 =	sadd.s32 s30, s2  }
0xc: {  	s6 =	sor.u32 $0x1C03, s31;
	s10 =	sadd.s32 s7, s5;
	s5 =	sadd.s32 $0x4200, s29  }
0xd: {  	s25 =	sadd.s32 $0x90200, s12;
	s9 =	smax.u32 s11, $0x1;
	s11 =	simm.s32 $0x3  }
0xe: {  	s12 =	simm.s32 $0x14000;
	s7 =	sadd.s32 $0x86200, s10;
	s8 =	sadd.s32 $0x7C200, s10  }
0xf: {  	s10 =	sshrl.u32 s13, $0x3;
	s13 =	simm.s32 $0x15400;
	s24 =	sadd.s32 s24, s25  }
0x10: {  	s25 =	simm.s32 $0x0;
	s22 =	sadd.s32 $0x280, s7;
	s23 =	sadd.s32 $0x280, s8  }
.LBB2_1:
0x11: {  	[spmem:s10], [sflag:s6] =	dma.local [hbm:s5], $0x2800  }
0x12: {  	_ =	swait.ge [sflag:s11], $0x2800  }
0x13: {  	[sflag:s11] =	ssyncset.done $0x0  }
0x14: {  	[sflag:s11] =	ssyncadd.s32 $0xFFFFD800  }
0x15: {  	[bflag:$0x0] =	sbarrier.arrive $0xFFFF  }
0x16: {  	[tilespmem:s12], [sflag:$0x3] =	stream.linear.gather [hbm4b:s7+s3], $0x1400, $0x38;
	[tilespmem:$0x1E800] =	vst v63  }
0x17: {  	_ =	swait.ge [sflag:s11], $0x1400  }
0x18: {  	[sflag:s11] =	ssyncset.done $0x0  }
0x19: {  	[sflag:s11] =	ssyncadd.s32 $0xFFFFEC00  }
0x1a: {  	[tilespmem:s13], [sflag:$0x3] =	stream.linear.gather [hbm4b:s8+s3], $0x1400, $0x38;
	[tilespmem:$0x1E800] =	vst v63  }
0x1b: {  	_ =	swait.ge [sflag:s11], $0x1400  }
0x1c: {  	[sflag:s11] =	ssyncset.done $0x0  }
0x1d: {  	[sflag:s11] =	ssyncadd.s32 $0xFFFFEC00  }
0x1e: {  	[tilespmem:s15], [sflag:$0x1] =	stream.indirect.gather [hbm4b:s4+s14], $0x80, s12, s14, $0xb8;
	[tilespmem:$0x1E800] =	vst v63  }
0x1f: {  	s26 =	simm.s32 $0x14080  }
0x20: {  	[tilespmem:s16], [sflag:$0x2] =	stream.indirect.gather [hbm4b:s4+s14], $0x80, s26, s14, $0xb8;
	[tilespmem:$0x1E800] =	vst v63  }
0x21: {  	_ =	swait.ge [sflag:s17], $0x3E80  }
0x22: {  	[sflag:s17] =	ssyncset.done $0x0  }
0x23: {  	s29 =	simm.s32 $0x15400;
	[sflag:s17] =	ssyncadd.s32 $0xFFFFC180  }
0x24: {  	[spmem:s2] =	stream.indirect.scatter.add.f32 [tilespmem:s15], [sflag:$0x3], $0x80, s29, s14, $0xb8;
	[tilespmem:$0x1E800] =	vst v63  }
0x25: {  	_ =	swait.ge [sflag:s11], $0x3E80  }
0x26: {  	[sflag:s11] =	ssyncset.done $0x0  }
0x27: {  	s30 =	simm.s32 $0x14100;
	[sflag:s11] =	ssyncadd.s32 $0xFFFFC180  }
0x28: {  	[tilespmem:s15], [sflag:$0x1] =	stream.indirect.gather [hbm4b:s4+s14], $0x80, s30, s14, $0xb8;
	[tilespmem:$0x1E800] =	vst v63  }
0x29: {  	_ =	swait.ge [sflag:s18], $0x3E80  }
0x2a: {  	[sflag:s18] =	ssyncset.done $0x0  }
0x2b: {  	s31 =	simm.s32 $0x15480;
	[sflag:s18] =	ssyncadd.s32 $0xFFFFC180  }
0x2c: {  	[spmem:s2] =	stream.indirect.scatter.add.f32 [tilespmem:s16], [sflag:$0x3], $0x80, s31, s14, $0xb8;
	[tilespmem:$0x1E800] =	vst v63  }
0x2d: {  	_ =	swait.ge [sflag:s11], $0x3E80  }
0x2e: {  	s28 =	simm.s32 $0x800;
	s26 =	simm.s32 $0x100;
	[sflag:s11] =	ssyncset.done $0x0  }
.LBB2_2:
0x2f: {  	s29 =	sadd.s32 $0x14080, s26  }
0x30: {  	[sflag:s11] =	ssyncadd.s32 $0xFFFFC180;
	s30 =	smov.u32 s28;
	s31 =	sadd.s32 $0x400, s28  }
0x31: {  	[tilespmem:s16], [sflag:$0x2] =	stream.indirect.gather [hbm4b:s4+s14], $0x80, s29, s14, $0xb8;
	[tilespmem:$0x1E800] =	vst v63  }
0x32: {  	p0 =	sne.s32 s28, $0x4800;
	_ =	swait.ge [sflag:s17], $0x3E80  }
0x33: {  	[sflag:s17] =	ssyncset.done $0x0  }
0x34: {  	s28 =	sadd.s32 $0x15400, s26;
	[sflag:s17] =	ssyncadd.s32 $0xFFFFC180  }
0x35: {  	[spmem:s2] =	stream.indirect.scatter.add.f32 [tilespmem:s15], [sflag:$0x3], $0x80, s28, s14, $0xb8;
	[tilespmem:$0x1E800] =	vst v63  }
0x36: {  	_ =	swait.ge [sflag:s11], $0x3E80  }
0x37: {  	[sflag:s11] =	ssyncset.done $0x0  }
0x38: {  	s28 =	sadd.s32 $0x14100, s26;
	[sflag:s11] =	ssyncadd.s32 $0xFFFFC180  }
0x39: {  	[tilespmem:s15], [sflag:$0x1] =	stream.indirect.gather [hbm4b:s4+s14], $0x80, s28, s14, $0xb8;
	[tilespmem:$0x1E800] =	vst v63  }
0x3a: {  	_ =	swait.ge [sflag:s18], $0x3E80  }
.Ltmp0:
0x3b: {  	[sflag:s18] =	ssyncset.done $0x0;
	(pc) =	sbr.rel @p0 .LBB2_2-.Ltmp0, $4  }
0x3c: {  	s26 =	sadd.s32 $0x15480, s26;
	[sflag:s18] =	ssyncadd.s32 $0xFFFFC180  }
0x3d: {  	[spmem:s2] =	stream.indirect.scatter.add.f32 [tilespmem:s16], [sflag:$0x3], $0x80, s26, s14, $0xb8;
	[tilespmem:$0x1E800] =	vst v63  }
0x3e: {  	_ =	swait.ge [sflag:s11], $0x3E80  }
0x3f: {  	s28 =	smov.u32 s31;
	s26 =	sshra.s32 s30, $0x2;
	[sflag:s11] =	ssyncset.done $0x0  }
0x40: {  	s28 =	sadd.s32 $0x14080, s26;
	[sflag:s11] =	ssyncadd.s32 $0xFFFFC180  }
0x41: {  	[tilespmem:s16], [sflag:$0x2] =	stream.indirect.gather [hbm4b:s4+s14], $0x80, s28, s14, $0xb8;
	[tilespmem:$0x1E800] =	vst v63  }
0x42: {  	_ =	swait.ge [sflag:s17], $0x3E80  }
0x43: {  	[sflag:s17] =	ssyncset.done $0x0  }
0x44: {  	s28 =	sadd.s32 $0x15400, s26;
	[sflag:s17] =	ssyncadd.s32 $0xFFFFC180  }
0x45: {  	[spmem:s2] =	stream.indirect.scatter.add.f32 [tilespmem:s15], [sflag:$0x3], $0x80, s28, s14, $0xb8;
	[tilespmem:$0x1E800] =	vst v63  }
0x46: {  	_ =	swait.ge [sflag:s11], $0x3E80  }
0x47: {  	[sflag:s11] =	ssyncset.done $0x0  }
0x48: {  	s28 =	sadd.s32 $0x14100, s26;
	[sflag:s11] =	ssyncadd.s32 $0xFFFFC180  }
0x49: {  	[tilespmem:s15], [sflag:$0x1] =	stream.indirect.gather [hbm4b:s4+s14], $0x80, s28, s14, $0xb8;
	[tilespmem:$0x1E800] =	vst v63  }
0x4a: {  	_ =	swait.ge [sflag:s18], $0x3E80  }
0x4b: {  	[sflag:s18] =	ssyncset.done $0x0  }
0x4c: {  	s29 =	sadd.s32 $0x15480, s26;
	[sflag:s18] =	ssyncadd.s32 $0xFFFFC180  }
0x4d: {  	[spmem:s2] =	stream.indirect.scatter.add.f32 [tilespmem:s16], [sflag:$0x3], $0x80, s29, s14, $0xb8;
	[tilespmem:$0x1E800] =	vst v63  }
0x4e: {  	_ =	swait.ge [sflag:s11], $0x3E80  }
0x4f: {  	[sflag:s11] =	ssyncset.done $0x0  }
0x50: {  	[sflag:s11] =	ssyncadd.s32 $0xFFFFC180  }
0x51: {  	[tilespmem:s16], [sflag:$0x2] =	stream.indirect.gather [hbm4b:s4+s14], $0x80, s19, s14, $0xb8;
	[tilespmem:$0x1E800] =	vst v63  }
0x52: {  	_ =	swait.ge [sflag:s17], $0x3E80  }
0x53: {  	[sflag:s17] =	ssyncset.done $0x0  }
0x54: {  	[sflag:s17] =	ssyncadd.s32 $0xFFFFC180  }
0x55: {  	[spmem:s2] =	stream.indirect.scatter.add.f32 [tilespmem:s15], [sflag:$0x3], $0x80, s20, s14, $0xb8;
	[tilespmem:$0x1E800] =	vst v63  }
0x56: {  	_ =	swait.ge [sflag:s11], $0x3E80  }
0x57: {  	[sflag:s11] =	ssyncset.done $0x0  }
0x58: {  	[sflag:s11] =	ssyncadd.s32 $0xFFFFC180  }
0x59: {  	_ =	swait.ge [sflag:s18], $0x3E80  }
0x5a: {  	[sflag:s18] =	ssyncset.done $0x0  }
0x5b: {  	[sflag:s18] =	ssyncadd.s32 $0xFFFFC180  }
0x5c: {  	[spmem:s2] =	stream.indirect.scatter.add.f32 [tilespmem:s16], [sflag:$0x3], $0x80, s21, s14, $0xb8;
	[tilespmem:$0x1E800] =	vst v63  }
0x5d: {  	_ =	swait.ge [sflag:s11], $0x3E80  }
0x5e: {  	[sflag:s11] =	ssyncset.done $0x0  }
0x5f: {  	s30 =	simm.s32 $0x0;
	[sflag:s11] =	ssyncadd.s32 $0xFFFFC180  }
0x60: {  	[tilespmem:s12], [sflag:$0x3] =	stream.linear.gather [hbm4b:s22+s30], $0x1400, $0x38;
	[tilespmem:$0x1E800] =	vst v63  }
0x61: {  	_ =	swait.ge [sflag:s11], $0x1400  }
0x62: {  	[sflag:s11] =	ssyncset.done $0x0  }
0x63: {  	[sflag:s11] =	ssyncadd.s32 $0xFFFFEC00  }
0x64: {  	[tilespmem:s13], [sflag:$0x3] =	stream.linear.gather [hbm4b:s23+s30], $0x1400, $0x38;
	[tilespmem:$0x1E800] =	vst v63  }
0x65: {  	_ =	swait.ge [sflag:s11], $0x1400  }
0x66: {  	[sflag:s11] =	ssyncset.done $0x0  }
0x67: {  	[sflag:s11] =	ssyncadd.s32 $0xFFFFEC00  }
0x68: {  	[tilespmem:s15], [sflag:$0x1] =	stream.indirect.gather [hbm4b:s4+s14], $0x80, s12, s14, $0xb8;
	[tilespmem:$0x1E800] =	vst v63  }
0x69: {  	s31 =	simm.s32 $0x14080  }
0x6a: {  	[tilespmem:s16], [sflag:$0x2] =	stream.indirect.gather [hbm4b:s4+s14], $0x80, s31, s14, $0xb8;
	[tilespmem:$0x1E800] =	vst v63  }
0x6b: {  	_ =	swait.ge [sflag:s17], $0x3E80  }
0x6c: {  	[sflag:s17] =	ssyncset.done $0x0  }
0x6d: {  	s29 =	simm.s32 $0x15400;
	[sflag:s17] =	ssyncadd.s32 $0xFFFFC180  }
0x6e: {  	[spmem:s2] =	stream.indirect.scatter.add.f32 [tilespmem:s15], [sflag:$0x3], $0x80, s29, s14, $0xb8;
	[tilespmem:$0x1E800] =	vst v63  }
0x6f: {  	_ =	swait.ge [sflag:s11], $0x3E80  }
0x70: {  	[sflag:s11] =	ssyncset.done $0x0  }
0x71: {  	s30 =	simm.s32 $0x14100;
	[sflag:s11] =	ssyncadd.s32 $0xFFFFC180  }
0x72: {  	[tilespmem:s15], [sflag:$0x1] =	stream.indirect.gather [hbm4b:s4+s14], $0x80, s30, s14, $0xb8;
	[tilespmem:$0x1E800] =	vst v63  }
0x73: {  	_ =	swait.ge [sflag:s18], $0x3E80  }
0x74: {  	[sflag:s18] =	ssyncset.done $0x0  }
0x75: {  	s31 =	simm.s32 $0x15480;
	[sflag:s18] =	ssyncadd.s32 $0xFFFFC180  }
0x76: {  	[spmem:s2] =	stream.indirect.scatter.add.f32 [tilespmem:s16], [sflag:$0x3], $0x80, s31, s14, $0xb8;
	[tilespmem:$0x1E800] =	vst v63  }
0x77: {  	_ =	swait.ge [sflag:s11], $0x3E80  }
0x78: {  	s26 =	simm.s32 $0x100;
	s28 =	simm.s32 $0x800;
	[sflag:s11] =	ssyncset.done $0x0  }
.LBB2_4:
0x79: {  	s29 =	sadd.s32 $0x14080, s26  }
0x7a: {  	[sflag:s11] =	ssyncadd.s32 $0xFFFFC180;
	s30 =	smov.u32 s28;
	s31 =	sadd.s32 $0x400, s28  }
0x7b: {  	[tilespmem:s16], [sflag:$0x2] =	stream.indirect.gather [hbm4b:s4+s14], $0x80, s29, s14, $0xb8;
	[tilespmem:$0x1E800] =	vst v63  }
0x7c: {  	p0 =	sne.s32 s28, $0x4800;
	_ =	swait.ge [sflag:s17], $0x3E80  }
0x7d: {  	[sflag:s17] =	ssyncset.done $0x0  }
0x7e: {  	s28 =	sadd.s32 $0x15400, s26;
	[sflag:s17] =	ssyncadd.s32 $0xFFFFC180  }
0x7f: {  	[spmem:s2] =	stream.indirect.scatter.add.f32 [tilespmem:s15], [sflag:$0x3], $0x80, s28, s14, $0xb8;
	[tilespmem:$0x1E800] =	vst v63  }
0x80: {  	_ =	swait.ge [sflag:s11], $0x3E80  }
0x81: {  	[sflag:s11] =	ssyncset.done $0x0  }
0x82: {  	s28 =	sadd.s32 $0x14100, s26;
	[sflag:s11] =	ssyncadd.s32 $0xFFFFC180  }
0x83: {  	[tilespmem:s15], [sflag:$0x1] =	stream.indirect.gather [hbm4b:s4+s14], $0x80, s28, s14, $0xb8;
	[tilespmem:$0x1E800] =	vst v63  }
0x84: {  	_ =	swait.ge [sflag:s18], $0x3E80  }
.Ltmp1:
0x85: {  	[sflag:s18] =	ssyncset.done $0x0;
	(pc) =	sbr.rel @p0 .LBB2_4-.Ltmp1, $4  }
0x86: {  	s26 =	sadd.s32 $0x15480, s26;
	[sflag:s18] =	ssyncadd.s32 $0xFFFFC180  }
0x87: {  	[spmem:s2] =	stream.indirect.scatter.add.f32 [tilespmem:s16], [sflag:$0x3], $0x80, s26, s14, $0xb8;
	[tilespmem:$0x1E800] =	vst v63  }
0x88: {  	_ =	swait.ge [sflag:s11], $0x3E80  }
0x89: {  	s28 =	smov.u32 s31;
	s26 =	sshra.s32 s30, $0x2;
	[sflag:s11] =	ssyncset.done $0x0  }
0x8a: {  	s28 =	sadd.s32 $0x14080, s26;
	[sflag:s11] =	ssyncadd.s32 $0xFFFFC180  }
0x8b: {  	[tilespmem:s16], [sflag:$0x2] =	stream.indirect.gather [hbm4b:s4+s14], $0x80, s28, s14, $0xb8;
	[tilespmem:$0x1E800] =	vst v63  }
0x8c: {  	_ =	swait.ge [sflag:s17], $0x3E80  }
0x8d: {  	[sflag:s17] =	ssyncset.done $0x0  }
0x8e: {  	s29 =	sadd.s32 $0x15400, s26;
	[sflag:s17] =	ssyncadd.s32 $0xFFFFC180  }
0x8f: {  	[spmem:s2] =	stream.indirect.scatter.add.f32 [tilespmem:s15], [sflag:$0x3], $0x80, s29, s14, $0xb8;
	[tilespmem:$0x1E800] =	vst v63  }
0x90: {  	_ =	swait.ge [sflag:s11], $0x3E80  }
0x91: {  	[sflag:s11] =	ssyncset.done $0x0  }
0x92: {  	s30 =	sadd.s32 $0x14100, s26;
	[sflag:s11] =	ssyncadd.s32 $0xFFFFC180  }
0x93: {  	[tilespmem:s15], [sflag:$0x1] =	stream.indirect.gather [hbm4b:s4+s14], $0x80, s30, s14, $0xb8;
	[tilespmem:$0x1E800] =	vst v63  }
0x94: {  	_ =	swait.ge [sflag:s18], $0x3E80  }
0x95: {  	[sflag:s18] =	ssyncset.done $0x0  }
0x96: {  	s31 =	sadd.s32 $0x15480, s26;
	[sflag:s18] =	ssyncadd.s32 $0xFFFFC180  }
0x97: {  	[spmem:s2] =	stream.indirect.scatter.add.f32 [tilespmem:s16], [sflag:$0x3], $0x80, s31, s14, $0xb8;
	[tilespmem:$0x1E800] =	vst v63  }
0x98: {  	_ =	swait.ge [sflag:s11], $0x3E80  }
0x99: {  	[sflag:s11] =	ssyncset.done $0x0  }
0x9a: {  	[sflag:s11] =	ssyncadd.s32 $0xFFFFC180  }
0x9b: {  	[tilespmem:s16], [sflag:$0x2] =	stream.indirect.gather [hbm4b:s4+s14], $0x80, s19, s14, $0xb8;
	[tilespmem:$0x1E800] =	vst v63  }
0x9c: {  	_ =	swait.ge [sflag:s17], $0x3E80  }
0x9d: {  	[sflag:s17] =	ssyncset.done $0x0  }
0x9e: {  	[sflag:s17] =	ssyncadd.s32 $0xFFFFC180  }
0x9f: {  	[spmem:s2] =	stream.indirect.scatter.add.f32 [tilespmem:s15], [sflag:$0x3], $0x80, s20, s14, $0xb8;
	[tilespmem:$0x1E800] =	vst v63  }
0xa0: {  	_ =	swait.ge [sflag:s11], $0x3E80  }
0xa1: {  	[sflag:s11] =	ssyncset.done $0x0  }
0xa2: {  	[sflag:s11] =	ssyncadd.s32 $0xFFFFC180  }
0xa3: {  	_ =	swait.ge [sflag:s18], $0x3E80  }
0xa4: {  	[sflag:s18] =	ssyncset.done $0x0  }
0xa5: {  	[sflag:s18] =	ssyncadd.s32 $0xFFFFC180  }
0xa6: {  	[spmem:s2] =	stream.indirect.scatter.add.f32 [tilespmem:s16], [sflag:$0x3], $0x80, s21, s14, $0xb8;
	[tilespmem:$0x1E800] =	vst v63  }
0xa7: {  	_ =	swait.ge [sflag:s11], $0x3E80  }
0xa8: {  	s25 =	sadd.s32 $0x1, s25;
	[sflag:s11] =	ssyncset.done $0x0  }
0xa9: {  	p0 =	sne.s32 s25, s9;
	[sflag:s11] =	ssyncadd.s32 $0xFFFFC180  }
.Ltmp2:
0xaa: {  	[bflag:$0x0] =	sbarrier.arrive $0xFFFF;
	(pc) =	sbr.rel @p0 .LBB2_1-.Ltmp2, $4  }
0xab: {  	[hbm:s24], [sflag:s6] =	dma.local [spmem:s10], $0x2800  }
0xac: {  	_ =	swait.ge [sflag:s11], $0x2800  }
0xad: {  	[sflag:s11] =	ssyncset.done $0x0  }
0xae: {  	[sflag:s11] =	ssyncadd.s32 $0xFFFFD800  }
0xaf: {  	_ =	sfence.sel $0x180000  }
0xb0: {  	[bflag:$0x0] =	sbarrier.arrive $0xFFFF  }
0xb1: {  	p0 =	sne.s32 s0, $0x0;
	_ =	strace $0x9000004A  }
0xb2: {  	s0 =	sadd.s32 @!p0 $0x100000, s1;
	[bflag:$0x2] =	sbarrier.arrive $0xFFFF  }
0xb3: {  	[sflag:s0] =	ssyncadd.tile.s32 @!p0 $0x1;
	_ =	shalt  }
.Lfunc_end2:
_tile_overlayer_lowered:
.L_overlay_start_2:
0xb4: {  	(tag) =	ssettag $0x2  }
0xb5: {  	s0 =	rddreg [dreg:$0x0];
	s2 =	stileid.u32  }
0xb6: {  	s1 =	rddreg [dreg:$0x1];
	p0 =	sne.s32 s2, $0x0  }
0xb7: {  	s3 =	rddreg [dreg:$0x2];
	[bflag:$0x3] =	sbarrier.arrive $0xFFFF;
	s2 =	simm.s32 @!p0 $0x1C03  }
0xb8: {  	[timem:s3], [sflag:s2] =	dma.local @!p0 [hbm:s0], s1  }
0xb9: {  	s0 =	simm.s32 @!p0 $0x3  }
0xba: {  	_ =	swait.ge @!p0 [sflag:s0], s1  }
0xbb: {  	s1 =	ssub.s32 @!p0 $0x0, s1;
	[sflag:s0] =	ssyncset.done @!p0 $0x0  }
0xbc: {  	[sflag:s0] =	ssyncadd.s32 @!p0 s1  }
0xbd: {  	[bflag:$0x3] =	sbarrier.arrive $0xFFFF  }
0xbe: {  	_ =	shalt  }

// kernel: kernel.18.cloned.1.call-start
scs
__scs_entry_jumppad:
0x0: {  	(pc) =	sbr.rel $0x88, $3  }
0x1: {  	(tag) =	ssettag $0x0;
	lr =	simm.s32 $0x1  }
0x2: {  	[smem:$0x3F94] =	sst lr;
	_ =	strace $0xD0000000  }
0x3: {  	_ = 	snop  }
0x4: {  	_ = 	snop  }
0x5: {  	_ = 	snop  }
0x6: {  	_ = 	snop  }
0x7: {  	_ = 	snop  }
__scs_overlays_trampoline_lowered:
0x8: {  	[smem:$0x3FA3] =	sst s0  }
0x9: {  	[smem:$0x3FA4] =	sst s1  }
0xa: {  	[smem:$0x3FA5] =	sst s2  }
0xb: {  	[smem:$0x3FA6] =	sst s3  }
0xc: {  	[smem:$0x3FA7] =	sst s4  }
0xd: {  	[smem:$0x3FA8] =	sst s5  }
0xe: {  	[smem:$0x3FA9] =	sst s6  }
0xf: {  	[smem:$0x3FAA] =	sst s7  }
0x10: {  	[smem:$0x3FAB] =	sst s8  }
0x11: {  	[smem:$0x3FAC] =	sst s9;
	s0 =	simm.s32 @!p0 $0x0  }
0x12: {  	s1 =	sld [smem:$0x3F92];
	s0 =	simm.s32 @p0 $0x1  }
0x13: {  	[smem:$0x3FAD] =	sst s0;
	s0 =	simm.s32 @!p1 $0x0  }
0x14: {  	s2 =	sld [smem:$0x3F91];
	s0 =	simm.s32 @p1 $0x1  }
0x15: {  	[smem:$0x3FAE] =	sst s0;
	s0 =	simm.s32 @!p2 $0x0  }
0x16: {  	s3 =	sld [smem:$0x3FDB];
	s0 =	simm.s32 @p2 $0x1  }
0x17: {  	s4 =	simm.s32 $0x1BF5;
	[smem:$0x3FB0] =	sst s0  }
0x18: {  	s0 =	sld [smem:$0x3F93];
	_ =	swait.ge [sflag:s4], $0x0  }
0x19: {  	s7 =	sld [smem:$0x3F94]  }
0x1a: {  	s8 =	sadd.s32 $0xFFFFE003, lr  }
0x1b: {  	s9 =	sadd.s32 $0xFFFFFEF7, lr;
	s5 =	simm.s32 $0xFFFFFFFF;
	p2 =	slt.u32 s8, $0xFFFFF086  }
0x1c: {  	p1 =	slt.u32 s9, $0xF7A;
	s5 =	simm.s32 @!p2 $0x0  }
0x1d: {  	s5 =	simm.s32 @p1 $0x1;
	p0 =	seq.s32 s7, s2  }
0x1e: {  	s7 =	smul.u32 @!p0 $0xF7A, s2;
	p2 =	seq.s32 @!p0 s5, $0x0  }
0x1f: {  	s9 =	smul.u32 $0xF7A, s1;
	s8 =	simm.s32 @!p0 $0x1BF5;
	p2 =	por !p2, p0  }
0x20: {  	[sflag:s8] =	ssyncset.s32 @!p0 $0xFFFFF086;
	s6 =	sadd.s32 @!p0 s3, s7;
	s7 =	simm.s32 @!p0 $0x108  }
0x21: {  	s3 =	sadd.s32 s3, s9;
	s6 =	sadd.s32 @!p0 $0x88, s6;
	s7 =	simm.s32 @p2 $0x1082  }
0x22: {  	[simem:s7], [sflag:s8] =	dma.local @!p0 [hbm:s6], $0xF7A  }
0x23: {  	s9 =	sor.u32 $0xD0000000, s2;
	s6 =	simm.s32 $0x108;
	_ =	swait.ge @!p0 [sflag:s8], $0x0  }
0x24: {  	s3 =	sadd.s32 $0x88, s3;
	s6 =	simm.s32 @!p1 $0x1082;
	[sflag:s4] =	ssyncset.s32 $0xFFFFF086  }
0x25: {  	[simem:s6], [sflag:s4] =	dma.local [hbm:s3], $0xF7A  }
0x26: {  	[smem:$0x3F94] =	sst s1;
	(tag) =	ssettag s2;
	_ =	strace s9  }
0x27: {  	s1 =	sld [smem:$0x3FA4]  }
0x28: {  	s2 =	sld [smem:$0x3FA5]  }
0x29: {  	s4 =	sld [smem:$0x3FA7]  }
0x2a: {  	p0 =	seq.s32 s5, $0x0;
	s5 =	sld [smem:$0x3FA8]  }
0x2b: {  	s6 =	sld [smem:$0x3FA9]  }
0x2c: {  	s7 =	sld [smem:$0x3FAA]  }
0x2d: {  	s3 =	simm.s32 $0x108;
	s8 =	sld [smem:$0x3FAB]  }
0x2e: {  	s3 =	simm.s32 @!p0 $0x1082;
	s9 =	sld [smem:$0x3FAC]  }
0x2f: {  	lr =	sadd.s32 s0, s3;
	s0 =	sld [smem:$0x3FA3]  }
0x30: {  	s3 =	sld [smem:$0x3FA6]  }
0x31: {  	[smem:$0x3FAF] =	sst s10  }
0x32: {  	s10 =	sld [smem:$0x3FAD];
	_ =	sdelay $0x3  }
0x33: {  	p0 =	seq.s32 s10, $0x1;
	s10 =	sld [smem:$0x3FAF];
	_ =	sdelay $0x3  }
0x34: {  	[smem:$0x3FAF] =	sst s10  }
0x35: {  	s10 =	sld [smem:$0x3FAE];
	_ =	sdelay $0x3  }
0x36: {  	p1 =	seq.s32 s10, $0x1;
	s10 =	sld [smem:$0x3FAF];
	_ =	sdelay $0x3  }
0x37: {  	[smem:$0x3FAF] =	sst s10  }
0x38: {  	s10 =	sld [smem:$0x3FB0]  }
0x39: {  	_ = 	snop;
	(pc) =	sbr.ind lr, $3  }
0x3a: {  	_ = 	snop  }
0x3b: {  	_ = 	snop  }
0x3c: {  	p2 =	seq.s32 s10, $0x1;
	s10 =	sld [smem:$0x3FAF]  }
0x3d: {  	_ =	shalt  }
0x3e: {  	_ =	shalt  }
0x3f: {  	_ =	shalt  }
0x40: {  	_ =	shalt  }
0x41: {  	_ =	shalt  }
0x42: {  	_ =	shalt  }
0x43: {  	_ =	shalt  }
0x44: {  	_ =	shalt  }
0x45: {  	_ =	shalt  }
0x46: {  	_ =	shalt  }
0x47: {  	_ =	shalt  }
0x48: {  	_ =	shalt  }
0x49: {  	_ =	shalt  }
0x4a: {  	_ =	shalt  }
0x4b: {  	_ =	shalt  }
0x4c: {  	_ =	shalt  }
0x4d: {  	_ =	shalt  }
0x4e: {  	_ =	shalt  }
0x4f: {  	_ =	shalt  }
0x50: {  	_ =	shalt  }
0x51: {  	_ =	shalt  }
0x52: {  	_ =	shalt  }
0x53: {  	_ =	shalt  }
0x54: {  	_ =	shalt  }
0x55: {  	_ =	shalt  }
0x56: {  	_ =	shalt  }
0x57: {  	_ =	shalt  }
0x58: {  	_ =	shalt  }
0x59: {  	_ =	shalt  }
0x5a: {  	_ =	shalt  }
0x5b: {  	_ =	shalt  }
0x5c: {  	_ =	shalt  }
0x5d: {  	_ =	shalt  }
0x5e: {  	_ =	shalt  }
0x5f: {  	_ =	shalt  }
0x60: {  	_ =	shalt  }
0x61: {  	_ =	shalt  }
0x62: {  	_ =	shalt  }
0x63: {  	_ =	shalt  }
0x64: {  	_ =	shalt  }
0x65: {  	_ =	shalt  }
0x66: {  	_ =	shalt  }
0x67: {  	_ =	shalt  }
0x68: {  	_ =	shalt  }
0x69: {  	_ =	shalt  }
0x6a: {  	_ =	shalt  }
0x6b: {  	_ =	shalt  }
0x6c: {  	_ =	shalt  }
0x6d: {  	_ =	shalt  }
0x6e: {  	_ =	shalt  }
0x6f: {  	_ =	shalt  }
0x70: {  	_ =	shalt  }
0x71: {  	_ =	shalt  }
0x72: {  	_ =	shalt  }
0x73: {  	_ =	shalt  }
0x74: {  	_ =	shalt  }
0x75: {  	_ =	shalt  }
0x76: {  	_ =	shalt  }
0x77: {  	_ =	shalt  }
0x78: {  	_ =	shalt  }
0x79: {  	_ =	shalt  }
0x7a: {  	_ =	shalt  }
0x7b: {  	_ =	shalt  }
0x7c: {  	_ =	shalt  }
0x7d: {  	_ =	shalt  }
0x7e: {  	_ =	shalt  }
0x7f: {  	_ =	shalt  }
0x80: {  	_ =	shalt  }
0x81: {  	_ =	shalt  }
0x82: {  	_ =	shalt  }
0x83: {  	_ =	shalt  }
0x84: {  	_ =	shalt  }
0x85: {  	_ =	shalt  }
0x86: {  	_ =	shalt  }
0x87: {  	_ =	shalt  }
.Lfunc_end0:
.L_simem_size_0:
called_computation.2_lowered:
.L_overlay_start_0:
0x88: {  	s2 =	sld [smem:$0x3FD9]  }
0x89: {  	s3 =	sld [smem:$0x3FFE];
	_ =	sdelay $0x1  }
0x8a: {  	s1 =	srdreg.scid  }
0x8b: {  	s0 =	sand.u32 $0x1, s1  }
0x8c: {  	s16 =	sshll.u32 s0, $0xA;
	s2 =	sadd.s32 s3, s2  }
0x8d: {  	s2 =	sadd.s32 s2, s16  }
0x8e: {  	[smem:$0x3FBB] =	sst s2  }
0x8f: {  	_ = 	snop  }
0x90: {  	(tm) =	ssettm $0x1  }
0x91: {  	s17 =	sld [smem:$0x3FFB];
	_ =	sdelay $0x3  }
0x92: {  	_ =	strace s17  }
0x93: {  	s2 =	sld [smem:$0x3FFC];
	_ =	sdelay $0x3  }
0x94: {  	_ =	strace s2  }
0x95: {  	s2 =	sld [smem:$0x3FFD];
	_ =	sdelay $0x3  }
0x96: {  	_ =	strace s2  }
0x97: {  	_ =	strace $0x8FFFFFFF  }
0x98: {  	s18 =	sld [smem:$0x3FDB];
	_ =	sdelay $0x1  }
0x99: {  	s19 =	simm.s32 $_scs_section_size  }
0x9a: {  	s4 =	simm.s32 $_size__tile_overlayer_lowered;
	s5 =	simm.s32 $_tile_overlayer_lowered  }
0x9b: {  	s22 =	simm.s32 $0x1BFF;
	s21 =	sshll.u32 s5, $0x1;
	s2 =	sadd.s32 s19, s18  }
0x9c: {  	s6 =	simm.s32 $0x0;
	s20 =	sshll.u32 s4, $0x1;
	s4 =	sadd.s32 s21, s2  }
0x9d: {  	[timem:s6], [sflag:s22] =	dma.local [hbm:s4], s20  }
0x9e: {  	_ =	swait.ge [sflag:s22], s20  }
0x9f: {  	s3 =	ssub.s32 $0x0, s20;
	[sflag:s22] =	ssyncset.done $0x0  }
0xa0: {  	[sflag:s22] =	ssyncadd.s32 s3;
	_ =	sdelay $0x1  }
0xa1: {  	s23 =	simm.s32 $0x1B8B  }
0xa2: {  	_ =	swait.ge [sflag:s23], $0x1  }
0xa3: {  	[sflag:s23] =	ssyncset.done $0x0  }
0xa4: {  	s25 =	simm.s32 $0x1B8E;
	s24 =	sld [smem:$0x3FFE];
	[sflag:s23] =	ssyncadd.s32 $0xFFFFFFFF  }
0xa5: {  	s26 =	simm.s32 $execute0_lowered;
	[smem:$0x3FD2] =	sst s25  }
0xa6: {  	s4 =	sshll.u32 s26, $0x1;
	_ =	strace $0x8000004C;
	[dreg:$0x1] =	wrdreg $0xFFFFFFFF  }
0xa7: {  	s28 =	simm.s32 $_size_execute0_lowered;
	s2 =	sadd.s32 s2, s4;
	[dreg:$0x0] =	wrdreg $0x0  }
0xa8: {  	s4 =	sshll.u32 s28, $0x1;
	[dreg:$0x2] =	wrdreg s2  }
0xa9: {  	[dreg:$0x3] =	wrdreg s4  }
0xaa: {  	[dreg:$0x4] =	wrdreg $0xC0  }
0xab: {  	_ =	task [dreg:s6], $0x5FFFF  }
0xac: {  	[dreg:$0x1] =	wrdreg $0xFFFFFFFF  }
0xad: {  	[dreg:$0x0] =	wrdreg $0x60  }
0xae: {  	[dreg:$0x2] =	wrdreg s24  }
0xaf: {  	[dreg:$0x3] =	wrdreg $0x0  }
0xb0: {  	[dreg:$0x4] =	wrdreg $0x9  }
0xb1: {  	_ =	task.clear_ibuf [dreg:s6], $0x5FFFF;
	_ =	strace $0x9000004C  }
0xb2: {  	s29 =	simm.s32 $0x9;
	_ =	strace $0x8000004E  }
0xb3: {  	_ =	swait.ge [sflag:s29], $0x1  }
0xb4: {  	[sflag:s29] =	ssyncadd.s32 $0xFFFFFFFF  }
0xb5: {  	_ =	strace $0x9000004E  }
0xb6: {  	_ =	sfence  }
0xb7: {  	s30 =	sld [smem:$0x0];
	_ =	sdelay $0x2  }
0xb8: {  	s31 =	sshll.u32 s1, $0xD;
	s1 =	sshrl.u32 s1, $0x2  }
0xb9: {  	s3 =	sand.u32 $0x4000, s31;
	s1 =	sadd.s32 s1, s30  }
0xba: {  	s0 =	sor.u32 s3, s0;
	s1 =	sshll.u32 s1, $0x11  }
0xbb: {  	s0 =	sor.u32 s1, s0  }
0xbc: {  	s0 =	sadd.s32 $0x8F2B, s0  }
0xbd: {  	[sflag:s0] =	ssyncadd.remote.s32 $0x1  }
0xbe: {  	_ =	sfence.sel $0xFFFF  }
0xbf: {  	[dreg:$0x0] =	wrdreg $0xFFFFFFFF;
	(pc) =	sbr.abs _section_cstart, $3  }
0xc0: {  	[dreg:$0x1] =	wrdreg $0xFFFFFFFF  }
0xc1: {  	_ =	task.clear_ibuf [dreg:s6], $0x2FFFF;
	_ =	strace $0x9FFFFFFF  }
0xc2: {  	(tm) =	ssettm $0x7FFFFFFF  }
0xc3: {  	_ =	shalt  }
tec
execute0_lowered:
.L_overlay_start_1:
0x0: {  	(tag) =	ssettag $0x1  }
0x1: {  	s1 =	srdreg.scid;
	s5 =	rddreg [dreg:$0x0]  }
0x2: {  	s0 =	stileid.u32;
	s2 =	rddreg [dreg:$0x1];
	s3 =	simm.s32 $0x0  }
0x3: {  	s14 =	simm.s32 $0x7D;
	s15 =	simm.s32 $0x16800;
	s16 =	simm.s32 $0x1A800  }
0x4: {  	s17 =	simm.s32 $0x1;
	s18 =	simm.s32 $0x2;
	s19 =	simm.s32 $0x15380  }
0x5: {  	s20 =	simm.s32 $0x16700;
	s21 =	simm.s32 $0x16780;
	s6 =	sand.u32 $0x1, s1  }
0x6: {  	s28 =	sshll.u32 s0, $0x1;
	s1 =	rddreg [dreg:$0x2];
	s24 =	smul.u32 $0x2800, s0  }
0x7: {  	[smem:$0x7FF] =	sst s3;
	s9 =	smul.u32 $0x50000, s0;
	s31 =	sshll.u32 s0, $0x6  }
0x8: {  	s4 =	sor.u32 s6, s28;
	_ =	strace $0x8000004D;
	s8 =	smul.u32 $0x28000, s6  }
0x9: {  	s6 =	ssub.s32 $0x2, s6;
	s7 =	smul.u32 $0x500, s4;
	s4 =	sadd.s32 $0x2C200, s5  }
0xa: {  	s29 =	sadd.s32 s24, s5;
	s11 =	sshrl.u32 s6, $0x1;
	s30 =	sshrl.u32 s9, $0x2  }
0xb: {  	s12 =	sadd.s32 s8, s5;
	s11 =	ssub.s32 s6, s11;
	s13 =	sadd.s32 s30, s2  }
0xc: {  	s6 =	sor.u32 $0x1C03, s31;
	s10 =	sadd.s32 s7, s5;
	s5 =	sadd.s32 $0x4200, s29  }
0xd: {  	s25 =	sadd.s32 $0x90200, s12;
	s9 =	smax.u32 s11, $0x1;
	s11 =	simm.s32 $0x3  }
0xe: {  	s12 =	simm.s32 $0x14000;
	s7 =	sadd.s32 $0x86200, s10;
	s8 =	sadd.s32 $0x7C200, s10  }
0xf: {  	s10 =	sshrl.u32 s13, $0x3;
	s13 =	simm.s32 $0x15400;
	s24 =	sadd.s32 s24, s25  }
0x10: {  	s25 =	simm.s32 $0x0;
	s22 =	sadd.s32 $0x280, s7;
	s23 =	sadd.s32 $0x280, s8  }
.LBB2_1:
0x11: {  	[spmem:s10], [sflag:s6] =	dma.local [hbm:s5], $0x2800  }
0x12: {  	_ =	swait.ge [sflag:s11], $0x2800  }
0x13: {  	[sflag:s11] =	ssyncset.done $0x0  }
0x14: {  	[sflag:s11] =	ssyncadd.s32 $0xFFFFD800  }
0x15: {  	[bflag:$0x0] =	sbarrier.arrive $0xFFFF  }
0x16: {  	[tilespmem:s12], [sflag:$0x3] =	stream.linear.gather [hbm4b:s7+s3], $0x1400, $0x38;
	[tilespmem:$0x1E800] =	vst v63  }
0x17: {  	_ =	swait.ge [sflag:s11], $0x1400  }
0x18: {  	[sflag:s11] =	ssyncset.done $0x0  }
0x19: {  	[sflag:s11] =	ssyncadd.s32 $0xFFFFEC00  }
0x1a: {  	[tilespmem:s13], [sflag:$0x3] =	stream.linear.gather [hbm4b:s8+s3], $0x1400, $0x38;
	[tilespmem:$0x1E800] =	vst v63  }
0x1b: {  	_ =	swait.ge [sflag:s11], $0x1400  }
0x1c: {  	[sflag:s11] =	ssyncset.done $0x0  }
0x1d: {  	[sflag:s11] =	ssyncadd.s32 $0xFFFFEC00  }
0x1e: {  	[tilespmem:s15], [sflag:$0x1] =	stream.indirect.gather [hbm4b:s4+s14], $0x80, s12, s14, $0xb8;
	[tilespmem:$0x1E800] =	vst v63  }
0x1f: {  	s26 =	simm.s32 $0x14080  }
0x20: {  	[tilespmem:s16], [sflag:$0x2] =	stream.indirect.gather [hbm4b:s4+s14], $0x80, s26, s14, $0xb8;
	[tilespmem:$0x1E800] =	vst v63  }
0x21: {  	_ =	swait.ge [sflag:s17], $0x3E80  }
0x22: {  	[sflag:s17] =	ssyncset.done $0x0  }
0x23: {  	s29 =	simm.s32 $0x15400;
	[sflag:s17] =	ssyncadd.s32 $0xFFFFC180  }
0x24: {  	[spmem:s2] =	stream.indirect.scatter.add.f32 [tilespmem:s15], [sflag:$0x3], $0x80, s29, s14, $0xb8;
	[tilespmem:$0x1E800] =	vst v63  }
0x25: {  	_ =	swait.ge [sflag:s11], $0x3E80  }
0x26: {  	[sflag:s11] =	ssyncset.done $0x0  }
0x27: {  	s30 =	simm.s32 $0x14100;
	[sflag:s11] =	ssyncadd.s32 $0xFFFFC180  }
0x28: {  	[tilespmem:s15], [sflag:$0x1] =	stream.indirect.gather [hbm4b:s4+s14], $0x80, s30, s14, $0xb8;
	[tilespmem:$0x1E800] =	vst v63  }
0x29: {  	_ =	swait.ge [sflag:s18], $0x3E80  }
0x2a: {  	[sflag:s18] =	ssyncset.done $0x0  }
0x2b: {  	s31 =	simm.s32 $0x15480;
	[sflag:s18] =	ssyncadd.s32 $0xFFFFC180  }
0x2c: {  	[spmem:s2] =	stream.indirect.scatter.add.f32 [tilespmem:s16], [sflag:$0x3], $0x80, s31, s14, $0xb8;
	[tilespmem:$0x1E800] =	vst v63  }
0x2d: {  	_ =	swait.ge [sflag:s11], $0x3E80  }
0x2e: {  	s28 =	simm.s32 $0x800;
	s26 =	simm.s32 $0x100;
	[sflag:s11] =	ssyncset.done $0x0  }
.LBB2_2:
0x2f: {  	s29 =	sadd.s32 $0x14080, s26  }
0x30: {  	[sflag:s11] =	ssyncadd.s32 $0xFFFFC180;
	s30 =	smov.u32 s28;
	s31 =	sadd.s32 $0x400, s28  }
0x31: {  	[tilespmem:s16], [sflag:$0x2] =	stream.indirect.gather [hbm4b:s4+s14], $0x80, s29, s14, $0xb8;
	[tilespmem:$0x1E800] =	vst v63  }
0x32: {  	p0 =	sne.s32 s28, $0x4800;
	_ =	swait.ge [sflag:s17], $0x3E80  }
0x33: {  	[sflag:s17] =	ssyncset.done $0x0  }
0x34: {  	s28 =	sadd.s32 $0x15400, s26;
	[sflag:s17] =	ssyncadd.s32 $0xFFFFC180  }
0x35: {  	[spmem:s2] =	stream.indirect.scatter.add.f32 [tilespmem:s15], [sflag:$0x3], $0x80, s28, s14, $0xb8;
	[tilespmem:$0x1E800] =	vst v63  }
0x36: {  	_ =	swait.ge [sflag:s11], $0x3E80  }
0x37: {  	[sflag:s11] =	ssyncset.done $0x0  }
0x38: {  	s28 =	sadd.s32 $0x14100, s26;
	[sflag:s11] =	ssyncadd.s32 $0xFFFFC180  }
0x39: {  	[tilespmem:s15], [sflag:$0x1] =	stream.indirect.gather [hbm4b:s4+s14], $0x80, s28, s14, $0xb8;
	[tilespmem:$0x1E800] =	vst v63  }
0x3a: {  	_ =	swait.ge [sflag:s18], $0x3E80  }
.Ltmp0:
0x3b: {  	[sflag:s18] =	ssyncset.done $0x0;
	(pc) =	sbr.rel @p0 .LBB2_2-.Ltmp0, $4  }
0x3c: {  	s26 =	sadd.s32 $0x15480, s26;
	[sflag:s18] =	ssyncadd.s32 $0xFFFFC180  }
0x3d: {  	[spmem:s2] =	stream.indirect.scatter.add.f32 [tilespmem:s16], [sflag:$0x3], $0x80, s26, s14, $0xb8;
	[tilespmem:$0x1E800] =	vst v63  }
0x3e: {  	_ =	swait.ge [sflag:s11], $0x3E80  }
0x3f: {  	s28 =	smov.u32 s31;
	s26 =	sshra.s32 s30, $0x2;
	[sflag:s11] =	ssyncset.done $0x0  }
0x40: {  	s28 =	sadd.s32 $0x14080, s26;
	[sflag:s11] =	ssyncadd.s32 $0xFFFFC180  }
0x41: {  	[tilespmem:s16], [sflag:$0x2] =	stream.indirect.gather [hbm4b:s4+s14], $0x80, s28, s14, $0xb8;
	[tilespmem:$0x1E800] =	vst v63  }
0x42: {  	_ =	swait.ge [sflag:s17], $0x3E80  }
0x43: {  	[sflag:s17] =	ssyncset.done $0x0  }
0x44: {  	s28 =	sadd.s32 $0x15400, s26;
	[sflag:s17] =	ssyncadd.s32 $0xFFFFC180  }
0x45: {  	[spmem:s2] =	stream.indirect.scatter.add.f32 [tilespmem:s15], [sflag:$0x3], $0x80, s28, s14, $0xb8;
	[tilespmem:$0x1E800] =	vst v63  }
0x46: {  	_ =	swait.ge [sflag:s11], $0x3E80  }
0x47: {  	[sflag:s11] =	ssyncset.done $0x0  }
0x48: {  	s28 =	sadd.s32 $0x14100, s26;
	[sflag:s11] =	ssyncadd.s32 $0xFFFFC180  }
0x49: {  	[tilespmem:s15], [sflag:$0x1] =	stream.indirect.gather [hbm4b:s4+s14], $0x80, s28, s14, $0xb8;
	[tilespmem:$0x1E800] =	vst v63  }
0x4a: {  	_ =	swait.ge [sflag:s18], $0x3E80  }
0x4b: {  	[sflag:s18] =	ssyncset.done $0x0  }
0x4c: {  	s29 =	sadd.s32 $0x15480, s26;
	[sflag:s18] =	ssyncadd.s32 $0xFFFFC180  }
0x4d: {  	[spmem:s2] =	stream.indirect.scatter.add.f32 [tilespmem:s16], [sflag:$0x3], $0x80, s29, s14, $0xb8;
	[tilespmem:$0x1E800] =	vst v63  }
0x4e: {  	_ =	swait.ge [sflag:s11], $0x3E80  }
0x4f: {  	[sflag:s11] =	ssyncset.done $0x0  }
0x50: {  	[sflag:s11] =	ssyncadd.s32 $0xFFFFC180  }
0x51: {  	[tilespmem:s16], [sflag:$0x2] =	stream.indirect.gather [hbm4b:s4+s14], $0x80, s19, s14, $0xb8;
	[tilespmem:$0x1E800] =	vst v63  }
0x52: {  	_ =	swait.ge [sflag:s17], $0x3E80  }
0x53: {  	[sflag:s17] =	ssyncset.done $0x0  }
0x54: {  	[sflag:s17] =	ssyncadd.s32 $0xFFFFC180  }
0x55: {  	[spmem:s2] =	stream.indirect.scatter.add.f32 [tilespmem:s15], [sflag:$0x3], $0x80, s20, s14, $0xb8;
	[tilespmem:$0x1E800] =	vst v63  }
0x56: {  	_ =	swait.ge [sflag:s11], $0x3E80  }
0x57: {  	[sflag:s11] =	ssyncset.done $0x0  }
0x58: {  	[sflag:s11] =	ssyncadd.s32 $0xFFFFC180  }
0x59: {  	_ =	swait.ge [sflag:s18], $0x3E80  }
0x5a: {  	[sflag:s18] =	ssyncset.done $0x0  }
0x5b: {  	[sflag:s18] =	ssyncadd.s32 $0xFFFFC180  }
0x5c: {  	[spmem:s2] =	stream.indirect.scatter.add.f32 [tilespmem:s16], [sflag:$0x3], $0x80, s21, s14, $0xb8;
	[tilespmem:$0x1E800] =	vst v63  }
0x5d: {  	_ =	swait.ge [sflag:s11], $0x3E80  }
0x5e: {  	[sflag:s11] =	ssyncset.done $0x0  }
0x5f: {  	s30 =	simm.s32 $0x0;
	[sflag:s11] =	ssyncadd.s32 $0xFFFFC180  }
0x60: {  	[tilespmem:s12], [sflag:$0x3] =	stream.linear.gather [hbm4b:s22+s30], $0x1400, $0x38;
	[tilespmem:$0x1E800] =	vst v63  }
0x61: {  	_ =	swait.ge [sflag:s11], $0x1400  }
0x62: {  	[sflag:s11] =	ssyncset.done $0x0  }
0x63: {  	[sflag:s11] =	ssyncadd.s32 $0xFFFFEC00  }
0x64: {  	[tilespmem:s13], [sflag:$0x3] =	stream.linear.gather [hbm4b:s23+s30], $0x1400, $0x38;
	[tilespmem:$0x1E800] =	vst v63  }
0x65: {  	_ =	swait.ge [sflag:s11], $0x1400  }
0x66: {  	[sflag:s11] =	ssyncset.done $0x0  }
0x67: {  	[sflag:s11] =	ssyncadd.s32 $0xFFFFEC00  }
0x68: {  	[tilespmem:s15], [sflag:$0x1] =	stream.indirect.gather [hbm4b:s4+s14], $0x80, s12, s14, $0xb8;
	[tilespmem:$0x1E800] =	vst v63  }
0x69: {  	s31 =	simm.s32 $0x14080  }
0x6a: {  	[tilespmem:s16], [sflag:$0x2] =	stream.indirect.gather [hbm4b:s4+s14], $0x80, s31, s14, $0xb8;
	[tilespmem:$0x1E800] =	vst v63  }
0x6b: {  	_ =	swait.ge [sflag:s17], $0x3E80  }
0x6c: {  	[sflag:s17] =	ssyncset.done $0x0  }
0x6d: {  	s29 =	simm.s32 $0x15400;
	[sflag:s17] =	ssyncadd.s32 $0xFFFFC180  }
0x6e: {  	[spmem:s2] =	stream.indirect.scatter.add.f32 [tilespmem:s15], [sflag:$0x3], $0x80, s29, s14, $0xb8;
	[tilespmem:$0x1E800] =	vst v63  }
0x6f: {  	_ =	swait.ge [sflag:s11], $0x3E80  }
0x70: {  	[sflag:s11] =	ssyncset.done $0x0  }
0x71: {  	s30 =	simm.s32 $0x14100;
	[sflag:s11] =	ssyncadd.s32 $0xFFFFC180  }
0x72: {  	[tilespmem:s15], [sflag:$0x1] =	stream.indirect.gather [hbm4b:s4+s14], $0x80, s30, s14, $0xb8;
	[tilespmem:$0x1E800] =	vst v63  }
0x73: {  	_ =	swait.ge [sflag:s18], $0x3E80  }
0x74: {  	[sflag:s18] =	ssyncset.done $0x0  }
0x75: {  	s31 =	simm.s32 $0x15480;
	[sflag:s18] =	ssyncadd.s32 $0xFFFFC180  }
0x76: {  	[spmem:s2] =	stream.indirect.scatter.add.f32 [tilespmem:s16], [sflag:$0x3], $0x80, s31, s14, $0xb8;
	[tilespmem:$0x1E800] =	vst v63  }
0x77: {  	_ =	swait.ge [sflag:s11], $0x3E80  }
0x78: {  	s26 =	simm.s32 $0x100;
	s28 =	simm.s32 $0x800;
	[sflag:s11] =	ssyncset.done $0x0  }
.LBB2_4:
0x79: {  	s29 =	sadd.s32 $0x14080, s26  }
0x7a: {  	[sflag:s11] =	ssyncadd.s32 $0xFFFFC180;
	s30 =	smov.u32 s28;
	s31 =	sadd.s32 $0x400, s28  }
0x7b: {  	[tilespmem:s16], [sflag:$0x2] =	stream.indirect.gather [hbm4b:s4+s14], $0x80, s29, s14, $0xb8;
	[tilespmem:$0x1E800] =	vst v63  }
0x7c: {  	p0 =	sne.s32 s28, $0x4800;
	_ =	swait.ge [sflag:s17], $0x3E80  }
0x7d: {  	[sflag:s17] =	ssyncset.done $0x0  }
0x7e: {  	s28 =	sadd.s32 $0x15400, s26;
	[sflag:s17] =	ssyncadd.s32 $0xFFFFC180  }
0x7f: {  	[spmem:s2] =	stream.indirect.scatter.add.f32 [tilespmem:s15], [sflag:$0x3], $0x80, s28, s14, $0xb8;
	[tilespmem:$0x1E800] =	vst v63  }
0x80: {  	_ =	swait.ge [sflag:s11], $0x3E80  }
0x81: {  	[sflag:s11] =	ssyncset.done $0x0  }
0x82: {  	s28 =	sadd.s32 $0x14100, s26;
	[sflag:s11] =	ssyncadd.s32 $0xFFFFC180  }
0x83: {  	[tilespmem:s15], [sflag:$0x1] =	stream.indirect.gather [hbm4b:s4+s14], $0x80, s28, s14, $0xb8;
	[tilespmem:$0x1E800] =	vst v63  }
0x84: {  	_ =	swait.ge [sflag:s18], $0x3E80  }
.Ltmp1:
0x85: {  	[sflag:s18] =	ssyncset.done $0x0;
	(pc) =	sbr.rel @p0 .LBB2_4-.Ltmp1, $4  }
0x86: {  	s26 =	sadd.s32 $0x15480, s26;
	[sflag:s18] =	ssyncadd.s32 $0xFFFFC180  }
0x87: {  	[spmem:s2] =	stream.indirect.scatter.add.f32 [tilespmem:s16], [sflag:$0x3], $0x80, s26, s14, $0xb8;
	[tilespmem:$0x1E800] =	vst v63  }
0x88: {  	_ =	swait.ge [sflag:s11], $0x3E80  }
0x89: {  	s28 =	smov.u32 s31;
	s26 =	sshra.s32 s30, $0x2;
	[sflag:s11] =	ssyncset.done $0x0  }
0x8a: {  	s28 =	sadd.s32 $0x14080, s26;
	[sflag:s11] =	ssyncadd.s32 $0xFFFFC180  }
0x8b: {  	[tilespmem:s16], [sflag:$0x2] =	stream.indirect.gather [hbm4b:s4+s14], $0x80, s28, s14, $0xb8;
	[tilespmem:$0x1E800] =	vst v63  }
0x8c: {  	_ =	swait.ge [sflag:s17], $0x3E80  }
0x8d: {  	[sflag:s17] =	ssyncset.done $0x0  }
0x8e: {  	s29 =	sadd.s32 $0x15400, s26;
	[sflag:s17] =	ssyncadd.s32 $0xFFFFC180  }
0x8f: {  	[spmem:s2] =	stream.indirect.scatter.add.f32 [tilespmem:s15], [sflag:$0x3], $0x80, s29, s14, $0xb8;
	[tilespmem:$0x1E800] =	vst v63  }
0x90: {  	_ =	swait.ge [sflag:s11], $0x3E80  }
0x91: {  	[sflag:s11] =	ssyncset.done $0x0  }
0x92: {  	s30 =	sadd.s32 $0x14100, s26;
	[sflag:s11] =	ssyncadd.s32 $0xFFFFC180  }
0x93: {  	[tilespmem:s15], [sflag:$0x1] =	stream.indirect.gather [hbm4b:s4+s14], $0x80, s30, s14, $0xb8;
	[tilespmem:$0x1E800] =	vst v63  }
0x94: {  	_ =	swait.ge [sflag:s18], $0x3E80  }
0x95: {  	[sflag:s18] =	ssyncset.done $0x0  }
0x96: {  	s31 =	sadd.s32 $0x15480, s26;
	[sflag:s18] =	ssyncadd.s32 $0xFFFFC180  }
0x97: {  	[spmem:s2] =	stream.indirect.scatter.add.f32 [tilespmem:s16], [sflag:$0x3], $0x80, s31, s14, $0xb8;
	[tilespmem:$0x1E800] =	vst v63  }
0x98: {  	_ =	swait.ge [sflag:s11], $0x3E80  }
0x99: {  	[sflag:s11] =	ssyncset.done $0x0  }
0x9a: {  	[sflag:s11] =	ssyncadd.s32 $0xFFFFC180  }
0x9b: {  	[tilespmem:s16], [sflag:$0x2] =	stream.indirect.gather [hbm4b:s4+s14], $0x80, s19, s14, $0xb8;
	[tilespmem:$0x1E800] =	vst v63  }
0x9c: {  	_ =	swait.ge [sflag:s17], $0x3E80  }
0x9d: {  	[sflag:s17] =	ssyncset.done $0x0  }
0x9e: {  	[sflag:s17] =	ssyncadd.s32 $0xFFFFC180  }
0x9f: {  	[spmem:s2] =	stream.indirect.scatter.add.f32 [tilespmem:s15], [sflag:$0x3], $0x80, s20, s14, $0xb8;
	[tilespmem:$0x1E800] =	vst v63  }
0xa0: {  	_ =	swait.ge [sflag:s11], $0x3E80  }
0xa1: {  	[sflag:s11] =	ssyncset.done $0x0  }
0xa2: {  	[sflag:s11] =	ssyncadd.s32 $0xFFFFC180  }
0xa3: {  	_ =	swait.ge [sflag:s18], $0x3E80  }
0xa4: {  	[sflag:s18] =	ssyncset.done $0x0  }
0xa5: {  	[sflag:s18] =	ssyncadd.s32 $0xFFFFC180  }
0xa6: {  	[spmem:s2] =	stream.indirect.scatter.add.f32 [tilespmem:s16], [sflag:$0x3], $0x80, s21, s14, $0xb8;
	[tilespmem:$0x1E800] =	vst v63  }
0xa7: {  	_ =	swait.ge [sflag:s11], $0x3E80  }
0xa8: {  	s25 =	sadd.s32 $0x1, s25;
	[sflag:s11] =	ssyncset.done $0x0  }
0xa9: {  	p0 =	sne.s32 s25, s9;
	[sflag:s11] =	ssyncadd.s32 $0xFFFFC180  }
.Ltmp2:
0xaa: {  	[bflag:$0x0] =	sbarrier.arrive $0xFFFF;
	(pc) =	sbr.rel @p0 .LBB2_1-.Ltmp2, $4  }
0xab: {  	[hbm:s24], [sflag:s6] =	dma.local [spmem:s10], $0x2800  }
0xac: {  	_ =	swait.ge [sflag:s11], $0x2800  }
0xad: {  	[sflag:s11] =	ssyncset.done $0x0  }
0xae: {  	[sflag:s11] =	ssyncadd.s32 $0xFFFFD800  }
0xaf: {  	_ =	sfence.sel $0x180000  }
0xb0: {  	[bflag:$0x0] =	sbarrier.arrive $0xFFFF  }
0xb1: {  	p0 =	sne.s32 s0, $0x0;
	_ =	strace $0x9000004D  }
0xb2: {  	s0 =	sadd.s32 @!p0 $0x100000, s1;
	[bflag:$0x2] =	sbarrier.arrive $0xFFFF  }
0xb3: {  	[sflag:s0] =	ssyncadd.tile.s32 @!p0 $0x1;
	_ =	shalt  }
.Lfunc_end2:
_tile_overlayer_lowered:
.L_overlay_start_2:
0xb4: {  	(tag) =	ssettag $0x2  }
0xb5: {  	s0 =	rddreg [dreg:$0x0];
	s2 =	stileid.u32  }
0xb6: {  	s1 =	rddreg [dreg:$0x1];
	p0 =	sne.s32 s2, $0x0  }
0xb7: {  	s3 =	rddreg [dreg:$0x2];
	[bflag:$0x3] =	sbarrier.arrive $0xFFFF;
	s2 =	simm.s32 @!p0 $0x1C03  }
0xb8: {  	[timem:s3], [sflag:s2] =	dma.local @!p0 [hbm:s0], s1  }
0xb9: {  	s0 =	simm.s32 @!p0 $0x3  }
0xba: {  	_ =	swait.ge @!p0 [sflag:s0], s1  }
0xbb: {  	s1 =	ssub.s32 @!p0 $0x0, s1;
	[sflag:s0] =	ssyncset.done @!p0 $0x0  }
0xbc: {  	[sflag:s0] =	ssyncadd.s32 @!p0 s1  }
0xbd: {  	[bflag:$0x3] =	sbarrier.arrive $0xFFFF  }
0xbe: {  	_ =	shalt  }

// kernel: kernel.21.cloned.1.call-start
scs
__scs_entry_jumppad:
0x0: {  	(pc) =	sbr.rel $0x88, $3  }
0x1: {  	(tag) =	ssettag $0x0;
	lr =	simm.s32 $0x1  }
0x2: {  	[smem:$0x3F94] =	sst lr;
	_ =	strace $0xD0000000  }
0x3: {  	_ = 	snop  }
0x4: {  	_ = 	snop  }
0x5: {  	_ = 	snop  }
0x6: {  	_ = 	snop  }
0x7: {  	_ = 	snop  }
__scs_overlays_trampoline_lowered:
0x8: {  	[smem:$0x3FA3] =	sst s0  }
0x9: {  	[smem:$0x3FA4] =	sst s1  }
0xa: {  	[smem:$0x3FA5] =	sst s2  }
0xb: {  	[smem:$0x3FA6] =	sst s3  }
0xc: {  	[smem:$0x3FA7] =	sst s4  }
0xd: {  	[smem:$0x3FA8] =	sst s5  }
0xe: {  	[smem:$0x3FA9] =	sst s6  }
0xf: {  	[smem:$0x3FAA] =	sst s7  }
0x10: {  	[smem:$0x3FAB] =	sst s8  }
0x11: {  	[smem:$0x3FAC] =	sst s9;
	s0 =	simm.s32 @!p0 $0x0  }
0x12: {  	s1 =	sld [smem:$0x3F92];
	s0 =	simm.s32 @p0 $0x1  }
0x13: {  	[smem:$0x3FAD] =	sst s0;
	s0 =	simm.s32 @!p1 $0x0  }
0x14: {  	s2 =	sld [smem:$0x3F91];
	s0 =	simm.s32 @p1 $0x1  }
0x15: {  	[smem:$0x3FAE] =	sst s0;
	s0 =	simm.s32 @!p2 $0x0  }
0x16: {  	s3 =	sld [smem:$0x3FDB];
	s0 =	simm.s32 @p2 $0x1  }
0x17: {  	s4 =	simm.s32 $0x1BF5;
	[smem:$0x3FB0] =	sst s0  }
0x18: {  	s0 =	sld [smem:$0x3F93];
	_ =	swait.ge [sflag:s4], $0x0  }
0x19: {  	s7 =	sld [smem:$0x3F94]  }
0x1a: {  	s8 =	sadd.s32 $0xFFFFE003, lr  }
0x1b: {  	s9 =	sadd.s32 $0xFFFFFEF7, lr;
	s5 =	simm.s32 $0xFFFFFFFF;
	p2 =	slt.u32 s8, $0xFFFFF086  }
0x1c: {  	p1 =	slt.u32 s9, $0xF7A;
	s5 =	simm.s32 @!p2 $0x0  }
0x1d: {  	s5 =	simm.s32 @p1 $0x1;
	p0 =	seq.s32 s7, s2  }
0x1e: {  	s7 =	smul.u32 @!p0 $0xF7A, s2;
	p2 =	seq.s32 @!p0 s5, $0x0  }
0x1f: {  	s9 =	smul.u32 $0xF7A, s1;
	s8 =	simm.s32 @!p0 $0x1BF5;
	p2 =	por !p2, p0  }
0x20: {  	[sflag:s8] =	ssyncset.s32 @!p0 $0xFFFFF086;
	s6 =	sadd.s32 @!p0 s3, s7;
	s7 =	simm.s32 @!p0 $0x108  }
0x21: {  	s3 =	sadd.s32 s3, s9;
	s6 =	sadd.s32 @!p0 $0x88, s6;
	s7 =	simm.s32 @p2 $0x1082  }
0x22: {  	[simem:s7], [sflag:s8] =	dma.local @!p0 [hbm:s6], $0xF7A  }
0x23: {  	s9 =	sor.u32 $0xD0000000, s2;
	s6 =	simm.s32 $0x108;
	_ =	swait.ge @!p0 [sflag:s8], $0x0  }
0x24: {  	s3 =	sadd.s32 $0x88, s3;
	s6 =	simm.s32 @!p1 $0x1082;
	[sflag:s4] =	ssyncset.s32 $0xFFFFF086  }
0x25: {  	[simem:s6], [sflag:s4] =	dma.local [hbm:s3], $0xF7A  }
0x26: {  	[smem:$0x3F94] =	sst s1;
	(tag) =	ssettag s2;
	_ =	strace s9  }
0x27: {  	s1 =	sld [smem:$0x3FA4]  }
0x28: {  	s2 =	sld [smem:$0x3FA5]  }
0x29: {  	s4 =	sld [smem:$0x3FA7]  }
0x2a: {  	p0 =	seq.s32 s5, $0x0;
	s5 =	sld [smem:$0x3FA8]  }
0x2b: {  	s6 =	sld [smem:$0x3FA9]  }
0x2c: {  	s7 =	sld [smem:$0x3FAA]  }
0x2d: {  	s3 =	simm.s32 $0x108;
	s8 =	sld [smem:$0x3FAB]  }
0x2e: {  	s3 =	simm.s32 @!p0 $0x1082;
	s9 =	sld [smem:$0x3FAC]  }
0x2f: {  	lr =	sadd.s32 s0, s3;
	s0 =	sld [smem:$0x3FA3]  }
0x30: {  	s3 =	sld [smem:$0x3FA6]  }
0x31: {  	[smem:$0x3FAF] =	sst s10  }
0x32: {  	s10 =	sld [smem:$0x3FAD];
	_ =	sdelay $0x3  }
0x33: {  	p0 =	seq.s32 s10, $0x1;
	s10 =	sld [smem:$0x3FAF];
	_ =	sdelay $0x3  }
0x34: {  	[smem:$0x3FAF] =	sst s10  }
0x35: {  	s10 =	sld [smem:$0x3FAE];
	_ =	sdelay $0x3  }
0x36: {  	p1 =	seq.s32 s10, $0x1;
	s10 =	sld [smem:$0x3FAF];
	_ =	sdelay $0x3  }
0x37: {  	[smem:$0x3FAF] =	sst s10  }
0x38: {  	s10 =	sld [smem:$0x3FB0]  }
0x39: {  	_ = 	snop;
	(pc) =	sbr.ind lr, $3  }
0x3a: {  	_ = 	snop  }
0x3b: {  	_ = 	snop  }
0x3c: {  	p2 =	seq.s32 s10, $0x1;
	s10 =	sld [smem:$0x3FAF]  }
0x3d: {  	_ =	shalt  }
0x3e: {  	_ =	shalt  }
0x3f: {  	_ =	shalt  }
0x40: {  	_ =	shalt  }
0x41: {  	_ =	shalt  }
0x42: {  	_ =	shalt  }
0x43: {  	_ =	shalt  }
0x44: {  	_ =	shalt  }
0x45: {  	_ =	shalt  }
0x46: {  	_ =	shalt  }
0x47: {  	_ =	shalt  }
0x48: {  	_ =	shalt  }
0x49: {  	_ =	shalt  }
0x4a: {  	_ =	shalt  }
0x4b: {  	_ =	shalt  }
0x4c: {  	_ =	shalt  }
0x4d: {  	_ =	shalt  }
0x4e: {  	_ =	shalt  }
0x4f: {  	_ =	shalt  }
0x50: {  	_ =	shalt  }
0x51: {  	_ =	shalt  }
0x52: {  	_ =	shalt  }
0x53: {  	_ =	shalt  }
0x54: {  	_ =	shalt  }
0x55: {  	_ =	shalt  }
0x56: {  	_ =	shalt  }
0x57: {  	_ =	shalt  }
0x58: {  	_ =	shalt  }
0x59: {  	_ =	shalt  }
0x5a: {  	_ =	shalt  }
0x5b: {  	_ =	shalt  }
0x5c: {  	_ =	shalt  }
0x5d: {  	_ =	shalt  }
0x5e: {  	_ =	shalt  }
0x5f: {  	_ =	shalt  }
0x60: {  	_ =	shalt  }
0x61: {  	_ =	shalt  }
0x62: {  	_ =	shalt  }
0x63: {  	_ =	shalt  }
0x64: {  	_ =	shalt  }
0x65: {  	_ =	shalt  }
0x66: {  	_ =	shalt  }
0x67: {  	_ =	shalt  }
0x68: {  	_ =	shalt  }
0x69: {  	_ =	shalt  }
0x6a: {  	_ =	shalt  }
0x6b: {  	_ =	shalt  }
0x6c: {  	_ =	shalt  }
0x6d: {  	_ =	shalt  }
0x6e: {  	_ =	shalt  }
0x6f: {  	_ =	shalt  }
0x70: {  	_ =	shalt  }
0x71: {  	_ =	shalt  }
0x72: {  	_ =	shalt  }
0x73: {  	_ =	shalt  }
0x74: {  	_ =	shalt  }
0x75: {  	_ =	shalt  }
0x76: {  	_ =	shalt  }
0x77: {  	_ =	shalt  }
0x78: {  	_ =	shalt  }
0x79: {  	_ =	shalt  }
0x7a: {  	_ =	shalt  }
0x7b: {  	_ =	shalt  }
0x7c: {  	_ =	shalt  }
0x7d: {  	_ =	shalt  }
0x7e: {  	_ =	shalt  }
0x7f: {  	_ =	shalt  }
0x80: {  	_ =	shalt  }
0x81: {  	_ =	shalt  }
0x82: {  	_ =	shalt  }
0x83: {  	_ =	shalt  }
0x84: {  	_ =	shalt  }
0x85: {  	_ =	shalt  }
0x86: {  	_ =	shalt  }
0x87: {  	_ =	shalt  }
.Lfunc_end0:
.L_simem_size_0:
called_computation.3_lowered:
.L_overlay_start_0:
0x88: {  	s2 =	sld [smem:$0x3FD9]  }
0x89: {  	s3 =	sld [smem:$0x3FFE];
	_ =	sdelay $0x1  }
0x8a: {  	s1 =	srdreg.scid  }
0x8b: {  	s0 =	sand.u32 $0x1, s1  }
0x8c: {  	s17 =	sshll.u32 s0, $0xA;
	s2 =	sadd.s32 s3, s2  }
0x8d: {  	s2 =	sadd.s32 s2, s17  }
0x8e: {  	[smem:$0x3FBB] =	sst s2  }
0x8f: {  	_ = 	snop  }
0x90: {  	s2 =	sld [smem:$0x3FC7]  }
0x91: {  	s18 =	sld [smem:$0x3FD0];
	(tm) =	ssettm $0x1  }
0x92: {  	s4 =	sld [smem:$0x3FFB];
	_ =	sdelay $0x3  }
0x93: {  	_ =	strace s4  }
0x94: {  	s4 =	sld [smem:$0x3FFC];
	_ =	sdelay $0x3  }
0x95: {  	_ =	strace s4  }
0x96: {  	s4 =	sld [smem:$0x3FFD];
	_ =	sdelay $0x3  }
0x97: {  	_ =	strace s4  }
0x98: {  	_ =	strace $0x8FFFFFFF  }
0x99: {  	s19 =	sld [smem:$0x3FDB];
	_ =	sdelay $0x1  }
0x9a: {  	s5 =	simm.s32 $_scs_section_size  }
0x9b: {  	s6 =	simm.s32 $_size__tile_overlayer_lowered;
	s7 =	simm.s32 $_tile_overlayer_lowered  }
0x9c: {  	s22 =	simm.s32 $0x1BFF;
	s21 =	sshll.u32 s7, $0x1;
	s4 =	sadd.s32 s5, s19  }
0x9d: {  	s8 =	simm.s32 $0x0;
	s20 =	sshll.u32 s6, $0x1;
	s6 =	sadd.s32 s21, s4  }
0x9e: {  	[timem:s8], [sflag:s22] =	dma.local [hbm:s6], s20  }
0x9f: {  	_ =	swait.ge [sflag:s22], s20  }
0xa0: {  	s5 =	ssub.s32 $0x0, s20;
	[sflag:s22] =	ssyncset.done $0x0  }
0xa1: {  	[sflag:s22] =	ssyncadd.s32 s5;
	_ =	sdelay $0x1  }
0xa2: {  	s23 =	simm.s32 $0x1B8B  }
0xa3: {  	_ =	swait.ge [sflag:s23], $0x1  }
0xa4: {  	[sflag:s23] =	ssyncset.done $0x0  }
0xa5: {  	s25 =	simm.s32 $0x1B8E;
	s24 =	sld [smem:$0x3FFE];
	[sflag:s23] =	ssyncadd.s32 $0xFFFFFFFF  }
0xa6: {  	s26 =	simm.s32 $execute0_lowered;
	[smem:$0x3FD2] =	sst s25  }
0xa7: {  	s6 =	sshll.u32 s26, $0x1;
	_ =	strace $0x8000004F;
	[dreg:$0x1] =	wrdreg $0xFFFFFFFF  }
0xa8: {  	s28 =	simm.s32 $_size_execute0_lowered;
	s4 =	sadd.s32 s4, s6;
	[dreg:$0x0] =	wrdreg $0x0  }
0xa9: {  	s6 =	sshll.u32 s28, $0x1;
	[dreg:$0x2] =	wrdreg s4  }
0xaa: {  	[dreg:$0x3] =	wrdreg s6  }
0xab: {  	[dreg:$0x4] =	wrdreg $0xC0  }
0xac: {  	_ =	task [dreg:s8], $0x5FFFF  }
0xad: {  	[dreg:$0x1] =	wrdreg $0xFFFFFFFF  }
0xae: {  	[dreg:$0x0] =	wrdreg $0x60  }
0xaf: {  	[dreg:$0x2] =	wrdreg s24  }
0xb0: {  	[dreg:$0x3] =	wrdreg s2  }
0xb1: {  	[dreg:$0x4] =	wrdreg s18  }
0xb2: {  	[dreg:$0x5] =	wrdreg $0x9  }
0xb3: {  	_ =	task.clear_ibuf [dreg:s8], $0x6FFFF;
	_ =	strace $0x9000004F  }
0xb4: {  	s29 =	simm.s32 $0x9;
	_ =	strace $0x80000051  }
0xb5: {  	_ =	swait.ge [sflag:s29], $0x1  }
0xb6: {  	[sflag:s29] =	ssyncadd.s32 $0xFFFFFFFF  }
0xb7: {  	_ =	strace $0x90000051  }
0xb8: {  	_ =	sfence  }
0xb9: {  	s30 =	sld [smem:$0x0];
	_ =	sdelay $0x2  }
0xba: {  	s31 =	sshll.u32 s1, $0xD;
	s1 =	sshrl.u32 s1, $0x2  }
0xbb: {  	s3 =	sand.u32 $0x4000, s31;
	s1 =	sadd.s32 s1, s30  }
0xbc: {  	s0 =	sor.u32 s3, s0;
	s1 =	sshll.u32 s1, $0x11  }
0xbd: {  	s0 =	sor.u32 s1, s0  }
0xbe: {  	s0 =	sadd.s32 $0x8F2B, s0  }
0xbf: {  	[sflag:s0] =	ssyncadd.remote.s32 $0x1  }
0xc0: {  	_ =	sfence.sel $0xFFFF  }
0xc1: {  	[dreg:$0x0] =	wrdreg $0xFFFFFFFF;
	(pc) =	sbr.abs _section_cstart, $3  }
0xc2: {  	[dreg:$0x1] =	wrdreg $0xFFFFFFFF  }
0xc3: {  	_ =	task.clear_ibuf [dreg:s8], $0x2FFFF;
	_ =	strace $0x9FFFFFFF  }
0xc4: {  	(tm) =	ssettm $0x7FFFFFFF  }
0xc5: {  	_ =	shalt  }
tec
execute0_lowered:
.L_overlay_start_1:
0x0: {  	(tag) =	ssettag $0x1  }
0x1: {  	s5 =	rddreg [dreg:$0x0]  }
0x2: {  	s1 =	srdreg.scid;
	s3 =	rddreg [dreg:$0x1]  }
0x3: {  	s0 =	stileid.u32;
	s8 =	rddreg [dreg:$0x2];
	s6 =	sand.u32 $0x1, s1  }
0x4: {  	s2 =	simm.s32 $0x0;
	s4 =	sshll.u32 s0, $0x8;
	s7 =	sshll.u32 s6, $0x7  }
0x5: {  	[smem:$0x7FF] =	sst s2;
	s9 =	sor.u32 s7, s4  }
0x6: {  	s1 =	rddreg [dreg:$0x3];
	_ =	strace $0x80000050;
	s4 =	sshrl.u32 s9, $0x3  }
0x7: {  	s10 =	ssub.s32 $0x2, s6;
	s4 =	sadd.s32 s3, s4;
	s3 =	simm.s32 $0x2  }
0x8: {  	[tilespmem:s2], [sflag:$0x2] =	stream.linear.gather [hbm4b:s4+s2], $0x80, $0x38;
	[tilespmem:$0x4080] =	vst v63  }
0x9: {  	s5 =	sadd.s32 $0x3A00, s5;
	s11 =	sshrl.u32 s10, $0x1;
	_ =	swait.ge [sflag:s3], $0x80  }
0xa: {  	s6 =	simm.s32 $0x80;
	s10 =	ssub.s32 s10, s11;
	[sflag:s3] =	ssyncset.done $0x0  }
0xb: {  	s7 =	simm.s32 $0x1;
	s31 =	smax.u32 s10, $0x1;
	[sflag:s3] =	ssyncadd.s32 $0xFFFFFF80  }
0xc: {  	[tilespmem:s6], [sflag:$0x1] =	stream.indirect.gather [hbm4b:s5+s6], $0x80, s2, s6, $0xb8;
	[tilespmem:$0x4080] =	vst v63  }
0xd: {  	p0 =	sne.s32 s31, $0x1;
	_ =	swait.ge [sflag:s7], $0x4000  }
.Ltmp0:
0xe: {  	s9 =	sshll.u32 s9, $0x4;
	[sflag:s7] =	ssyncset.done $0x0;
	(pc) =	sbr.rel @!p0 .LBB2_2-.Ltmp0, $4  }
0xf: {  	s8 =	sadd.s32 s8, s9;
	[sflag:s7] =	ssyncadd.s32 $0xFFFFC000  }
0x10: {  	[hbm4b:s8+s2] =	stream.linear.scatter [tilespmem:s6], [sflag:$0x2], $0x4000, $0x38;
	[tilespmem:$0x4080] =	vst v63  }
0x11: {  	_ =	swait.ge [sflag:s3], $0x4000  }
0x12: {  	s9 =	sadd.s32 $0xFFFFFFFF, s31;
	[sflag:s3] =	ssyncset.done $0x0  }
.LBB2_1:
0x13: {  	p0 =	sne.s32 s9, $0x1;
	s9 =	sadd.s32 $0xFFFFFFFF, s9;
	[sflag:s3] =	ssyncadd.s32 $0xFFFFC000  }
0x14: {  	[tilespmem:s2], [sflag:$0x2] =	stream.linear.gather [hbm4b:s4+s2], $0x80, $0x38;
	[tilespmem:$0x4080] =	vst v63  }
0x15: {  	_ =	swait.ge [sflag:s3], $0x80  }
0x16: {  	[sflag:s3] =	ssyncset.done $0x0  }
0x17: {  	[sflag:s3] =	ssyncadd.s32 $0xFFFFFF80  }
0x18: {  	[tilespmem:s6], [sflag:$0x1] =	stream.indirect.gather [hbm4b:s5+s6], $0x80, s2, s6, $0xb8;
	[tilespmem:$0x4080] =	vst v63  }
0x19: {  	_ =	swait.ge [sflag:s7], $0x4000  }
.Ltmp1:
0x1a: {  	[sflag:s7] =	ssyncset.done $0x0;
	(pc) =	sbr.rel @p0 .LBB2_1-.Ltmp1, $4  }
0x1b: {  	[sflag:s7] =	ssyncadd.s32 $0xFFFFC000  }
0x1c: {  	[hbm4b:s8+s2] =	stream.linear.scatter [tilespmem:s6], [sflag:$0x2], $0x4000, $0x38;
	[tilespmem:$0x4080] =	vst v63  }
0x1d: {  	_ =	swait.ge [sflag:s3], $0x4000  }
0x1e: {  	[sflag:s3] =	ssyncset.done $0x0  }
.LBB2_2:
0x1f: {  	[sflag:s3] =	ssyncadd.s32 $0xFFFFC000  }
0x20: {  	_ =	sfence.sel $0x180000  }
0x21: {  	[bflag:$0x0] =	sbarrier.arrive $0xFFFF  }
0x22: {  	p0 =	sne.s32 s0, $0x0;
	_ =	strace $0x90000050  }
0x23: {  	s0 =	sadd.s32 @!p0 $0x100000, s1;
	[bflag:$0x2] =	sbarrier.arrive $0xFFFF  }
0x24: {  	[sflag:s0] =	ssyncadd.tile.s32 @!p0 $0x1;
	_ =	shalt  }
.Lfunc_end2:
_tile_overlayer_lowered:
.L_overlay_start_2:
0x25: {  	(tag) =	ssettag $0x2  }
0x26: {  	s0 =	rddreg [dreg:$0x0];
	s2 =	stileid.u32  }
0x27: {  	s1 =	rddreg [dreg:$0x1];
	p0 =	sne.s32 s2, $0x0  }
0x28: {  	s3 =	rddreg [dreg:$0x2];
	[bflag:$0x3] =	sbarrier.arrive $0xFFFF;
	s2 =	simm.s32 @!p0 $0x1C02  }
0x29: {  	[timem:s3], [sflag:s2] =	dma.local @!p0 [hbm:s0], s1  }
0x2a: {  	s0 =	simm.s32 @!p0 $0x2  }
0x2b: {  	_ =	swait.ge @!p0 [sflag:s0], s1  }
0x2c: {  	s1 =	ssub.s32 @!p0 $0x0, s1;
	[sflag:s0] =	ssyncset.done @!p0 $0x0  }
0x2d: {  	[sflag:s0] =	ssyncadd.s32 @!p0 s1  }
0x2e: {  	[bflag:$0x3] =	sbarrier.arrive $0xFFFF  }
0x2f: {  	_ =	shalt  }

</sc_bundles>
